<compile_context>
chip_gen: v7x
topology: tpu7x:2x2x1
jax: 0.10.2.dev20260603
libtpu: 0.0.44.dev20260713+nightly
codegen_flags: <defaults>
</compile_context>

<pallas_src>
import jax
import jax.numpy as jnp
from jax import lax
from jax.experimental import pallas as pl
from jax.experimental.pallas import tpu as pltpu
from jax.experimental.pallas import tpu_sc as plsc

NC = 2
NS = 16
NW = NC * NS
EB = 128
C0_FRAC = 0.55


def _split(e):
    ksum = -(-e // (NS * EB))
    ksum += ksum % 2
    k0 = 2 * int(round(C0_FRAC * ksum / 2))
    k0 = min(max(k0, 2), ksum - 2)
    return k0, ksum - k0



def _tile_range(c, s, k0, k1):
    is0 = c == 0
    nb = jnp.where(is0, k0, k1)
    base = jnp.where(is0, s * k0, NS * k0 + s * k1)
    return base, nb


def _sc_deg(k0, k1, n_pad):
    rows_per_tile = n_pad // NS
    kmax = max(k0, k1)
    mesh = plsc.VectorSubcoreMesh(core_axis_name="c", subcore_axis_name="s")

    def body(ones_hbm, ei_hbm, zeros_hbm, out_hbm, dst_v, ones_v, acc_sh):
        c = lax.axis_index("c")
        s = lax.axis_index("s")
        base, nb = _tile_range(c, s, k0, k1)
        r0 = pl.multiple_of(s * rows_per_tile, 8)
        pltpu.sync_copy(zeros_hbm.at[pl.ds(r0, rows_per_tile)],
                        acc_sh.at[pl.ds(r0, rows_per_tile)])
        pltpu.sync_copy(ones_hbm, ones_v)
        pltpu.sync_copy(ei_hbm.at[1, pl.ds(base, kmax)], dst_v)
        plsc.subcore_barrier()

        def step(j, carry):
            pltpu.sync_copy(ones_v, acc_sh.at[dst_v.at[j]], add=True)
            return carry

        lax.fori_loop(0, nb, step, 0)
        plsc.subcore_barrier()
        pltpu.sync_copy(acc_sh.at[pl.ds(r0, rows_per_tile)],
                        out_hbm.at[c, pl.ds(r0, rows_per_tile), pl.ds(0, 8)])

    return pl.kernel(
        body,
        out_type=jax.ShapeDtypeStruct((NC, n_pad, 128), jnp.float32),
        mesh=mesh,
        compiler_params=pltpu.CompilerParams(use_tc_tiling_on_sc=False),
        scratch_types=[
            pltpu.VMEM((kmax, EB), jnp.int32),
            pltpu.VMEM((EB, 8), jnp.float32),
            pltpu.VMEM_SHARED((n_pad, 8), jnp.float32),
        ],
    )


def _sc_agg(k0, k1, F, n_pad):
    rows_per_tile = n_pad // NS
    kmax = max(k0, k1)
    mesh = plsc.VectorSubcoreMesh(core_axis_name="c", subcore_axis_name="s")

    def body(p_hbm, ei_hbm, zeros_hbm, out_hbm,
             src_v, dst_v, rows0_v, rows1_v, acc_sh,
             sg0, sg1, ss0, ss1):
        c = lax.axis_index("c")
        s = lax.axis_index("s")
        base, nb = _tile_range(c, s, k0, k1)
        r0 = pl.multiple_of(s * rows_per_tile, 8)
        pltpu.sync_copy(zeros_hbm.at[pl.ds(r0, rows_per_tile)],
                        acc_sh.at[pl.ds(r0, rows_per_tile)])
        pltpu.sync_copy(ei_hbm.at[0, pl.ds(base, kmax)], src_v)
        pltpu.sync_copy(ei_hbm.at[1, pl.ds(base, kmax)], dst_v)
        plsc.subcore_barrier()

        rows = (rows0_v, rows1_v)
        sgs = (sg0, sg1)
        sss = (ss0, ss1)

        def gath(j, slot):
            return pltpu.make_async_copy(p_hbm.at[src_v.at[j]], rows[slot],
                                         sgs[slot])

        def scat(j, slot):
            return pltpu.async_copy(rows[slot], acc_sh.at[dst_v.at[j]],
                                    sss[slot], add=True)

        def scat_wait(j, slot):
            pltpu.make_async_copy(rows[slot], acc_sh.at[dst_v.at[j]],
                                  sss[slot]).wait()

        gath(0, 0).start()
        gath(1, 1).start()

        def step(g, carry):
            j = g * 2
            gath(j, 0).wait()
            scat(j, 0)
            gath(j + 1, 1).wait()
            scat(j + 1, 1)

            @pl.when(j + 2 < nb)
            def _():
                scat_wait(j, 0)
                gath(j + 2, 0).start()

            @pl.when(j + 3 < nb)
            def _():
                scat_wait(j + 1, 1)
                gath(j + 3, 1).start()

            return carry

        lax.fori_loop(0, nb // 2, step, 0)
        scat_wait(nb - 2, 0)
        scat_wait(nb - 1, 1)
        plsc.subcore_barrier()
        pltpu.sync_copy(acc_sh.at[pl.ds(r0, rows_per_tile)],
                        out_hbm.at[c, pl.ds(r0, rows_per_tile), pl.ds(0, F)])

    return pl.kernel(
        body,
        out_type=jax.ShapeDtypeStruct((NC, n_pad, 128), jnp.float32),
        mesh=mesh,
        compiler_params=pltpu.CompilerParams(use_tc_tiling_on_sc=False),
        scratch_types=[
            pltpu.VMEM((kmax, EB), jnp.int32),
            pltpu.VMEM((kmax, EB), jnp.int32),
            pltpu.VMEM((EB, F), jnp.float32),
            pltpu.VMEM((EB, F), jnp.float32),
            pltpu.VMEM_SHARED((n_pad, F), jnp.float32),
            pltpu.SemaphoreType.DMA,
            pltpu.SemaphoreType.DMA,
            pltpu.SemaphoreType.DMA,
            pltpu.SemaphoreType.DMA,
        ],
    )



def _tc_first(n, n_pad):

    def body(deg_ref, x_ref, w_ref, dinv_ref, p_ref):
        deg = deg_ref[0, :, 0:8] + deg_ref[1, :, 0:8] + 1.0
        dinv = lax.rsqrt(deg)
        dinv_ref[...] = dinv
        h = jnp.dot(x_ref[...], w_ref[...], preferred_element_type=jnp.float32)
        p_ref[...] = h * dinv[:n, 0:1]

    return pl.pallas_call(
        body,
        out_shape=(jax.ShapeDtypeStruct((n_pad, 8), jnp.float32),
                   jax.ShapeDtypeStruct((n, 16), jnp.float32)),
    )


def _tc_mid1(n, n_pad):

    def body(a_ref, p_ref, dinv_ref, b_ref, out_ref):
        scat = a_ref[0, :n, 0:16] + a_ref[1, :n, 0:16]
        dinv = dinv_ref[:n, 0:1]
        xn = jnp.maximum(dinv * (scat + p_ref[...]) + b_ref[...], 0.0)
        out_ref[...] = xn * dinv

    return pl.pallas_call(
        body,
        out_shape=jax.ShapeDtypeStruct((n, 16), jnp.float32),
    )


def _tc_mid2(n, n_pad):

    def body(a_ref, p_ref, dinv_ref, w2_ref, b2_ref, w3_ref, out_ref):
        scat = a_ref[0, :n, 0:16] + a_ref[1, :n, 0:16]
        dinv = dinv_ref[:n, 0:1]
        sx2 = dinv * (scat + p_ref[...])
        x3 = jnp.maximum(
            jnp.dot(sx2, w2_ref[...], preferred_element_type=jnp.float32)
            + b2_ref[...], 0.0)
        h3 = jnp.dot(x3, w3_ref[...], preferred_element_type=jnp.float32)
        out_ref[...] = h3 * dinv

    return pl.pallas_call(
        body,
        out_shape=jax.ShapeDtypeStruct((n, 16), jnp.float32),
    )


def _tc_last(n, n_pad):

    def body(a_ref, p_ref, dinv_ref, b_ref, wfc_ref, bfc_ref, out_ref):
        scat = a_ref[0, :n, 0:16] + a_ref[1, :n, 0:16]
        dinv = dinv_ref[:n, 0:1]
        xn = jnp.maximum(dinv * (scat + p_ref[...]) + b_ref[...], 0.0)
        ssum = jnp.sum(xn, axis=0, keepdims=True)
        out_ref[...] = (jnp.dot(ssum, wfc_ref[...],
                                preferred_element_type=jnp.float32) / n
                        + bfc_ref[...])

    return pl.pallas_call(
        body,
        out_shape=jax.ShapeDtypeStruct((1, 1), jnp.float32),
    )



def kernel(x, edge_index, W1, b1, W2, b2, W3, b3, Wfc, bfc):
    n = x.shape[0]
    e = edge_index.shape[1]
    n_pad = -(-(n + 1) // 128) * 128
    k0, k1 = _split(e)
    n_trash = n_pad - n
    b_alloc = NS * (k0 + k1) + (max(k0, k1) - min(k0, k1))
    e_pad = b_alloc * EB

    ei = edge_index.astype(jnp.int32)
    pad_i = jnp.arange(e_pad - e, dtype=jnp.int32)
    pad_block = jnp.stack([jnp.zeros((e_pad - e,), jnp.int32),
                           n + pad_i % n_trash])
    ei3 = jnp.concatenate([ei, pad_block], axis=1).reshape(2, b_alloc, EB)

    ones8 = jnp.ones((EB, 8), jnp.float32)
    z8 = jnp.zeros((n_pad, 8), jnp.float32)
    z16 = jnp.zeros((n_pad, 16), jnp.float32)

    degparts = _sc_deg(k0, k1, n_pad)(ones8, ei3, z8)
    dinv, p1 = _tc_first(n, n_pad)(degparts, x, W1)

    a1 = _sc_agg(k0, k1, 16, n_pad)(p1, ei3, z16)
    p2 = _tc_mid1(n, n_pad)(a1, p1, dinv, b1.reshape(1, 16))

    a2 = _sc_agg(k0, k1, 16, n_pad)(p2, ei3, z16)
    p3 = _tc_mid2(n, n_pad)(a2, p2, dinv, W2, b2.reshape(1, 32), W3)

    a3 = _sc_agg(k0, k1, 16, n_pad)(p3, ei3, z16)
    out = _tc_last(n, n_pad)(a3, p3, dinv, b3.reshape(1, 16),
                             Wfc, bfc.reshape(1, 1))
    return out[0, 0]

# --- scband reference (transcript-rebuilt; emitter-appended) ---
"""Pipeline reference for scband-matsim-gnn-40742059770443 (READ-ONLY COPY).

The authoritative reference and input builder live on the scoring server;
editing this copy changes nothing except your own understanding.
"""

import jax, jax.numpy as jnp
import numpy as np

N_NODES = 10000

def gcn_conv(x, edge_index, W, b, num_nodes):
    src = edge_index[0]
    dst = edge_index[1]
    loop = jnp.arange(num_nodes, dtype=src.dtype)
    src = jnp.concatenate([src, loop])
    dst = jnp.concatenate([dst, loop])
    deg = jnp.zeros((num_nodes,), dtype=x.dtype).at[dst].add(1.0)
    dinv = jnp.where(deg > 0, deg ** -0.5, 0.0)
    norm = dinv[src] * dinv[dst]
    h = x @ W
    msg = h[src] * norm[:, None]
    out = jax.ops.segment_sum(msg, dst, num_segments=num_nodes)
    return out + b

def setup_inputs(seed: int = 0) -> dict:
    key = jax.random.key(seed)
    ks = jax.random.split(key, 10)
    x = jax.random.normal(ks[0], (N_NODES, 128), dtype=jnp.float32)
    edge_index = jax.random.randint(ks[1], (2, 320000), 0, N_NODES, dtype=jnp.int64)
    W1 = jax.random.normal(ks[2], (128, 16), dtype=jnp.float32) * 0.05
    b1 = jnp.zeros((16,), dtype=jnp.float32)
    W2 = jax.random.normal(ks[3], (16, 32), dtype=jnp.float32) * 0.1
    b2 = jnp.zeros((32,), dtype=jnp.float32)
    W3 = jax.random.normal(ks[4], (32, 16), dtype=jnp.float32) * 0.1
    b3 = jnp.zeros((16,), dtype=jnp.float32)
    Wfc = jax.random.normal(ks[5], (16, 1), dtype=jnp.float32) * 0.1
    bfc = jnp.zeros((1,), dtype=jnp.float32)
    return {"x": x, "edge_index": edge_index, "W1": W1, "b1": b1, "W2": W2, "b2": b2, "W3": W3, "b3": b3, "Wfc": Wfc, "bfc": bfc}

def reference(x, edge_index, W1, b1, W2, b2, W3, b3, Wfc, bfc):
    num_nodes = x.shape[0]
    h = gcn_conv(x, edge_index, W1, b1, num_nodes)
    h = jax.nn.relu(h)
    h = gcn_conv(h, edge_index, W2, b2, num_nodes)
    h = jax.nn.relu(h)
    h = gcn_conv(h, edge_index, W3, b3, num_nodes)
    h = jax.nn.relu(h)
    out = h @ Wfc + bfc
    return jnp.mean(out)

if __name__ == "__main__":
    import jax
    _d = setup_inputs()
    print(jax.jit(kernel)(*tuple(_d.values())))

</pallas_src>

<mosaic_0001>
#map = affine_map<(d0, d1) -> (0, 0)>
#map1 = affine_map<(d0, d1) -> (0, 0, 0)>
module attributes {stable_mosaic.version = 14 : i64} {
  func.func @body(%arg0: i32, %arg1: i32, %arg2: memref<10000x16xf32, #tpu.memory_space<hbm>>, %arg3: memref<2x2542x128xi32, #tpu.memory_space<hbm>>, %arg4: memref<10112x16xf32, #tpu.memory_space<hbm>>, %arg5: memref<2x10112x128xf32, #tpu.memory_space<hbm>>, %arg6: memref<86x128xi32, #tpu.memory_space<vmem>>, %arg7: memref<86x128xi32, #tpu.memory_space<vmem>>, %arg8: memref<128x16xf32, #tpu.memory_space<vmem>>, %arg9: memref<128x16xf32, #tpu.memory_space<vmem>>, %arg10: memref<10112x16xf32, #tpu.memory_space<vmem_shared>>, %arg11: memref<!tpu.dma_semaphore, #tpu.memory_space<semaphore_mem>>, %arg12: memref<!tpu.dma_semaphore, #tpu.memory_space<semaphore_mem>>, %arg13: memref<!tpu.dma_semaphore, #tpu.memory_space<semaphore_mem>>, %arg14: memref<!tpu.dma_semaphore, #tpu.memory_space<semaphore_mem>>) attributes {dimension_semantics = [#tpu.dimension_semantics<core_parallel>, #tpu.dimension_semantics<subcore_parallel>], iteration_bounds = array<i64: 2, 16>, scalar_prefetch = 0 : i64, scratch_operands = 9 : i64, tpu.core_type = #tpu.core_type<sc_vector_subcore>, window_params = [{transform_indices = #map}, {transform_indices = #map1}, {transform_indices = #map}, {transform_indices = #map1}]} {
    %eq3A = arith.constant 0 : i32
    %eq3A_0 = arith.cmpi eq, %arg0, %eq3A : i32
    %jit3A = arith.constant 86 : i32
    %jit3A_1 = arith.constant 72 : i32
    %select_n3A = arith.select %eq3A_0, %jit3A, %jit3A_1 : i32
    %mul3A = arith.constant 86 : i32
    %mul3A_2 = arith.muli %arg1, %mul3A : i32
    %mul3A_3 = arith.constant 72 : i32
    %mul3A_4 = arith.muli %arg1, %mul3A_3 : i32
    %add3A = arith.constant 1376 : i32
    %add3A_5 = arith.addi %add3A, %mul3A_4 : i32
    %select_n3A_6 = arith.select %eq3A_0, %mul3A_2, %add3A_5 : i32
    %mul3A_7 = arith.constant 632 : i32
    %mul3A_8 = arith.muli %arg1, %mul3A_7 : i32
    %multiple_of3A = tpu.assume_multiple %mul3A_8, 8 : i32
    "tpu.region"() ({
      %run_scoped3A_66 = tpu.sem_alloc : memref<!tpu.dma_semaphore, #tpu.memory_space<semaphore_mem>>
      %dma_start3A_67 = arith.constant 0 : i32
      %dma_start3A_68 = tpu.memref_slice %arg10[%multiple_of3A, %dma_start3A_67] : memref<10112x16xf32, #tpu.memory_space<vmem_shared>> -> memref<632x16xf32, #tpu.memory_space<vmem_shared>>
      %dma_start3A_69 = arith.constant 0 : i32
      %dma_start3A_70 = tpu.memref_slice %arg4[%multiple_of3A, %dma_start3A_69] : memref<10112x16xf32, #tpu.memory_space<hbm>> -> memref<632x16xf32, #tpu.memory_space<hbm>>
      tpu.enqueue_dma source(%dma_start3A_70 : memref<632x16xf32, #tpu.memory_space<hbm>>) target(%dma_start3A_68 : memref<632x16xf32, #tpu.memory_space<vmem_shared>>) target_semaphore(%run_scoped3A_66 : memref<!tpu.dma_semaphore, #tpu.memory_space<semaphore_mem>>)
      %dma_wait3A_71 = arith.constant 0 : i32
      %dma_wait3A_72 = tpu.memref_slice %arg10[%multiple_of3A, %dma_wait3A_71] : memref<10112x16xf32, #tpu.memory_space<vmem_shared>> -> memref<632x16xf32, #tpu.memory_space<vmem_shared>>
      %dma_wait3A_73 = arith.constant 0 : i32
      %dma_wait3A_74 = tpu.memref_slice %arg4[%multiple_of3A, %dma_wait3A_73] : memref<10112x16xf32, #tpu.memory_space<hbm>> -> memref<632x16xf32, #tpu.memory_space<hbm>>
      tpu.wait_dma2 semaphore(%run_scoped3A_66 : memref<!tpu.dma_semaphore, #tpu.memory_space<semaphore_mem>>) src(%dma_wait3A_74 : memref<632x16xf32, #tpu.memory_space<hbm>>) dst(%dma_wait3A_72 : memref<632x16xf32, #tpu.memory_space<vmem_shared>>)
      tpu.yield
    }) : () -> ()
    %run_scoped3A = arith.constant 0 : i32
    "tpu.region"() ({
      %run_scoped3A_66 = tpu.sem_alloc : memref<!tpu.dma_semaphore, #tpu.memory_space<semaphore_mem>>
      %dma_start3A_67 = arith.constant 0 : i32
      %dma_start3A_68 = tpu.memref_slice %arg3[%run_scoped3A, %select_n3A_6, %dma_start3A_67] : memref<2x2542x128xi32, #tpu.memory_space<hbm>> -> memref<1x86x128xi32, #tpu.memory_space<hbm>>
      %dma_start3A_69 = tpu.memref_squeeze %dma_start3A_68 : memref<1x86x128xi32, #tpu.memory_space<hbm>> -> memref<86x128xi32, #tpu.memory_space<hbm>>
      %dma_start3A_70 = arith.constant 0 : i32
      %dma_start3A_71 = tpu.memref_slice %arg3[%run_scoped3A, %select_n3A_6, %dma_start3A_70] : memref<2x2542x128xi32, #tpu.memory_space<hbm>> -> memref<1x86x128xi32, #tpu.memory_space<hbm>>
      %dma_start3A_72 = tpu.memref_squeeze %dma_start3A_71 : memref<1x86x128xi32, #tpu.memory_space<hbm>> -> memref<86x128xi32, #tpu.memory_space<hbm>>
      tpu.enqueue_dma source(%dma_start3A_72 : memref<86x128xi32, #tpu.memory_space<hbm>>) target(%arg6 : memref<86x128xi32, #tpu.memory_space<vmem>>) target_semaphore(%run_scoped3A_66 : memref<!tpu.dma_semaphore, #tpu.memory_space<semaphore_mem>>)
      %dma_wait3A_73 = arith.constant 0 : i32
      %dma_wait3A_74 = tpu.memref_slice %arg3[%run_scoped3A, %select_n3A_6, %dma_wait3A_73] : memref<2x2542x128xi32, #tpu.memory_space<hbm>> -> memref<1x86x128xi32, #tpu.memory_space<hbm>>
      %dma_wait3A_75 = tpu.memref_squeeze %dma_wait3A_74 : memref<1x86x128xi32, #tpu.memory_space<hbm>> -> memref<86x128xi32, #tpu.memory_space<hbm>>
      %dma_wait3A_76 = arith.constant 0 : i32
      %dma_wait3A_77 = tpu.memref_slice %arg3[%run_scoped3A, %select_n3A_6, %dma_wait3A_76] : memref<2x2542x128xi32, #tpu.memory_space<hbm>> -> memref<1x86x128xi32, #tpu.memory_space<hbm>>
      %dma_wait3A_78 = tpu.memref_squeeze %dma_wait3A_77 : memref<1x86x128xi32, #tpu.memory_space<hbm>> -> memref<86x128xi32, #tpu.memory_space<hbm>>
      tpu.wait_dma2 semaphore(%run_scoped3A_66 : memref<!tpu.dma_semaphore, #tpu.memory_space<semaphore_mem>>) src(%dma_wait3A_78 : memref<86x128xi32, #tpu.memory_space<hbm>>) dst(%arg6 : memref<86x128xi32, #tpu.memory_space<vmem>>)
      tpu.yield
    }) : () -> ()
    %run_scoped3A_9 = arith.constant 1 : i32
    "tpu.region"() ({
      %run_scoped3A_66 = tpu.sem_alloc : memref<!tpu.dma_semaphore, #tpu.memory_space<semaphore_mem>>
      %dma_start3A_67 = arith.constant 0 : i32
      %dma_start3A_68 = tpu.memref_slice %arg3[%run_scoped3A_9, %select_n3A_6, %dma_start3A_67] : memref<2x2542x128xi32, #tpu.memory_space<hbm>> -> memref<1x86x128xi32, #tpu.memory_space<hbm>>
      %dma_start3A_69 = tpu.memref_squeeze %dma_start3A_68 : memref<1x86x128xi32, #tpu.memory_space<hbm>> -> memref<86x128xi32, #tpu.memory_space<hbm>>
      %dma_start3A_70 = arith.constant 0 : i32
      %dma_start3A_71 = tpu.memref_slice %arg3[%run_scoped3A_9, %select_n3A_6, %dma_start3A_70] : memref<2x2542x128xi32, #tpu.memory_space<hbm>> -> memref<1x86x128xi32, #tpu.memory_space<hbm>>
      %dma_start3A_72 = tpu.memref_squeeze %dma_start3A_71 : memref<1x86x128xi32, #tpu.memory_space<hbm>> -> memref<86x128xi32, #tpu.memory_space<hbm>>
      tpu.enqueue_dma source(%dma_start3A_72 : memref<86x128xi32, #tpu.memory_space<hbm>>) target(%arg7 : memref<86x128xi32, #tpu.memory_space<vmem>>) target_semaphore(%run_scoped3A_66 : memref<!tpu.dma_semaphore, #tpu.memory_space<semaphore_mem>>)
      %dma_wait3A_73 = arith.constant 0 : i32
      %dma_wait3A_74 = tpu.memref_slice %arg3[%run_scoped3A_9, %select_n3A_6, %dma_wait3A_73] : memref<2x2542x128xi32, #tpu.memory_space<hbm>> -> memref<1x86x128xi32, #tpu.memory_space<hbm>>
      %dma_wait3A_75 = tpu.memref_squeeze %dma_wait3A_74 : memref<1x86x128xi32, #tpu.memory_space<hbm>> -> memref<86x128xi32, #tpu.memory_space<hbm>>
      %dma_wait3A_76 = arith.constant 0 : i32
      %dma_wait3A_77 = tpu.memref_slice %arg3[%run_scoped3A_9, %select_n3A_6, %dma_wait3A_76] : memref<2x2542x128xi32, #tpu.memory_space<hbm>> -> memref<1x86x128xi32, #tpu.memory_space<hbm>>
      %dma_wait3A_78 = tpu.memref_squeeze %dma_wait3A_77 : memref<1x86x128xi32, #tpu.memory_space<hbm>> -> memref<86x128xi32, #tpu.memory_space<hbm>>
      tpu.wait_dma2 semaphore(%run_scoped3A_66 : memref<!tpu.dma_semaphore, #tpu.memory_space<semaphore_mem>>) src(%dma_wait3A_78 : memref<86x128xi32, #tpu.memory_space<hbm>>) dst(%arg7 : memref<86x128xi32, #tpu.memory_space<vmem>>)
      tpu.yield
    }) : () -> ()
    %barrier3A = arith.constant 0 : index
    tpu.barrier barrier_id(%barrier3A)
    %dma_start3A = arith.constant 0 : i32
    %dma_start3A_10 = arith.constant 0 : i32
    %dma_start3A_11 = tpu.memref_slice %arg6[%dma_start3A, %dma_start3A_10] : memref<86x128xi32, #tpu.memory_space<vmem>> -> memref<1x128xi32, #tpu.memory_space<vmem>>
    %dma_start3A_12 = tpu.memref_squeeze %dma_start3A_11 : memref<1x128xi32, #tpu.memory_space<vmem>> -> memref<128xi32, #tpu.memory_space<vmem>>
    %dma_start3A_13 = arith.constant 0 : i32
    %dma_start3A_14 = arith.constant 0 : i32
    %dma_start3A_15 = tpu.memref_slice %arg2[%dma_start3A_13, %dma_start3A_14] : memref<10000x16xf32, #tpu.memory_space<hbm>> -> memref<10000x16xf32, #tpu.memory_space<hbm>>
    tpu.enqueue_indirect_dma source(%dma_start3A_15 : memref<10000x16xf32, #tpu.memory_space<hbm>>) target(%arg8 : memref<128x16xf32, #tpu.memory_space<vmem>>) offsets(%dma_start3A_12 : memref<128xi32, #tpu.memory_space<vmem>>) semaphore(%arg11 : memref<!tpu.dma_semaphore, #tpu.memory_space<semaphore_mem>>)
    %dma_start3A_16 = arith.constant 1 : i32
    %dma_start3A_17 = arith.constant 0 : i32
    %dma_start3A_18 = tpu.memref_slice %arg6[%dma_start3A_16, %dma_start3A_17] : memref<86x128xi32, #tpu.memory_space<vmem>> -> memref<1x128xi32, #tpu.memory_space<vmem>>
    %dma_start3A_19 = tpu.memref_squeeze %dma_start3A_18 : memref<1x128xi32, #tpu.memory_space<vmem>> -> memref<128xi32, #tpu.memory_space<vmem>>
    %dma_start3A_20 = arith.constant 0 : i32
    %dma_start3A_21 = arith.constant 0 : i32
    %dma_start3A_22 = tpu.memref_slice %arg2[%dma_start3A_20, %dma_start3A_21] : memref<10000x16xf32, #tpu.memory_space<hbm>> -> memref<10000x16xf32, #tpu.memory_space<hbm>>
    tpu.enqueue_indirect_dma source(%dma_start3A_22 : memref<10000x16xf32, #tpu.memory_space<hbm>>) target(%arg9 : memref<128x16xf32, #tpu.memory_space<vmem>>) offsets(%dma_start3A_19 : memref<128xi32, #tpu.memory_space<vmem>>) semaphore(%arg12 : memref<!tpu.dma_semaphore, #tpu.memory_space<semaphore_mem>>)
    %jit3A_23 = arith.constant 2 : i32
    %div3A = arith.divsi %select_n3A, %jit3A_23 : i32
    %sign3A = arith.constant 0 : i32
    %sign3A_24 = arith.cmpi sgt, %select_n3A, %sign3A : i32
    %sign3A_25 = arith.extui %sign3A_24 : i1 to i32
    %sign3A_26 = arith.constant 0 : i32
    %sign3A_27 = arith.cmpi slt, %select_n3A, %sign3A_26 : i32
    %sign3A_28 = arith.extui %sign3A_27 : i1 to i32
    %sign3A_29 = arith.subi %sign3A_25, %sign3A_28 : i32
    %sign3A_30 = arith.constant 0 : i32
    %sign3A_31 = arith.cmpi sgt, %jit3A_23, %sign3A_30 : i32
    %sign3A_32 = arith.extui %sign3A_31 : i1 to i32
    %sign3A_33 = arith.constant 0 : i32
    %sign3A_34 = arith.cmpi slt, %jit3A_23, %sign3A_33 : i32
    %sign3A_35 = arith.extui %sign3A_34 : i1 to i32
    %sign3A_36 = arith.subi %sign3A_32, %sign3A_35 : i32
    %ne3A = arith.cmpi ne, %sign3A_29, %sign3A_36 : i32
    %rem3A = arith.remsi %select_n3A, %jit3A_23 : i32
    %ne3A_37 = arith.constant 0 : i32
    %ne3A_38 = arith.cmpi ne, %rem3A, %ne3A_37 : i32
    %and3A = arith.andi %ne3A, %ne3A_38 : i1
    %sub3A = arith.constant 1 : i32
    %sub3A_39 = arith.subi %div3A, %sub3A : i32
    %select_n3A_40 = arith.select %and3A, %sub3A_39, %div3A : i32
    %while3A = arith.constant 0 : i32
    %while3A_41 = arith.constant 0 : i32
    %while3A_42 = arith.subi %select_n3A_40, %while3A_41 : i32
    %while3A_43 = arith.addi %while3A_41, %while3A_42 : i32
    %while3A_44 = arith.constant 1 : i32
    %while3A_45 = arith.divsi %while3A_42, %while3A_44 : i32
    %while3A_46 = arith.muli %while3A_45, %while3A_44 : i32
    %while3A_47 = arith.addi %while3A_41, %while3A_46 : i32
    %while3A_48 = arith.constant 1 : i32
    scf.for %while3A_66 = %while3A_41 to %while3A_47 step %while3A_48  : i32 {
      %mul3A_67 = arith.constant 2 : i32
      %mul3A_68 = arith.muli %while3A_66, %mul3A_67 : i32
      %dma_wait3A_69 = arith.constant 0 : i32
      %dma_wait3A_70 = tpu.memref_slice %arg6[%mul3A_68, %dma_wait3A_69] : memref<86x128xi32, #tpu.memory_space<vmem>> -> memref<1x128xi32, #tpu.memory_space<vmem>>
      %dma_wait3A_71 = tpu.memref_squeeze %dma_wait3A_70 : memref<1x128xi32, #tpu.memory_space<vmem>> -> memref<128xi32, #tpu.memory_space<vmem>>
      %dma_wait3A_72 = arith.constant 0 : i32
      %dma_wait3A_73 = arith.constant 0 : i32
      %dma_wait3A_74 = tpu.memref_slice %arg2[%dma_wait3A_72, %dma_wait3A_73] : memref<10000x16xf32, #tpu.memory_space<hbm>> -> memref<10000x16xf32, #tpu.memory_space<hbm>>
      tpu.wait_indirect_dma semaphore(%arg11 : memref<!tpu.dma_semaphore, #tpu.memory_space<semaphore_mem>>) src(%dma_wait3A_74 : memref<10000x16xf32, #tpu.memory_space<hbm>>) dst(%arg8 : memref<128x16xf32, #tpu.memory_space<vmem>>)
      %dma_start3A_75 = arith.constant 0 : i32
      %dma_start3A_76 = tpu.memref_slice %arg7[%mul3A_68, %dma_start3A_75] : memref<86x128xi32, #tpu.memory_space<vmem>> -> memref<1x128xi32, #tpu.memory_space<vmem>>
      %dma_start3A_77 = tpu.memref_squeeze %dma_start3A_76 : memref<1x128xi32, #tpu.memory_space<vmem>> -> memref<128xi32, #tpu.memory_space<vmem>>
      %dma_start3A_78 = arith.constant 0 : i32
      %dma_start3A_79 = arith.constant 0 : i32
      %dma_start3A_80 = tpu.memref_slice %arg10[%dma_start3A_78, %dma_start3A_79] : memref<10112x16xf32, #tpu.memory_space<vmem_shared>> -> memref<10112x16xf32, #tpu.memory_space<vmem_shared>>
      tpu.enqueue_indirect_dma source(%arg8 : memref<128x16xf32, #tpu.memory_space<vmem>>) target(%dma_start3A_80 : memref<10112x16xf32, #tpu.memory_space<vmem_shared>>) offsets(%dma_start3A_77 : memref<128xi32, #tpu.memory_space<vmem>>) semaphore(%arg13 : memref<!tpu.dma_semaphore, #tpu.memory_space<semaphore_mem>>) {add = true}
      %add3A_81 = arith.constant 1 : i32
      %add3A_82 = arith.addi %mul3A_68, %add3A_81 : i32
      %dma_wait3A_83 = arith.constant 0 : i32
      %dma_wait3A_84 = tpu.memref_slice %arg6[%add3A_82, %dma_wait3A_83] : memref<86x128xi32, #tpu.memory_space<vmem>> -> memref<1x128xi32, #tpu.memory_space<vmem>>
      %dma_wait3A_85 = tpu.memref_squeeze %dma_wait3A_84 : memref<1x128xi32, #tpu.memory_space<vmem>> -> memref<128xi32, #tpu.memory_space<vmem>>
      %dma_wait3A_86 = arith.constant 0 : i32
      %dma_wait3A_87 = arith.constant 0 : i32
      %dma_wait3A_88 = tpu.memref_slice %arg2[%dma_wait3A_86, %dma_wait3A_87] : memref<10000x16xf32, #tpu.memory_space<hbm>> -> memref<10000x16xf32, #tpu.memory_space<hbm>>
      tpu.wait_indirect_dma semaphore(%arg12 : memref<!tpu.dma_semaphore, #tpu.memory_space<semaphore_mem>>) src(%dma_wait3A_88 : memref<10000x16xf32, #tpu.memory_space<hbm>>) dst(%arg9 : memref<128x16xf32, #tpu.memory_space<vmem>>)
      %add3A_89 = arith.constant 1 : i32
      %add3A_90 = arith.addi %mul3A_68, %add3A_89 : i32
      %dma_start3A_91 = arith.constant 0 : i32
      %dma_start3A_92 = tpu.memref_slice %arg7[%add3A_90, %dma_start3A_91] : memref<86x128xi32, #tpu.memory_space<vmem>> -> memref<1x128xi32, #tpu.memory_space<vmem>>
      %dma_start3A_93 = tpu.memref_squeeze %dma_start3A_92 : memref<1x128xi32, #tpu.memory_space<vmem>> -> memref<128xi32, #tpu.memory_space<vmem>>
      %dma_start3A_94 = arith.constant 0 : i32
      %dma_start3A_95 = arith.constant 0 : i32
      %dma_start3A_96 = tpu.memref_slice %arg10[%dma_start3A_94, %dma_start3A_95] : memref<10112x16xf32, #tpu.memory_space<vmem_shared>> -> memref<10112x16xf32, #tpu.memory_space<vmem_shared>>
      tpu.enqueue_indirect_dma source(%arg9 : memref<128x16xf32, #tpu.memory_space<vmem>>) target(%dma_start3A_96 : memref<10112x16xf32, #tpu.memory_space<vmem_shared>>) offsets(%dma_start3A_93 : memref<128xi32, #tpu.memory_space<vmem>>) semaphore(%arg14 : memref<!tpu.dma_semaphore, #tpu.memory_space<semaphore_mem>>) {add = true}
      %add3A_97 = arith.constant 2 : i32
      %add3A_98 = arith.addi %mul3A_68, %add3A_97 : i32
      %lt3A = arith.cmpi slt, %add3A_98, %select_n3A : i32
      %convert_element_type3A = arith.extui %lt3A : i1 to i32
      %cond3A = arith.constant 0 : i32
      %cond3A_99 = arith.cmpi ne, %convert_element_type3A, %cond3A : i32
      scf.if %cond3A_99 {
        %dma_wait3A_106 = arith.constant 0 : i32
        %dma_wait3A_107 = tpu.memref_slice %arg7[%mul3A_68, %dma_wait3A_106] : memref<86x128xi32, #tpu.memory_space<vmem>> -> memref<1x128xi32, #tpu.memory_space<vmem>>
        %dma_wait3A_108 = tpu.memref_squeeze %dma_wait3A_107 : memref<1x128xi32, #tpu.memory_space<vmem>> -> memref<128xi32, #tpu.memory_space<vmem>>
        %dma_wait3A_109 = arith.constant 0 : i32
        %dma_wait3A_110 = arith.constant 0 : i32
        %dma_wait3A_111 = tpu.memref_slice %arg10[%dma_wait3A_109, %dma_wait3A_110] : memref<10112x16xf32, #tpu.memory_space<vmem_shared>> -> memref<10112x16xf32, #tpu.memory_space<vmem_shared>>
        tpu.wait_indirect_dma semaphore(%arg13 : memref<!tpu.dma_semaphore, #tpu.memory_space<semaphore_mem>>) src(%arg8 : memref<128x16xf32, #tpu.memory_space<vmem>>) dst(%dma_wait3A_111 : memref<10112x16xf32, #tpu.memory_space<vmem_shared>>)
        %add3A_112 = arith.constant 2 : i32
        %add3A_113 = arith.addi %mul3A_68, %add3A_112 : i32
        %dma_start3A_114 = arith.constant 0 : i32
        %dma_start3A_115 = tpu.memref_slice %arg6[%add3A_113, %dma_start3A_114] : memref<86x128xi32, #tpu.memory_space<vmem>> -> memref<1x128xi32, #tpu.memory_space<vmem>>
        %dma_start3A_116 = tpu.memref_squeeze %dma_start3A_115 : memref<1x128xi32, #tpu.memory_space<vmem>> -> memref<128xi32, #tpu.memory_space<vmem>>
        %dma_start3A_117 = arith.constant 0 : i32
        %dma_start3A_118 = arith.constant 0 : i32
        %dma_start3A_119 = tpu.memref_slice %arg2[%dma_start3A_117, %dma_start3A_118] : memref<10000x16xf32, #tpu.memory_space<hbm>> -> memref<10000x16xf32, #tpu.memory_space<hbm>>
        tpu.enqueue_indirect_dma source(%dma_start3A_119 : memref<10000x16xf32, #tpu.memory_space<hbm>>) target(%arg8 : memref<128x16xf32, #tpu.memory_space<vmem>>) offsets(%dma_start3A_116 : memref<128xi32, #tpu.memory_space<vmem>>) semaphore(%arg11 : memref<!tpu.dma_semaphore, #tpu.memory_space<semaphore_mem>>)
      } else {
      }
      %add3A_100 = arith.constant 3 : i32
      %add3A_101 = arith.addi %mul3A_68, %add3A_100 : i32
      %lt3A_102 = arith.cmpi slt, %add3A_101, %select_n3A : i32
      %convert_element_type3A_103 = arith.extui %lt3A_102 : i1 to i32
      %cond3A_104 = arith.constant 0 : i32
      %cond3A_105 = arith.cmpi ne, %convert_element_type3A_103, %cond3A_104 : i32
      scf.if %cond3A_105 {
        %add3A_106 = arith.constant 1 : i32
        %add3A_107 = arith.addi %mul3A_68, %add3A_106 : i32
        %dma_wait3A_108 = arith.constant 0 : i32
        %dma_wait3A_109 = tpu.memref_slice %arg7[%add3A_107, %dma_wait3A_108] : memref<86x128xi32, #tpu.memory_space<vmem>> -> memref<1x128xi32, #tpu.memory_space<vmem>>
        %dma_wait3A_110 = tpu.memref_squeeze %dma_wait3A_109 : memref<1x128xi32, #tpu.memory_space<vmem>> -> memref<128xi32, #tpu.memory_space<vmem>>
        %dma_wait3A_111 = arith.constant 0 : i32
        %dma_wait3A_112 = arith.constant 0 : i32
        %dma_wait3A_113 = tpu.memref_slice %arg10[%dma_wait3A_111, %dma_wait3A_112] : memref<10112x16xf32, #tpu.memory_space<vmem_shared>> -> memref<10112x16xf32, #tpu.memory_space<vmem_shared>>
        tpu.wait_indirect_dma semaphore(%arg14 : memref<!tpu.dma_semaphore, #tpu.memory_space<semaphore_mem>>) src(%arg9 : memref<128x16xf32, #tpu.memory_space<vmem>>) dst(%dma_wait3A_113 : memref<10112x16xf32, #tpu.memory_space<vmem_shared>>)
        %add3A_114 = arith.constant 3 : i32
        %add3A_115 = arith.addi %mul3A_68, %add3A_114 : i32
        %dma_start3A_116 = arith.constant 0 : i32
        %dma_start3A_117 = tpu.memref_slice %arg6[%add3A_115, %dma_start3A_116] : memref<86x128xi32, #tpu.memory_space<vmem>> -> memref<1x128xi32, #tpu.memory_space<vmem>>
        %dma_start3A_118 = tpu.memref_squeeze %dma_start3A_117 : memref<1x128xi32, #tpu.memory_space<vmem>> -> memref<128xi32, #tpu.memory_space<vmem>>
        %dma_start3A_119 = arith.constant 0 : i32
        %dma_start3A_120 = arith.constant 0 : i32
        %dma_start3A_121 = tpu.memref_slice %arg2[%dma_start3A_119, %dma_start3A_120] : memref<10000x16xf32, #tpu.memory_space<hbm>> -> memref<10000x16xf32, #tpu.memory_space<hbm>>
        tpu.enqueue_indirect_dma source(%dma_start3A_121 : memref<10000x16xf32, #tpu.memory_space<hbm>>) target(%arg9 : memref<128x16xf32, #tpu.memory_space<vmem>>) offsets(%dma_start3A_118 : memref<128xi32, #tpu.memory_space<vmem>>) semaphore(%arg12 : memref<!tpu.dma_semaphore, #tpu.memory_space<semaphore_mem>>)
      } else {
      }
    }
    %while3A_49 = arith.constant 1 : i32
    scf.for %while3A_66 = %while3A_47 to %while3A_43 step %while3A_49  : i32 {
      %mul3A_67 = arith.constant 2 : i32
      %mul3A_68 = arith.muli %while3A_66, %mul3A_67 : i32
      %dma_wait3A_69 = arith.constant 0 : i32
      %dma_wait3A_70 = tpu.memref_slice %arg6[%mul3A_68, %dma_wait3A_69] : memref<86x128xi32, #tpu.memory_space<vmem>> -> memref<1x128xi32, #tpu.memory_space<vmem>>
      %dma_wait3A_71 = tpu.memref_squeeze %dma_wait3A_70 : memref<1x128xi32, #tpu.memory_space<vmem>> -> memref<128xi32, #tpu.memory_space<vmem>>
      %dma_wait3A_72 = arith.constant 0 : i32
      %dma_wait3A_73 = arith.constant 0 : i32
      %dma_wait3A_74 = tpu.memref_slice %arg2[%dma_wait3A_72, %dma_wait3A_73] : memref<10000x16xf32, #tpu.memory_space<hbm>> -> memref<10000x16xf32, #tpu.memory_space<hbm>>
      tpu.wait_indirect_dma semaphore(%arg11 : memref<!tpu.dma_semaphore, #tpu.memory_space<semaphore_mem>>) src(%dma_wait3A_74 : memref<10000x16xf32, #tpu.memory_space<hbm>>) dst(%arg8 : memref<128x16xf32, #tpu.memory_space<vmem>>)
      %dma_start3A_75 = arith.constant 0 : i32
      %dma_start3A_76 = tpu.memref_slice %arg7[%mul3A_68, %dma_start3A_75] : memref<86x128xi32, #tpu.memory_space<vmem>> -> memref<1x128xi32, #tpu.memory_space<vmem>>
      %dma_start3A_77 = tpu.memref_squeeze %dma_start3A_76 : memref<1x128xi32, #tpu.memory_space<vmem>> -> memref<128xi32, #tpu.memory_space<vmem>>
      %dma_start3A_78 = arith.constant 0 : i32
      %dma_start3A_79 = arith.constant 0 : i32
      %dma_start3A_80 = tpu.memref_slice %arg10[%dma_start3A_78, %dma_start3A_79] : memref<10112x16xf32, #tpu.memory_space<vmem_shared>> -> memref<10112x16xf32, #tpu.memory_space<vmem_shared>>
      tpu.enqueue_indirect_dma source(%arg8 : memref<128x16xf32, #tpu.memory_space<vmem>>) target(%dma_start3A_80 : memref<10112x16xf32, #tpu.memory_space<vmem_shared>>) offsets(%dma_start3A_77 : memref<128xi32, #tpu.memory_space<vmem>>) semaphore(%arg13 : memref<!tpu.dma_semaphore, #tpu.memory_space<semaphore_mem>>) {add = true}
      %add3A_81 = arith.constant 1 : i32
      %add3A_82 = arith.addi %mul3A_68, %add3A_81 : i32
      %dma_wait3A_83 = arith.constant 0 : i32
      %dma_wait3A_84 = tpu.memref_slice %arg6[%add3A_82, %dma_wait3A_83] : memref<86x128xi32, #tpu.memory_space<vmem>> -> memref<1x128xi32, #tpu.memory_space<vmem>>
      %dma_wait3A_85 = tpu.memref_squeeze %dma_wait3A_84 : memref<1x128xi32, #tpu.memory_space<vmem>> -> memref<128xi32, #tpu.memory_space<vmem>>
      %dma_wait3A_86 = arith.constant 0 : i32
      %dma_wait3A_87 = arith.constant 0 : i32
      %dma_wait3A_88 = tpu.memref_slice %arg2[%dma_wait3A_86, %dma_wait3A_87] : memref<10000x16xf32, #tpu.memory_space<hbm>> -> memref<10000x16xf32, #tpu.memory_space<hbm>>
      tpu.wait_indirect_dma semaphore(%arg12 : memref<!tpu.dma_semaphore, #tpu.memory_space<semaphore_mem>>) src(%dma_wait3A_88 : memref<10000x16xf32, #tpu.memory_space<hbm>>) dst(%arg9 : memref<128x16xf32, #tpu.memory_space<vmem>>)
      %add3A_89 = arith.constant 1 : i32
      %add3A_90 = arith.addi %mul3A_68, %add3A_89 : i32
      %dma_start3A_91 = arith.constant 0 : i32
      %dma_start3A_92 = tpu.memref_slice %arg7[%add3A_90, %dma_start3A_91] : memref<86x128xi32, #tpu.memory_space<vmem>> -> memref<1x128xi32, #tpu.memory_space<vmem>>
      %dma_start3A_93 = tpu.memref_squeeze %dma_start3A_92 : memref<1x128xi32, #tpu.memory_space<vmem>> -> memref<128xi32, #tpu.memory_space<vmem>>
      %dma_start3A_94 = arith.constant 0 : i32
      %dma_start3A_95 = arith.constant 0 : i32
      %dma_start3A_96 = tpu.memref_slice %arg10[%dma_start3A_94, %dma_start3A_95] : memref<10112x16xf32, #tpu.memory_space<vmem_shared>> -> memref<10112x16xf32, #tpu.memory_space<vmem_shared>>
      tpu.enqueue_indirect_dma source(%arg9 : memref<128x16xf32, #tpu.memory_space<vmem>>) target(%dma_start3A_96 : memref<10112x16xf32, #tpu.memory_space<vmem_shared>>) offsets(%dma_start3A_93 : memref<128xi32, #tpu.memory_space<vmem>>) semaphore(%arg14 : memref<!tpu.dma_semaphore, #tpu.memory_space<semaphore_mem>>) {add = true}
      %add3A_97 = arith.constant 2 : i32
      %add3A_98 = arith.addi %mul3A_68, %add3A_97 : i32
      %lt3A = arith.cmpi slt, %add3A_98, %select_n3A : i32
      %convert_element_type3A = arith.extui %lt3A : i1 to i32
      %cond3A = arith.constant 0 : i32
      %cond3A_99 = arith.cmpi ne, %convert_element_type3A, %cond3A : i32
      scf.if %cond3A_99 {
        %dma_wait3A_106 = arith.constant 0 : i32
        %dma_wait3A_107 = tpu.memref_slice %arg7[%mul3A_68, %dma_wait3A_106] : memref<86x128xi32, #tpu.memory_space<vmem>> -> memref<1x128xi32, #tpu.memory_space<vmem>>
        %dma_wait3A_108 = tpu.memref_squeeze %dma_wait3A_107 : memref<1x128xi32, #tpu.memory_space<vmem>> -> memref<128xi32, #tpu.memory_space<vmem>>
        %dma_wait3A_109 = arith.constant 0 : i32
        %dma_wait3A_110 = arith.constant 0 : i32
        %dma_wait3A_111 = tpu.memref_slice %arg10[%dma_wait3A_109, %dma_wait3A_110] : memref<10112x16xf32, #tpu.memory_space<vmem_shared>> -> memref<10112x16xf32, #tpu.memory_space<vmem_shared>>
        tpu.wait_indirect_dma semaphore(%arg13 : memref<!tpu.dma_semaphore, #tpu.memory_space<semaphore_mem>>) src(%arg8 : memref<128x16xf32, #tpu.memory_space<vmem>>) dst(%dma_wait3A_111 : memref<10112x16xf32, #tpu.memory_space<vmem_shared>>)
        %add3A_112 = arith.constant 2 : i32
        %add3A_113 = arith.addi %mul3A_68, %add3A_112 : i32
        %dma_start3A_114 = arith.constant 0 : i32
        %dma_start3A_115 = tpu.memref_slice %arg6[%add3A_113, %dma_start3A_114] : memref<86x128xi32, #tpu.memory_space<vmem>> -> memref<1x128xi32, #tpu.memory_space<vmem>>
        %dma_start3A_116 = tpu.memref_squeeze %dma_start3A_115 : memref<1x128xi32, #tpu.memory_space<vmem>> -> memref<128xi32, #tpu.memory_space<vmem>>
        %dma_start3A_117 = arith.constant 0 : i32
        %dma_start3A_118 = arith.constant 0 : i32
        %dma_start3A_119 = tpu.memref_slice %arg2[%dma_start3A_117, %dma_start3A_118] : memref<10000x16xf32, #tpu.memory_space<hbm>> -> memref<10000x16xf32, #tpu.memory_space<hbm>>
        tpu.enqueue_indirect_dma source(%dma_start3A_119 : memref<10000x16xf32, #tpu.memory_space<hbm>>) target(%arg8 : memref<128x16xf32, #tpu.memory_space<vmem>>) offsets(%dma_start3A_116 : memref<128xi32, #tpu.memory_space<vmem>>) semaphore(%arg11 : memref<!tpu.dma_semaphore, #tpu.memory_space<semaphore_mem>>)
      } else {
      }
      %add3A_100 = arith.constant 3 : i32
      %add3A_101 = arith.addi %mul3A_68, %add3A_100 : i32
      %lt3A_102 = arith.cmpi slt, %add3A_101, %select_n3A : i32
      %convert_element_type3A_103 = arith.extui %lt3A_102 : i1 to i32
      %cond3A_104 = arith.constant 0 : i32
      %cond3A_105 = arith.cmpi ne, %convert_element_type3A_103, %cond3A_104 : i32
      scf.if %cond3A_105 {
        %add3A_106 = arith.constant 1 : i32
        %add3A_107 = arith.addi %mul3A_68, %add3A_106 : i32
        %dma_wait3A_108 = arith.constant 0 : i32
        %dma_wait3A_109 = tpu.memref_slice %arg7[%add3A_107, %dma_wait3A_108] : memref<86x128xi32, #tpu.memory_space<vmem>> -> memref<1x128xi32, #tpu.memory_space<vmem>>
        %dma_wait3A_110 = tpu.memref_squeeze %dma_wait3A_109 : memref<1x128xi32, #tpu.memory_space<vmem>> -> memref<128xi32, #tpu.memory_space<vmem>>
        %dma_wait3A_111 = arith.constant 0 : i32
        %dma_wait3A_112 = arith.constant 0 : i32
        %dma_wait3A_113 = tpu.memref_slice %arg10[%dma_wait3A_111, %dma_wait3A_112] : memref<10112x16xf32, #tpu.memory_space<vmem_shared>> -> memref<10112x16xf32, #tpu.memory_space<vmem_shared>>
        tpu.wait_indirect_dma semaphore(%arg14 : memref<!tpu.dma_semaphore, #tpu.memory_space<semaphore_mem>>) src(%arg9 : memref<128x16xf32, #tpu.memory_space<vmem>>) dst(%dma_wait3A_113 : memref<10112x16xf32, #tpu.memory_space<vmem_shared>>)
        %add3A_114 = arith.constant 3 : i32
        %add3A_115 = arith.addi %mul3A_68, %add3A_114 : i32
        %dma_start3A_116 = arith.constant 0 : i32
        %dma_start3A_117 = tpu.memref_slice %arg6[%add3A_115, %dma_start3A_116] : memref<86x128xi32, #tpu.memory_space<vmem>> -> memref<1x128xi32, #tpu.memory_space<vmem>>
        %dma_start3A_118 = tpu.memref_squeeze %dma_start3A_117 : memref<1x128xi32, #tpu.memory_space<vmem>> -> memref<128xi32, #tpu.memory_space<vmem>>
        %dma_start3A_119 = arith.constant 0 : i32
        %dma_start3A_120 = arith.constant 0 : i32
        %dma_start3A_121 = tpu.memref_slice %arg2[%dma_start3A_119, %dma_start3A_120] : memref<10000x16xf32, #tpu.memory_space<hbm>> -> memref<10000x16xf32, #tpu.memory_space<hbm>>
        tpu.enqueue_indirect_dma source(%dma_start3A_121 : memref<10000x16xf32, #tpu.memory_space<hbm>>) target(%arg9 : memref<128x16xf32, #tpu.memory_space<vmem>>) offsets(%dma_start3A_118 : memref<128xi32, #tpu.memory_space<vmem>>) semaphore(%arg12 : memref<!tpu.dma_semaphore, #tpu.memory_space<semaphore_mem>>)
      } else {
      }
    }
    %sub3A_50 = arith.constant 2 : i32
    %sub3A_51 = arith.subi %select_n3A, %sub3A_50 : i32
    %dma_wait3A = arith.constant 0 : i32
    %dma_wait3A_52 = tpu.memref_slice %arg7[%sub3A_51, %dma_wait3A] : memref<86x128xi32, #tpu.memory_space<vmem>> -> memref<1x128xi32, #tpu.memory_space<vmem>>
    %dma_wait3A_53 = tpu.memref_squeeze %dma_wait3A_52 : memref<1x128xi32, #tpu.memory_space<vmem>> -> memref<128xi32, #tpu.memory_space<vmem>>
    %dma_wait3A_54 = arith.constant 0 : i32
    %dma_wait3A_55 = arith.constant 0 : i32
    %dma_wait3A_56 = tpu.memref_slice %arg10[%dma_wait3A_54, %dma_wait3A_55] : memref<10112x16xf32, #tpu.memory_space<vmem_shared>> -> memref<10112x16xf32, #tpu.memory_space<vmem_shared>>
    tpu.wait_indirect_dma semaphore(%arg13 : memref<!tpu.dma_semaphore, #tpu.memory_space<semaphore_mem>>) src(%arg8 : memref<128x16xf32, #tpu.memory_space<vmem>>) dst(%dma_wait3A_56 : memref<10112x16xf32, #tpu.memory_space<vmem_shared>>)
    %sub3A_57 = arith.constant 1 : i32
    %sub3A_58 = arith.subi %select_n3A, %sub3A_57 : i32
    %dma_wait3A_59 = arith.constant 0 : i32
    %dma_wait3A_60 = tpu.memref_slice %arg7[%sub3A_58, %dma_wait3A_59] : memref<86x128xi32, #tpu.memory_space<vmem>> -> memref<1x128xi32, #tpu.memory_space<vmem>>
    %dma_wait3A_61 = tpu.memref_squeeze %dma_wait3A_60 : memref<1x128xi32, #tpu.memory_space<vmem>> -> memref<128xi32, #tpu.memory_space<vmem>>
    %dma_wait3A_62 = arith.constant 0 : i32
    %dma_wait3A_63 = arith.constant 0 : i32
    %dma_wait3A_64 = tpu.memref_slice %arg10[%dma_wait3A_62, %dma_wait3A_63] : memref<10112x16xf32, #tpu.memory_space<vmem_shared>> -> memref<10112x16xf32, #tpu.memory_space<vmem_shared>>
    tpu.wait_indirect_dma semaphore(%arg14 : memref<!tpu.dma_semaphore, #tpu.memory_space<semaphore_mem>>) src(%arg9 : memref<128x16xf32, #tpu.memory_space<vmem>>) dst(%dma_wait3A_64 : memref<10112x16xf32, #tpu.memory_space<vmem_shared>>)
    %barrier3A_65 = arith.constant 0 : index
    tpu.barrier barrier_id(%barrier3A_65)
    "tpu.region"() ({
      %run_scoped3A_66 = tpu.sem_alloc : memref<!tpu.dma_semaphore, #tpu.memory_space<semaphore_mem>>
      %dma_start3A_67 = arith.constant 0 : i32
      %dma_start3A_68 = tpu.memref_slice %arg5[%arg0, %multiple_of3A, %dma_start3A_67] : memref<2x10112x128xf32, #tpu.memory_space<hbm>> -> memref<1x632x16xf32, #tpu.memory_space<hbm>>
      %dma_start3A_69 = tpu.memref_squeeze %dma_start3A_68 : memref<1x632x16xf32, #tpu.memory_space<hbm>> -> memref<632x16xf32, #tpu.memory_space<hbm>>
      %dma_start3A_70 = arith.constant 0 : i32
      %dma_start3A_71 = tpu.memref_slice %arg10[%multiple_of3A, %dma_start3A_70] : memref<10112x16xf32, #tpu.memory_space<vmem_shared>> -> memref<632x16xf32, #tpu.memory_space<vmem_shared>>
      tpu.enqueue_dma source(%dma_start3A_71 : memref<632x16xf32, #tpu.memory_space<vmem_shared>>) target(%dma_start3A_69 : memref<632x16xf32, #tpu.memory_space<hbm>>) target_semaphore(%run_scoped3A_66 : memref<!tpu.dma_semaphore, #tpu.memory_space<semaphore_mem>>)
      %dma_wait3A_72 = arith.constant 0 : i32
      %dma_wait3A_73 = tpu.memref_slice %arg5[%arg0, %multiple_of3A, %dma_wait3A_72] : memref<2x10112x128xf32, #tpu.memory_space<hbm>> -> memref<1x632x16xf32, #tpu.memory_space<hbm>>
      %dma_wait3A_74 = tpu.memref_squeeze %dma_wait3A_73 : memref<1x632x16xf32, #tpu.memory_space<hbm>> -> memref<632x16xf32, #tpu.memory_space<hbm>>
      %dma_wait3A_75 = arith.constant 0 : i32
      %dma_wait3A_76 = tpu.memref_slice %arg10[%multiple_of3A, %dma_wait3A_75] : memref<10112x16xf32, #tpu.memory_space<vmem_shared>> -> memref<632x16xf32, #tpu.memory_space<vmem_shared>>
      tpu.wait_dma2 semaphore(%run_scoped3A_66 : memref<!tpu.dma_semaphore, #tpu.memory_space<semaphore_mem>>) src(%dma_wait3A_76 : memref<632x16xf32, #tpu.memory_space<vmem_shared>>) dst(%dma_wait3A_74 : memref<632x16xf32, #tpu.memory_space<hbm>>)
      tpu.yield
    }) : () -> ()
    return
  }
}

#map = affine_map<(d0, d1) -> (0, 0)>
#map1 = affine_map<(d0, d1) -> (0, 0, 0)>
module attributes {stable_mosaic.version = 14 : i64} {
  func.func @body(%arg0: i32, %arg1: i32, %arg2: memref<128x8xf32, #tpu.memory_space<hbm>>, %arg3: memref<2x2542x128xi32, #tpu.memory_space<hbm>>, %arg4: memref<10112x8xf32, #tpu.memory_space<hbm>>, %arg5: memref<2x10112x128xf32, #tpu.memory_space<hbm>>, %arg6: memref<86x128xi32, #tpu.memory_space<vmem>>, %arg7: memref<128x8xf32, #tpu.memory_space<vmem>>, %arg8: memref<10112x8xf32, #tpu.memory_space<vmem_shared>>) attributes {dimension_semantics = [#tpu.dimension_semantics<core_parallel>, #tpu.dimension_semantics<subcore_parallel>], iteration_bounds = array<i64: 2, 16>, scalar_prefetch = 0 : i64, scratch_operands = 3 : i64, tpu.core_type = #tpu.core_type<sc_vector_subcore>, window_params = [{transform_indices = #map}, {transform_indices = #map1}, {transform_indices = #map}, {transform_indices = #map1}]} {
    %eq3A = arith.constant 0 : i32
    %eq3A_0 = arith.cmpi eq, %arg0, %eq3A : i32
    %jit3A = arith.constant 86 : i32
    %jit3A_1 = arith.constant 72 : i32
    %select_n3A = arith.select %eq3A_0, %jit3A, %jit3A_1 : i32
    %mul3A = arith.constant 86 : i32
    %mul3A_2 = arith.muli %arg1, %mul3A : i32
    %mul3A_3 = arith.constant 72 : i32
    %mul3A_4 = arith.muli %arg1, %mul3A_3 : i32
    %add3A = arith.constant 1376 : i32
    %add3A_5 = arith.addi %add3A, %mul3A_4 : i32
    %select_n3A_6 = arith.select %eq3A_0, %mul3A_2, %add3A_5 : i32
    %mul3A_7 = arith.constant 632 : i32
    %mul3A_8 = arith.muli %arg1, %mul3A_7 : i32
    %multiple_of3A = tpu.assume_multiple %mul3A_8, 8 : i32
    "tpu.region"() ({
      %run_scoped3A_19 = tpu.sem_alloc : memref<!tpu.dma_semaphore, #tpu.memory_space<semaphore_mem>>
      %dma_start3A = arith.constant 0 : i32
      %dma_start3A_20 = tpu.memref_slice %arg8[%multiple_of3A, %dma_start3A] : memref<10112x8xf32, #tpu.memory_space<vmem_shared>> -> memref<632x8xf32, #tpu.memory_space<vmem_shared>>
      %dma_start3A_21 = arith.constant 0 : i32
      %dma_start3A_22 = tpu.memref_slice %arg4[%multiple_of3A, %dma_start3A_21] : memref<10112x8xf32, #tpu.memory_space<hbm>> -> memref<632x8xf32, #tpu.memory_space<hbm>>
      tpu.enqueue_dma source(%dma_start3A_22 : memref<632x8xf32, #tpu.memory_space<hbm>>) target(%dma_start3A_20 : memref<632x8xf32, #tpu.memory_space<vmem_shared>>) target_semaphore(%run_scoped3A_19 : memref<!tpu.dma_semaphore, #tpu.memory_space<semaphore_mem>>)
      %dma_wait3A = arith.constant 0 : i32
      %dma_wait3A_23 = tpu.memref_slice %arg8[%multiple_of3A, %dma_wait3A] : memref<10112x8xf32, #tpu.memory_space<vmem_shared>> -> memref<632x8xf32, #tpu.memory_space<vmem_shared>>
      %dma_wait3A_24 = arith.constant 0 : i32
      %dma_wait3A_25 = tpu.memref_slice %arg4[%multiple_of3A, %dma_wait3A_24] : memref<10112x8xf32, #tpu.memory_space<hbm>> -> memref<632x8xf32, #tpu.memory_space<hbm>>
      tpu.wait_dma2 semaphore(%run_scoped3A_19 : memref<!tpu.dma_semaphore, #tpu.memory_space<semaphore_mem>>) src(%dma_wait3A_25 : memref<632x8xf32, #tpu.memory_space<hbm>>) dst(%dma_wait3A_23 : memref<632x8xf32, #tpu.memory_space<vmem_shared>>)
      tpu.yield
    }) : () -> ()
    "tpu.region"() ({
      %run_scoped3A_19 = tpu.sem_alloc : memref<!tpu.dma_semaphore, #tpu.memory_space<semaphore_mem>>
      tpu.enqueue_dma source(%arg2 : memref<128x8xf32, #tpu.memory_space<hbm>>) target(%arg7 : memref<128x8xf32, #tpu.memory_space<vmem>>) target_semaphore(%run_scoped3A_19 : memref<!tpu.dma_semaphore, #tpu.memory_space<semaphore_mem>>)
      tpu.wait_dma2 semaphore(%run_scoped3A_19 : memref<!tpu.dma_semaphore, #tpu.memory_space<semaphore_mem>>) src(%arg2 : memref<128x8xf32, #tpu.memory_space<hbm>>) dst(%arg7 : memref<128x8xf32, #tpu.memory_space<vmem>>)
      tpu.yield
    }) : () -> ()
    %run_scoped3A = arith.constant 1 : i32
    "tpu.region"() ({
      %run_scoped3A_19 = tpu.sem_alloc : memref<!tpu.dma_semaphore, #tpu.memory_space<semaphore_mem>>
      %dma_start3A = arith.constant 0 : i32
      %dma_start3A_20 = tpu.memref_slice %arg3[%run_scoped3A, %select_n3A_6, %dma_start3A] : memref<2x2542x128xi32, #tpu.memory_space<hbm>> -> memref<1x86x128xi32, #tpu.memory_space<hbm>>
      %dma_start3A_21 = tpu.memref_squeeze %dma_start3A_20 : memref<1x86x128xi32, #tpu.memory_space<hbm>> -> memref<86x128xi32, #tpu.memory_space<hbm>>
      %dma_start3A_22 = arith.constant 0 : i32
      %dma_start3A_23 = tpu.memref_slice %arg3[%run_scoped3A, %select_n3A_6, %dma_start3A_22] : memref<2x2542x128xi32, #tpu.memory_space<hbm>> -> memref<1x86x128xi32, #tpu.memory_space<hbm>>
      %dma_start3A_24 = tpu.memref_squeeze %dma_start3A_23 : memref<1x86x128xi32, #tpu.memory_space<hbm>> -> memref<86x128xi32, #tpu.memory_space<hbm>>
      tpu.enqueue_dma source(%dma_start3A_24 : memref<86x128xi32, #tpu.memory_space<hbm>>) target(%arg6 : memref<86x128xi32, #tpu.memory_space<vmem>>) target_semaphore(%run_scoped3A_19 : memref<!tpu.dma_semaphore, #tpu.memory_space<semaphore_mem>>)
      %dma_wait3A = arith.constant 0 : i32
      %dma_wait3A_25 = tpu.memref_slice %arg3[%run_scoped3A, %select_n3A_6, %dma_wait3A] : memref<2x2542x128xi32, #tpu.memory_space<hbm>> -> memref<1x86x128xi32, #tpu.memory_space<hbm>>
      %dma_wait3A_26 = tpu.memref_squeeze %dma_wait3A_25 : memref<1x86x128xi32, #tpu.memory_space<hbm>> -> memref<86x128xi32, #tpu.memory_space<hbm>>
      %dma_wait3A_27 = arith.constant 0 : i32
      %dma_wait3A_28 = tpu.memref_slice %arg3[%run_scoped3A, %select_n3A_6, %dma_wait3A_27] : memref<2x2542x128xi32, #tpu.memory_space<hbm>> -> memref<1x86x128xi32, #tpu.memory_space<hbm>>
      %dma_wait3A_29 = tpu.memref_squeeze %dma_wait3A_28 : memref<1x86x128xi32, #tpu.memory_space<hbm>> -> memref<86x128xi32, #tpu.memory_space<hbm>>
      tpu.wait_dma2 semaphore(%run_scoped3A_19 : memref<!tpu.dma_semaphore, #tpu.memory_space<semaphore_mem>>) src(%dma_wait3A_29 : memref<86x128xi32, #tpu.memory_space<hbm>>) dst(%arg6 : memref<86x128xi32, #tpu.memory_space<vmem>>)
      tpu.yield
    }) : () -> ()
    %barrier3A = arith.constant 0 : index
    tpu.barrier barrier_id(%barrier3A)
    %while3A = arith.constant 0 : i32
    %while3A_9 = arith.constant 0 : i32
    %while3A_10 = arith.subi %select_n3A, %while3A_9 : i32
    %while3A_11 = arith.addi %while3A_9, %while3A_10 : i32
    %while3A_12 = arith.constant 1 : i32
    %while3A_13 = arith.divsi %while3A_10, %while3A_12 : i32
    %while3A_14 = arith.muli %while3A_13, %while3A_12 : i32
    %while3A_15 = arith.addi %while3A_9, %while3A_14 : i32
    %while3A_16 = arith.constant 1 : i32
    scf.for %while3A_19 = %while3A_9 to %while3A_15 step %while3A_16  : i32 {
      "tpu.region"() ({
        %run_scoped3A_20 = tpu.sem_alloc : memref<!tpu.dma_semaphore, #tpu.memory_space<semaphore_mem>>
        %dma_start3A = arith.constant 0 : i32
        %dma_start3A_21 = tpu.memref_slice %arg6[%while3A_19, %dma_start3A] : memref<86x128xi32, #tpu.memory_space<vmem>> -> memref<1x128xi32, #tpu.memory_space<vmem>>
        %dma_start3A_22 = tpu.memref_squeeze %dma_start3A_21 : memref<1x128xi32, #tpu.memory_space<vmem>> -> memref<128xi32, #tpu.memory_space<vmem>>
        %dma_start3A_23 = arith.constant 0 : i32
        %dma_start3A_24 = arith.constant 0 : i32
        %dma_start3A_25 = tpu.memref_slice %arg8[%dma_start3A_23, %dma_start3A_24] : memref<10112x8xf32, #tpu.memory_space<vmem_shared>> -> memref<10112x8xf32, #tpu.memory_space<vmem_shared>>
        tpu.enqueue_indirect_dma source(%arg7 : memref<128x8xf32, #tpu.memory_space<vmem>>) target(%dma_start3A_25 : memref<10112x8xf32, #tpu.memory_space<vmem_shared>>) offsets(%dma_start3A_22 : memref<128xi32, #tpu.memory_space<vmem>>) semaphore(%run_scoped3A_20 : memref<!tpu.dma_semaphore, #tpu.memory_space<semaphore_mem>>) {add = true}
        %dma_wait3A = arith.constant 0 : i32
        %dma_wait3A_26 = tpu.memref_slice %arg6[%while3A_19, %dma_wait3A] : memref<86x128xi32, #tpu.memory_space<vmem>> -> memref<1x128xi32, #tpu.memory_space<vmem>>
        %dma_wait3A_27 = tpu.memref_squeeze %dma_wait3A_26 : memref<1x128xi32, #tpu.memory_space<vmem>> -> memref<128xi32, #tpu.memory_space<vmem>>
        %dma_wait3A_28 = arith.constant 0 : i32
        %dma_wait3A_29 = arith.constant 0 : i32
        %dma_wait3A_30 = tpu.memref_slice %arg8[%dma_wait3A_28, %dma_wait3A_29] : memref<10112x8xf32, #tpu.memory_space<vmem_shared>> -> memref<10112x8xf32, #tpu.memory_space<vmem_shared>>
        tpu.wait_indirect_dma semaphore(%run_scoped3A_20 : memref<!tpu.dma_semaphore, #tpu.memory_space<semaphore_mem>>) src(%arg7 : memref<128x8xf32, #tpu.memory_space<vmem>>) dst(%dma_wait3A_30 : memref<10112x8xf32, #tpu.memory_space<vmem_shared>>)
        tpu.yield
      }) : () -> ()
    }
    %while3A_17 = arith.constant 1 : i32
    scf.for %while3A_19 = %while3A_15 to %while3A_11 step %while3A_17  : i32 {
      "tpu.region"() ({
        %run_scoped3A_20 = tpu.sem_alloc : memref<!tpu.dma_semaphore, #tpu.memory_space<semaphore_mem>>
        %dma_start3A = arith.constant 0 : i32
        %dma_start3A_21 = tpu.memref_slice %arg6[%while3A_19, %dma_start3A] : memref<86x128xi32, #tpu.memory_space<vmem>> -> memref<1x128xi32, #tpu.memory_space<vmem>>
        %dma_start3A_22 = tpu.memref_squeeze %dma_start3A_21 : memref<1x128xi32, #tpu.memory_space<vmem>> -> memref<128xi32, #tpu.memory_space<vmem>>
        %dma_start3A_23 = arith.constant 0 : i32
        %dma_start3A_24 = arith.constant 0 : i32
        %dma_start3A_25 = tpu.memref_slice %arg8[%dma_start3A_23, %dma_start3A_24] : memref<10112x8xf32, #tpu.memory_space<vmem_shared>> -> memref<10112x8xf32, #tpu.memory_space<vmem_shared>>
        tpu.enqueue_indirect_dma source(%arg7 : memref<128x8xf32, #tpu.memory_space<vmem>>) target(%dma_start3A_25 : memref<10112x8xf32, #tpu.memory_space<vmem_shared>>) offsets(%dma_start3A_22 : memref<128xi32, #tpu.memory_space<vmem>>) semaphore(%run_scoped3A_20 : memref<!tpu.dma_semaphore, #tpu.memory_space<semaphore_mem>>) {add = true}
        %dma_wait3A = arith.constant 0 : i32
        %dma_wait3A_26 = tpu.memref_slice %arg6[%while3A_19, %dma_wait3A] : memref<86x128xi32, #tpu.memory_space<vmem>> -> memref<1x128xi32, #tpu.memory_space<vmem>>
        %dma_wait3A_27 = tpu.memref_squeeze %dma_wait3A_26 : memref<1x128xi32, #tpu.memory_space<vmem>> -> memref<128xi32, #tpu.memory_space<vmem>>
        %dma_wait3A_28 = arith.constant 0 : i32
        %dma_wait3A_29 = arith.constant 0 : i32
        %dma_wait3A_30 = tpu.memref_slice %arg8[%dma_wait3A_28, %dma_wait3A_29] : memref<10112x8xf32, #tpu.memory_space<vmem_shared>> -> memref<10112x8xf32, #tpu.memory_space<vmem_shared>>
        tpu.wait_indirect_dma semaphore(%run_scoped3A_20 : memref<!tpu.dma_semaphore, #tpu.memory_space<semaphore_mem>>) src(%arg7 : memref<128x8xf32, #tpu.memory_space<vmem>>) dst(%dma_wait3A_30 : memref<10112x8xf32, #tpu.memory_space<vmem_shared>>)
        tpu.yield
      }) : () -> ()
    }
    %barrier3A_18 = arith.constant 0 : index
    tpu.barrier barrier_id(%barrier3A_18)
    "tpu.region"() ({
      %run_scoped3A_19 = tpu.sem_alloc : memref<!tpu.dma_semaphore, #tpu.memory_space<semaphore_mem>>
      %dma_start3A = arith.constant 0 : i32
      %dma_start3A_20 = tpu.memref_slice %arg5[%arg0, %multiple_of3A, %dma_start3A] : memref<2x10112x128xf32, #tpu.memory_space<hbm>> -> memref<1x632x8xf32, #tpu.memory_space<hbm>>
      %dma_start3A_21 = tpu.memref_squeeze %dma_start3A_20 : memref<1x632x8xf32, #tpu.memory_space<hbm>> -> memref<632x8xf32, #tpu.memory_space<hbm>>
      %dma_start3A_22 = arith.constant 0 : i32
      %dma_start3A_23 = tpu.memref_slice %arg8[%multiple_of3A, %dma_start3A_22] : memref<10112x8xf32, #tpu.memory_space<vmem_shared>> -> memref<632x8xf32, #tpu.memory_space<vmem_shared>>
      tpu.enqueue_dma source(%dma_start3A_23 : memref<632x8xf32, #tpu.memory_space<vmem_shared>>) target(%dma_start3A_21 : memref<632x8xf32, #tpu.memory_space<hbm>>) target_semaphore(%run_scoped3A_19 : memref<!tpu.dma_semaphore, #tpu.memory_space<semaphore_mem>>)
      %dma_wait3A = arith.constant 0 : i32
      %dma_wait3A_24 = tpu.memref_slice %arg5[%arg0, %multiple_of3A, %dma_wait3A] : memref<2x10112x128xf32, #tpu.memory_space<hbm>> -> memref<1x632x8xf32, #tpu.memory_space<hbm>>
      %dma_wait3A_25 = tpu.memref_squeeze %dma_wait3A_24 : memref<1x632x8xf32, #tpu.memory_space<hbm>> -> memref<632x8xf32, #tpu.memory_space<hbm>>
      %dma_wait3A_26 = arith.constant 0 : i32
      %dma_wait3A_27 = tpu.memref_slice %arg8[%multiple_of3A, %dma_wait3A_26] : memref<10112x8xf32, #tpu.memory_space<vmem_shared>> -> memref<632x8xf32, #tpu.memory_space<vmem_shared>>
      tpu.wait_dma2 semaphore(%run_scoped3A_19 : memref<!tpu.dma_semaphore, #tpu.memory_space<semaphore_mem>>) src(%dma_wait3A_27 : memref<632x8xf32, #tpu.memory_space<vmem_shared>>) dst(%dma_wait3A_25 : memref<632x8xf32, #tpu.memory_space<hbm>>)
      tpu.yield
    }) : () -> ()
    return
  }
}

#map = affine_map<(d0, d1) -> (0, 0)>
#map1 = affine_map<(d0, d1) -> (0, 0, 0)>
module attributes {stable_mosaic.version = 14 : i64} {
  func.func @body(%arg0: i32, %arg1: i32, %arg2: memref<10000x16xf32, #tpu.memory_space<hbm>>, %arg3: memref<2x2542x128xi32, #tpu.memory_space<hbm>>, %arg4: memref<10112x16xf32, #tpu.memory_space<hbm>>, %arg5: memref<2x10112x128xf32, #tpu.memory_space<hbm>>, %arg6: memref<86x128xi32, #tpu.memory_space<vmem>>, %arg7: memref<86x128xi32, #tpu.memory_space<vmem>>, %arg8: memref<128x16xf32, #tpu.memory_space<vmem>>, %arg9: memref<128x16xf32, #tpu.memory_space<vmem>>, %arg10: memref<10112x16xf32, #tpu.memory_space<vmem_shared>>, %arg11: memref<!tpu.dma_semaphore, #tpu.memory_space<semaphore_mem>>, %arg12: memref<!tpu.dma_semaphore, #tpu.memory_space<semaphore_mem>>, %arg13: memref<!tpu.dma_semaphore, #tpu.memory_space<semaphore_mem>>, %arg14: memref<!tpu.dma_semaphore, #tpu.memory_space<semaphore_mem>>) attributes {dimension_semantics = [#tpu.dimension_semantics<core_parallel>, #tpu.dimension_semantics<subcore_parallel>], iteration_bounds = array<i64: 2, 16>, scalar_prefetch = 0 : i64, scratch_operands = 9 : i64, tpu.core_type = #tpu.core_type<sc_vector_subcore>, window_params = [{transform_indices = #map}, {transform_indices = #map1}, {transform_indices = #map}, {transform_indices = #map1}]} {
    %eq3A = arith.constant 0 : i32
    %eq3A_0 = arith.cmpi eq, %arg0, %eq3A : i32
    %jit3A = arith.constant 86 : i32
    %jit3A_1 = arith.constant 72 : i32
    %select_n3A = arith.select %eq3A_0, %jit3A, %jit3A_1 : i32
    %mul3A = arith.constant 86 : i32
    %mul3A_2 = arith.muli %arg1, %mul3A : i32
    %mul3A_3 = arith.constant 72 : i32
    %mul3A_4 = arith.muli %arg1, %mul3A_3 : i32
    %add3A = arith.constant 1376 : i32
    %add3A_5 = arith.addi %add3A, %mul3A_4 : i32
    %select_n3A_6 = arith.select %eq3A_0, %mul3A_2, %add3A_5 : i32
    %mul3A_7 = arith.constant 632 : i32
    %mul3A_8 = arith.muli %arg1, %mul3A_7 : i32
    %multiple_of3A = tpu.assume_multiple %mul3A_8, 8 : i32
    "tpu.region"() ({
      %run_scoped3A_66 = tpu.sem_alloc : memref<!tpu.dma_semaphore, #tpu.memory_space<semaphore_mem>>
      %dma_start3A_67 = arith.constant 0 : i32
      %dma_start3A_68 = tpu.memref_slice %arg10[%multiple_of3A, %dma_start3A_67] : memref<10112x16xf32, #tpu.memory_space<vmem_shared>> -> memref<632x16xf32, #tpu.memory_space<vmem_shared>>
      %dma_start3A_69 = arith.constant 0 : i32
      %dma_start3A_70 = tpu.memref_slice %arg4[%multiple_of3A, %dma_start3A_69] : memref<10112x16xf32, #tpu.memory_space<hbm>> -> memref<632x16xf32, #tpu.memory_space<hbm>>
      tpu.enqueue_dma source(%dma_start3A_70 : memref<632x16xf32, #tpu.memory_space<hbm>>) target(%dma_start3A_68 : memref<632x16xf32, #tpu.memory_space<vmem_shared>>) target_semaphore(%run_scoped3A_66 : memref<!tpu.dma_semaphore, #tpu.memory_space<semaphore_mem>>)
      %dma_wait3A_71 = arith.constant 0 : i32
      %dma_wait3A_72 = tpu.memref_slice %arg10[%multiple_of3A, %dma_wait3A_71] : memref<10112x16xf32, #tpu.memory_space<vmem_shared>> -> memref<632x16xf32, #tpu.memory_space<vmem_shared>>
      %dma_wait3A_73 = arith.constant 0 : i32
      %dma_wait3A_74 = tpu.memref_slice %arg4[%multiple_of3A, %dma_wait3A_73] : memref<10112x16xf32, #tpu.memory_space<hbm>> -> memref<632x16xf32, #tpu.memory_space<hbm>>
      tpu.wait_dma2 semaphore(%run_scoped3A_66 : memref<!tpu.dma_semaphore, #tpu.memory_space<semaphore_mem>>) src(%dma_wait3A_74 : memref<632x16xf32, #tpu.memory_space<hbm>>) dst(%dma_wait3A_72 : memref<632x16xf32, #tpu.memory_space<vmem_shared>>)
      tpu.yield
    }) : () -> ()
    %run_scoped3A = arith.constant 0 : i32
    "tpu.region"() ({
      %run_scoped3A_66 = tpu.sem_alloc : memref<!tpu.dma_semaphore, #tpu.memory_space<semaphore_mem>>
      %dma_start3A_67 = arith.constant 0 : i32
      %dma_start3A_68 = tpu.memref_slice %arg3[%run_scoped3A, %select_n3A_6, %dma_start3A_67] : memref<2x2542x128xi32, #tpu.memory_space<hbm>> -> memref<1x86x128xi32, #tpu.memory_space<hbm>>
      %dma_start3A_69 = tpu.memref_squeeze %dma_start3A_68 : memref<1x86x128xi32, #tpu.memory_space<hbm>> -> memref<86x128xi32, #tpu.memory_space<hbm>>
      %dma_start3A_70 = arith.constant 0 : i32
      %dma_start3A_71 = tpu.memref_slice %arg3[%run_scoped3A, %select_n3A_6, %dma_start3A_70] : memref<2x2542x128xi32, #tpu.memory_space<hbm>> -> memref<1x86x128xi32, #tpu.memory_space<hbm>>
      %dma_start3A_72 = tpu.memref_squeeze %dma_start3A_71 : memref<1x86x128xi32, #tpu.memory_space<hbm>> -> memref<86x128xi32, #tpu.memory_space<hbm>>
      tpu.enqueue_dma source(%dma_start3A_72 : memref<86x128xi32, #tpu.memory_space<hbm>>) target(%arg6 : memref<86x128xi32, #tpu.memory_space<vmem>>) target_semaphore(%run_scoped3A_66 : memref<!tpu.dma_semaphore, #tpu.memory_space<semaphore_mem>>)
      %dma_wait3A_73 = arith.constant 0 : i32
      %dma_wait3A_74 = tpu.memref_slice %arg3[%run_scoped3A, %select_n3A_6, %dma_wait3A_73] : memref<2x2542x128xi32, #tpu.memory_space<hbm>> -> memref<1x86x128xi32, #tpu.memory_space<hbm>>
      %dma_wait3A_75 = tpu.memref_squeeze %dma_wait3A_74 : memref<1x86x128xi32, #tpu.memory_space<hbm>> -> memref<86x128xi32, #tpu.memory_space<hbm>>
      %dma_wait3A_76 = arith.constant 0 : i32
      %dma_wait3A_77 = tpu.memref_slice %arg3[%run_scoped3A, %select_n3A_6, %dma_wait3A_76] : memref<2x2542x128xi32, #tpu.memory_space<hbm>> -> memref<1x86x128xi32, #tpu.memory_space<hbm>>
      %dma_wait3A_78 = tpu.memref_squeeze %dma_wait3A_77 : memref<1x86x128xi32, #tpu.memory_space<hbm>> -> memref<86x128xi32, #tpu.memory_space<hbm>>
      tpu.wait_dma2 semaphore(%run_scoped3A_66 : memref<!tpu.dma_semaphore, #tpu.memory_space<semaphore_mem>>) src(%dma_wait3A_78 : memref<86x128xi32, #tpu.memory_space<hbm>>) dst(%arg6 : memref<86x128xi32, #tpu.memory_space<vmem>>)
      tpu.yield
    }) : () -> ()
    %run_scoped3A_9 = arith.constant 1 : i32
    "tpu.region"() ({
      %run_scoped3A_66 = tpu.sem_alloc : memref<!tpu.dma_semaphore, #tpu.memory_space<semaphore_mem>>
      %dma_start3A_67 = arith.constant 0 : i32
      %dma_start3A_68 = tpu.memref_slice %arg3[%run_scoped3A_9, %select_n3A_6, %dma_start3A_67] : memref<2x2542x128xi32, #tpu.memory_space<hbm>> -> memref<1x86x128xi32, #tpu.memory_space<hbm>>
      %dma_start3A_69 = tpu.memref_squeeze %dma_start3A_68 : memref<1x86x128xi32, #tpu.memory_space<hbm>> -> memref<86x128xi32, #tpu.memory_space<hbm>>
      %dma_start3A_70 = arith.constant 0 : i32
      %dma_start3A_71 = tpu.memref_slice %arg3[%run_scoped3A_9, %select_n3A_6, %dma_start3A_70] : memref<2x2542x128xi32, #tpu.memory_space<hbm>> -> memref<1x86x128xi32, #tpu.memory_space<hbm>>
      %dma_start3A_72 = tpu.memref_squeeze %dma_start3A_71 : memref<1x86x128xi32, #tpu.memory_space<hbm>> -> memref<86x128xi32, #tpu.memory_space<hbm>>
      tpu.enqueue_dma source(%dma_start3A_72 : memref<86x128xi32, #tpu.memory_space<hbm>>) target(%arg7 : memref<86x128xi32, #tpu.memory_space<vmem>>) target_semaphore(%run_scoped3A_66 : memref<!tpu.dma_semaphore, #tpu.memory_space<semaphore_mem>>)
      %dma_wait3A_73 = arith.constant 0 : i32
      %dma_wait3A_74 = tpu.memref_slice %arg3[%run_scoped3A_9, %select_n3A_6, %dma_wait3A_73] : memref<2x2542x128xi32, #tpu.memory_space<hbm>> -> memref<1x86x128xi32, #tpu.memory_space<hbm>>
      %dma_wait3A_75 = tpu.memref_squeeze %dma_wait3A_74 : memref<1x86x128xi32, #tpu.memory_space<hbm>> -> memref<86x128xi32, #tpu.memory_space<hbm>>
      %dma_wait3A_76 = arith.constant 0 : i32
      %dma_wait3A_77 = tpu.memref_slice %arg3[%run_scoped3A_9, %select_n3A_6, %dma_wait3A_76] : memref<2x2542x128xi32, #tpu.memory_space<hbm>> -> memref<1x86x128xi32, #tpu.memory_space<hbm>>
      %dma_wait3A_78 = tpu.memref_squeeze %dma_wait3A_77 : memref<1x86x128xi32, #tpu.memory_space<hbm>> -> memref<86x128xi32, #tpu.memory_space<hbm>>
      tpu.wait_dma2 semaphore(%run_scoped3A_66 : memref<!tpu.dma_semaphore, #tpu.memory_space<semaphore_mem>>) src(%dma_wait3A_78 : memref<86x128xi32, #tpu.memory_space<hbm>>) dst(%arg7 : memref<86x128xi32, #tpu.memory_space<vmem>>)
      tpu.yield
    }) : () -> ()
    %barrier3A = arith.constant 0 : index
    tpu.barrier barrier_id(%barrier3A)
    %dma_start3A = arith.constant 0 : i32
    %dma_start3A_10 = arith.constant 0 : i32
    %dma_start3A_11 = tpu.memref_slice %arg6[%dma_start3A, %dma_start3A_10] : memref<86x128xi32, #tpu.memory_space<vmem>> -> memref<1x128xi32, #tpu.memory_space<vmem>>
    %dma_start3A_12 = tpu.memref_squeeze %dma_start3A_11 : memref<1x128xi32, #tpu.memory_space<vmem>> -> memref<128xi32, #tpu.memory_space<vmem>>
    %dma_start3A_13 = arith.constant 0 : i32
    %dma_start3A_14 = arith.constant 0 : i32
    %dma_start3A_15 = tpu.memref_slice %arg2[%dma_start3A_13, %dma_start3A_14] : memref<10000x16xf32, #tpu.memory_space<hbm>> -> memref<10000x16xf32, #tpu.memory_space<hbm>>
    tpu.enqueue_indirect_dma source(%dma_start3A_15 : memref<10000x16xf32, #tpu.memory_space<hbm>>) target(%arg8 : memref<128x16xf32, #tpu.memory_space<vmem>>) offsets(%dma_start3A_12 : memref<128xi32, #tpu.memory_space<vmem>>) semaphore(%arg11 : memref<!tpu.dma_semaphore, #tpu.memory_space<semaphore_mem>>)
    %dma_start3A_16 = arith.constant 1 : i32
    %dma_start3A_17 = arith.constant 0 : i32
    %dma_start3A_18 = tpu.memref_slice %arg6[%dma_start3A_16, %dma_start3A_17] : memref<86x128xi32, #tpu.memory_space<vmem>> -> memref<1x128xi32, #tpu.memory_space<vmem>>
    %dma_start3A_19 = tpu.memref_squeeze %dma_start3A_18 : memref<1x128xi32, #tpu.memory_space<vmem>> -> memref<128xi32, #tpu.memory_space<vmem>>
    %dma_start3A_20 = arith.constant 0 : i32
    %dma_start3A_21 = arith.constant 0 : i32
    %dma_start3A_22 = tpu.memref_slice %arg2[%dma_start3A_20, %dma_start3A_21] : memref<10000x16xf32, #tpu.memory_space<hbm>> -> memref<10000x16xf32, #tpu.memory_space<hbm>>
    tpu.enqueue_indirect_dma source(%dma_start3A_22 : memref<10000x16xf32, #tpu.memory_space<hbm>>) target(%arg9 : memref<128x16xf32, #tpu.memory_space<vmem>>) offsets(%dma_start3A_19 : memref<128xi32, #tpu.memory_space<vmem>>) semaphore(%arg12 : memref<!tpu.dma_semaphore, #tpu.memory_space<semaphore_mem>>)
    %jit3A_23 = arith.constant 2 : i32
    %div3A = arith.divsi %select_n3A, %jit3A_23 : i32
    %sign3A = arith.constant 0 : i32
    %sign3A_24 = arith.cmpi sgt, %select_n3A, %sign3A : i32
    %sign3A_25 = arith.extui %sign3A_24 : i1 to i32
    %sign3A_26 = arith.constant 0 : i32
    %sign3A_27 = arith.cmpi slt, %select_n3A, %sign3A_26 : i32
    %sign3A_28 = arith.extui %sign3A_27 : i1 to i32
    %sign3A_29 = arith.subi %sign3A_25, %sign3A_28 : i32
    %sign3A_30 = arith.constant 0 : i32
    %sign3A_31 = arith.cmpi sgt, %jit3A_23, %sign3A_30 : i32
    %sign3A_32 = arith.extui %sign3A_31 : i1 to i32
    %sign3A_33 = arith.constant 0 : i32
    %sign3A_34 = arith.cmpi slt, %jit3A_23, %sign3A_33 : i32
    %sign3A_35 = arith.extui %sign3A_34 : i1 to i32
    %sign3A_36 = arith.subi %sign3A_32, %sign3A_35 : i32
    %ne3A = arith.cmpi ne, %sign3A_29, %sign3A_36 : i32
    %rem3A = arith.remsi %select_n3A, %jit3A_23 : i32
    %ne3A_37 = arith.constant 0 : i32
    %ne3A_38 = arith.cmpi ne, %rem3A, %ne3A_37 : i32
    %and3A = arith.andi %ne3A, %ne3A_38 : i1
    %sub3A = arith.constant 1 : i32
    %sub3A_39 = arith.subi %div3A, %sub3A : i32
    %select_n3A_40 = arith.select %and3A, %sub3A_39, %div3A : i32
    %while3A = arith.constant 0 : i32
    %while3A_41 = arith.constant 0 : i32
    %while3A_42 = arith.subi %select_n3A_40, %while3A_41 : i32
    %while3A_43 = arith.addi %while3A_41, %while3A_42 : i32
    %while3A_44 = arith.constant 1 : i32
    %while3A_45 = arith.divsi %while3A_42, %while3A_44 : i32
    %while3A_46 = arith.muli %while3A_45, %while3A_44 : i32
    %while3A_47 = arith.addi %while3A_41, %while3A_46 : i32
    %while3A_48 = arith.constant 1 : i32
    scf.for %while3A_66 = %while3A_41 to %while3A_47 step %while3A_48  : i32 {
      %mul3A_67 = arith.constant 2 : i32
      %mul3A_68 = arith.muli %while3A_66, %mul3A_67 : i32
      %dma_wait3A_69 = arith.constant 0 : i32
      %dma_wait3A_70 = tpu.memref_slice %arg6[%mul3A_68, %dma_wait3A_69] : memref<86x128xi32, #tpu.memory_space<vmem>> -> memref<1x128xi32, #tpu.memory_space<vmem>>
      %dma_wait3A_71 = tpu.memref_squeeze %dma_wait3A_70 : memref<1x128xi32, #tpu.memory_space<vmem>> -> memref<128xi32, #tpu.memory_space<vmem>>
      %dma_wait3A_72 = arith.constant 0 : i32
      %dma_wait3A_73 = arith.constant 0 : i32
      %dma_wait3A_74 = tpu.memref_slice %arg2[%dma_wait3A_72, %dma_wait3A_73] : memref<10000x16xf32, #tpu.memory_space<hbm>> -> memref<10000x16xf32, #tpu.memory_space<hbm>>
      tpu.wait_indirect_dma semaphore(%arg11 : memref<!tpu.dma_semaphore, #tpu.memory_space<semaphore_mem>>) src(%dma_wait3A_74 : memref<10000x16xf32, #tpu.memory_space<hbm>>) dst(%arg8 : memref<128x16xf32, #tpu.memory_space<vmem>>)
      %dma_start3A_75 = arith.constant 0 : i32
      %dma_start3A_76 = tpu.memref_slice %arg7[%mul3A_68, %dma_start3A_75] : memref<86x128xi32, #tpu.memory_space<vmem>> -> memref<1x128xi32, #tpu.memory_space<vmem>>
      %dma_start3A_77 = tpu.memref_squeeze %dma_start3A_76 : memref<1x128xi32, #tpu.memory_space<vmem>> -> memref<128xi32, #tpu.memory_space<vmem>>
      %dma_start3A_78 = arith.constant 0 : i32
      %dma_start3A_79 = arith.constant 0 : i32
      %dma_start3A_80 = tpu.memref_slice %arg10[%dma_start3A_78, %dma_start3A_79] : memref<10112x16xf32, #tpu.memory_space<vmem_shared>> -> memref<10112x16xf32, #tpu.memory_space<vmem_shared>>
      tpu.enqueue_indirect_dma source(%arg8 : memref<128x16xf32, #tpu.memory_space<vmem>>) target(%dma_start3A_80 : memref<10112x16xf32, #tpu.memory_space<vmem_shared>>) offsets(%dma_start3A_77 : memref<128xi32, #tpu.memory_space<vmem>>) semaphore(%arg13 : memref<!tpu.dma_semaphore, #tpu.memory_space<semaphore_mem>>) {add = true}
      %add3A_81 = arith.constant 1 : i32
      %add3A_82 = arith.addi %mul3A_68, %add3A_81 : i32
      %dma_wait3A_83 = arith.constant 0 : i32
      %dma_wait3A_84 = tpu.memref_slice %arg6[%add3A_82, %dma_wait3A_83] : memref<86x128xi32, #tpu.memory_space<vmem>> -> memref<1x128xi32, #tpu.memory_space<vmem>>
      %dma_wait3A_85 = tpu.memref_squeeze %dma_wait3A_84 : memref<1x128xi32, #tpu.memory_space<vmem>> -> memref<128xi32, #tpu.memory_space<vmem>>
      %dma_wait3A_86 = arith.constant 0 : i32
      %dma_wait3A_87 = arith.constant 0 : i32
      %dma_wait3A_88 = tpu.memref_slice %arg2[%dma_wait3A_86, %dma_wait3A_87] : memref<10000x16xf32, #tpu.memory_space<hbm>> -> memref<10000x16xf32, #tpu.memory_space<hbm>>
      tpu.wait_indirect_dma semaphore(%arg12 : memref<!tpu.dma_semaphore, #tpu.memory_space<semaphore_mem>>) src(%dma_wait3A_88 : memref<10000x16xf32, #tpu.memory_space<hbm>>) dst(%arg9 : memref<128x16xf32, #tpu.memory_space<vmem>>)
      %add3A_89 = arith.constant 1 : i32
      %add3A_90 = arith.addi %mul3A_68, %add3A_89 : i32
      %dma_start3A_91 = arith.constant 0 : i32
      %dma_start3A_92 = tpu.memref_slice %arg7[%add3A_90, %dma_start3A_91] : memref<86x128xi32, #tpu.memory_space<vmem>> -> memref<1x128xi32, #tpu.memory_space<vmem>>
      %dma_start3A_93 = tpu.memref_squeeze %dma_start3A_92 : memref<1x128xi32, #tpu.memory_space<vmem>> -> memref<128xi32, #tpu.memory_space<vmem>>
      %dma_start3A_94 = arith.constant 0 : i32
      %dma_start3A_95 = arith.constant 0 : i32
      %dma_start3A_96 = tpu.memref_slice %arg10[%dma_start3A_94, %dma_start3A_95] : memref<10112x16xf32, #tpu.memory_space<vmem_shared>> -> memref<10112x16xf32, #tpu.memory_space<vmem_shared>>
      tpu.enqueue_indirect_dma source(%arg9 : memref<128x16xf32, #tpu.memory_space<vmem>>) target(%dma_start3A_96 : memref<10112x16xf32, #tpu.memory_space<vmem_shared>>) offsets(%dma_start3A_93 : memref<128xi32, #tpu.memory_space<vmem>>) semaphore(%arg14 : memref<!tpu.dma_semaphore, #tpu.memory_space<semaphore_mem>>) {add = true}
      %add3A_97 = arith.constant 2 : i32
      %add3A_98 = arith.addi %mul3A_68, %add3A_97 : i32
      %lt3A = arith.cmpi slt, %add3A_98, %select_n3A : i32
      %convert_element_type3A = arith.extui %lt3A : i1 to i32
      %cond3A = arith.constant 0 : i32
      %cond3A_99 = arith.cmpi ne, %convert_element_type3A, %cond3A : i32
      scf.if %cond3A_99 {
        %dma_wait3A_106 = arith.constant 0 : i32
        %dma_wait3A_107 = tpu.memref_slice %arg7[%mul3A_68, %dma_wait3A_106] : memref<86x128xi32, #tpu.memory_space<vmem>> -> memref<1x128xi32, #tpu.memory_space<vmem>>
        %dma_wait3A_108 = tpu.memref_squeeze %dma_wait3A_107 : memref<1x128xi32, #tpu.memory_space<vmem>> -> memref<128xi32, #tpu.memory_space<vmem>>
        %dma_wait3A_109 = arith.constant 0 : i32
        %dma_wait3A_110 = arith.constant 0 : i32
        %dma_wait3A_111 = tpu.memref_slice %arg10[%dma_wait3A_109, %dma_wait3A_110] : memref<10112x16xf32, #tpu.memory_space<vmem_shared>> -> memref<10112x16xf32, #tpu.memory_space<vmem_shared>>
        tpu.wait_indirect_dma semaphore(%arg13 : memref<!tpu.dma_semaphore, #tpu.memory_space<semaphore_mem>>) src(%arg8 : memref<128x16xf32, #tpu.memory_space<vmem>>) dst(%dma_wait3A_111 : memref<10112x16xf32, #tpu.memory_space<vmem_shared>>)
        %add3A_112 = arith.constant 2 : i32
        %add3A_113 = arith.addi %mul3A_68, %add3A_112 : i32
        %dma_start3A_114 = arith.constant 0 : i32
        %dma_start3A_115 = tpu.memref_slice %arg6[%add3A_113, %dma_start3A_114] : memref<86x128xi32, #tpu.memory_space<vmem>> -> memref<1x128xi32, #tpu.memory_space<vmem>>
        %dma_start3A_116 = tpu.memref_squeeze %dma_start3A_115 : memref<1x128xi32, #tpu.memory_space<vmem>> -> memref<128xi32, #tpu.memory_space<vmem>>
        %dma_start3A_117 = arith.constant 0 : i32
        %dma_start3A_118 = arith.constant 0 : i32
        %dma_start3A_119 = tpu.memref_slice %arg2[%dma_start3A_117, %dma_start3A_118] : memref<10000x16xf32, #tpu.memory_space<hbm>> -> memref<10000x16xf32, #tpu.memory_space<hbm>>
        tpu.enqueue_indirect_dma source(%dma_start3A_119 : memref<10000x16xf32, #tpu.memory_space<hbm>>) target(%arg8 : memref<128x16xf32, #tpu.memory_space<vmem>>) offsets(%dma_start3A_116 : memref<128xi32, #tpu.memory_space<vmem>>) semaphore(%arg11 : memref<!tpu.dma_semaphore, #tpu.memory_space<semaphore_mem>>)
      } else {
      }
      %add3A_100 = arith.constant 3 : i32
      %add3A_101 = arith.addi %mul3A_68, %add3A_100 : i32
      %lt3A_102 = arith.cmpi slt, %add3A_101, %select_n3A : i32
      %convert_element_type3A_103 = arith.extui %lt3A_102 : i1 to i32
      %cond3A_104 = arith.constant 0 : i32
      %cond3A_105 = arith.cmpi ne, %convert_element_type3A_103, %cond3A_104 : i32
      scf.if %cond3A_105 {
        %add3A_106 = arith.constant 1 : i32
        %add3A_107 = arith.addi %mul3A_68, %add3A_106 : i32
        %dma_wait3A_108 = arith.constant 0 : i32
        %dma_wait3A_109 = tpu.memref_slice %arg7[%add3A_107, %dma_wait3A_108] : memref<86x128xi32, #tpu.memory_space<vmem>> -> memref<1x128xi32, #tpu.memory_space<vmem>>
        %dma_wait3A_110 = tpu.memref_squeeze %dma_wait3A_109 : memref<1x128xi32, #tpu.memory_space<vmem>> -> memref<128xi32, #tpu.memory_space<vmem>>
        %dma_wait3A_111 = arith.constant 0 : i32
        %dma_wait3A_112 = arith.constant 0 : i32
        %dma_wait3A_113 = tpu.memref_slice %arg10[%dma_wait3A_111, %dma_wait3A_112] : memref<10112x16xf32, #tpu.memory_space<vmem_shared>> -> memref<10112x16xf32, #tpu.memory_space<vmem_shared>>
        tpu.wait_indirect_dma semaphore(%arg14 : memref<!tpu.dma_semaphore, #tpu.memory_space<semaphore_mem>>) src(%arg9 : memref<128x16xf32, #tpu.memory_space<vmem>>) dst(%dma_wait3A_113 : memref<10112x16xf32, #tpu.memory_space<vmem_shared>>)
        %add3A_114 = arith.constant 3 : i32
        %add3A_115 = arith.addi %mul3A_68, %add3A_114 : i32
        %dma_start3A_116 = arith.constant 0 : i32
        %dma_start3A_117 = tpu.memref_slice %arg6[%add3A_115, %dma_start3A_116] : memref<86x128xi32, #tpu.memory_space<vmem>> -> memref<1x128xi32, #tpu.memory_space<vmem>>
        %dma_start3A_118 = tpu.memref_squeeze %dma_start3A_117 : memref<1x128xi32, #tpu.memory_space<vmem>> -> memref<128xi32, #tpu.memory_space<vmem>>
        %dma_start3A_119 = arith.constant 0 : i32
        %dma_start3A_120 = arith.constant 0 : i32
        %dma_start3A_121 = tpu.memref_slice %arg2[%dma_start3A_119, %dma_start3A_120] : memref<10000x16xf32, #tpu.memory_space<hbm>> -> memref<10000x16xf32, #tpu.memory_space<hbm>>
        tpu.enqueue_indirect_dma source(%dma_start3A_121 : memref<10000x16xf32, #tpu.memory_space<hbm>>) target(%arg9 : memref<128x16xf32, #tpu.memory_space<vmem>>) offsets(%dma_start3A_118 : memref<128xi32, #tpu.memory_space<vmem>>) semaphore(%arg12 : memref<!tpu.dma_semaphore, #tpu.memory_space<semaphore_mem>>)
      } else {
      }
    }
    %while3A_49 = arith.constant 1 : i32
    scf.for %while3A_66 = %while3A_47 to %while3A_43 step %while3A_49  : i32 {
      %mul3A_67 = arith.constant 2 : i32
      %mul3A_68 = arith.muli %while3A_66, %mul3A_67 : i32
      %dma_wait3A_69 = arith.constant 0 : i32
      %dma_wait3A_70 = tpu.memref_slice %arg6[%mul3A_68, %dma_wait3A_69] : memref<86x128xi32, #tpu.memory_space<vmem>> -> memref<1x128xi32, #tpu.memory_space<vmem>>
      %dma_wait3A_71 = tpu.memref_squeeze %dma_wait3A_70 : memref<1x128xi32, #tpu.memory_space<vmem>> -> memref<128xi32, #tpu.memory_space<vmem>>
      %dma_wait3A_72 = arith.constant 0 : i32
      %dma_wait3A_73 = arith.constant 0 : i32
      %dma_wait3A_74 = tpu.memref_slice %arg2[%dma_wait3A_72, %dma_wait3A_73] : memref<10000x16xf32, #tpu.memory_space<hbm>> -> memref<10000x16xf32, #tpu.memory_space<hbm>>
      tpu.wait_indirect_dma semaphore(%arg11 : memref<!tpu.dma_semaphore, #tpu.memory_space<semaphore_mem>>) src(%dma_wait3A_74 : memref<10000x16xf32, #tpu.memory_space<hbm>>) dst(%arg8 : memref<128x16xf32, #tpu.memory_space<vmem>>)
      %dma_start3A_75 = arith.constant 0 : i32
      %dma_start3A_76 = tpu.memref_slice %arg7[%mul3A_68, %dma_start3A_75] : memref<86x128xi32, #tpu.memory_space<vmem>> -> memref<1x128xi32, #tpu.memory_space<vmem>>
      %dma_start3A_77 = tpu.memref_squeeze %dma_start3A_76 : memref<1x128xi32, #tpu.memory_space<vmem>> -> memref<128xi32, #tpu.memory_space<vmem>>
      %dma_start3A_78 = arith.constant 0 : i32
      %dma_start3A_79 = arith.constant 0 : i32
      %dma_start3A_80 = tpu.memref_slice %arg10[%dma_start3A_78, %dma_start3A_79] : memref<10112x16xf32, #tpu.memory_space<vmem_shared>> -> memref<10112x16xf32, #tpu.memory_space<vmem_shared>>
      tpu.enqueue_indirect_dma source(%arg8 : memref<128x16xf32, #tpu.memory_space<vmem>>) target(%dma_start3A_80 : memref<10112x16xf32, #tpu.memory_space<vmem_shared>>) offsets(%dma_start3A_77 : memref<128xi32, #tpu.memory_space<vmem>>) semaphore(%arg13 : memref<!tpu.dma_semaphore, #tpu.memory_space<semaphore_mem>>) {add = true}
      %add3A_81 = arith.constant 1 : i32
      %add3A_82 = arith.addi %mul3A_68, %add3A_81 : i32
      %dma_wait3A_83 = arith.constant 0 : i32
      %dma_wait3A_84 = tpu.memref_slice %arg6[%add3A_82, %dma_wait3A_83] : memref<86x128xi32, #tpu.memory_space<vmem>> -> memref<1x128xi32, #tpu.memory_space<vmem>>
      %dma_wait3A_85 = tpu.memref_squeeze %dma_wait3A_84 : memref<1x128xi32, #tpu.memory_space<vmem>> -> memref<128xi32, #tpu.memory_space<vmem>>
      %dma_wait3A_86 = arith.constant 0 : i32
      %dma_wait3A_87 = arith.constant 0 : i32
      %dma_wait3A_88 = tpu.memref_slice %arg2[%dma_wait3A_86, %dma_wait3A_87] : memref<10000x16xf32, #tpu.memory_space<hbm>> -> memref<10000x16xf32, #tpu.memory_space<hbm>>
      tpu.wait_indirect_dma semaphore(%arg12 : memref<!tpu.dma_semaphore, #tpu.memory_space<semaphore_mem>>) src(%dma_wait3A_88 : memref<10000x16xf32, #tpu.memory_space<hbm>>) dst(%arg9 : memref<128x16xf32, #tpu.memory_space<vmem>>)
      %add3A_89 = arith.constant 1 : i32
      %add3A_90 = arith.addi %mul3A_68, %add3A_89 : i32
      %dma_start3A_91 = arith.constant 0 : i32
      %dma_start3A_92 = tpu.memref_slice %arg7[%add3A_90, %dma_start3A_91] : memref<86x128xi32, #tpu.memory_space<vmem>> -> memref<1x128xi32, #tpu.memory_space<vmem>>
      %dma_start3A_93 = tpu.memref_squeeze %dma_start3A_92 : memref<1x128xi32, #tpu.memory_space<vmem>> -> memref<128xi32, #tpu.memory_space<vmem>>
      %dma_start3A_94 = arith.constant 0 : i32
      %dma_start3A_95 = arith.constant 0 : i32
      %dma_start3A_96 = tpu.memref_slice %arg10[%dma_start3A_94, %dma_start3A_95] : memref<10112x16xf32, #tpu.memory_space<vmem_shared>> -> memref<10112x16xf32, #tpu.memory_space<vmem_shared>>
      tpu.enqueue_indirect_dma source(%arg9 : memref<128x16xf32, #tpu.memory_space<vmem>>) target(%dma_start3A_96 : memref<10112x16xf32, #tpu.memory_space<vmem_shared>>) offsets(%dma_start3A_93 : memref<128xi32, #tpu.memory_space<vmem>>) semaphore(%arg14 : memref<!tpu.dma_semaphore, #tpu.memory_space<semaphore_mem>>) {add = true}
      %add3A_97 = arith.constant 2 : i32
      %add3A_98 = arith.addi %mul3A_68, %add3A_97 : i32
      %lt3A = arith.cmpi slt, %add3A_98, %select_n3A : i32
      %convert_element_type3A = arith.extui %lt3A : i1 to i32
      %cond3A = arith.constant 0 : i32
      %cond3A_99 = arith.cmpi ne, %convert_element_type3A, %cond3A : i32
      scf.if %cond3A_99 {
        %dma_wait3A_106 = arith.constant 0 : i32
        %dma_wait3A_107 = tpu.memref_slice %arg7[%mul3A_68, %dma_wait3A_106] : memref<86x128xi32, #tpu.memory_space<vmem>> -> memref<1x128xi32, #tpu.memory_space<vmem>>
        %dma_wait3A_108 = tpu.memref_squeeze %dma_wait3A_107 : memref<1x128xi32, #tpu.memory_space<vmem>> -> memref<128xi32, #tpu.memory_space<vmem>>
        %dma_wait3A_109 = arith.constant 0 : i32
        %dma_wait3A_110 = arith.constant 0 : i32
        %dma_wait3A_111 = tpu.memref_slice %arg10[%dma_wait3A_109, %dma_wait3A_110] : memref<10112x16xf32, #tpu.memory_space<vmem_shared>> -> memref<10112x16xf32, #tpu.memory_space<vmem_shared>>
        tpu.wait_indirect_dma semaphore(%arg13 : memref<!tpu.dma_semaphore, #tpu.memory_space<semaphore_mem>>) src(%arg8 : memref<128x16xf32, #tpu.memory_space<vmem>>) dst(%dma_wait3A_111 : memref<10112x16xf32, #tpu.memory_space<vmem_shared>>)
        %add3A_112 = arith.constant 2 : i32
        %add3A_113 = arith.addi %mul3A_68, %add3A_112 : i32
        %dma_start3A_114 = arith.constant 0 : i32
        %dma_start3A_115 = tpu.memref_slice %arg6[%add3A_113, %dma_start3A_114] : memref<86x128xi32, #tpu.memory_space<vmem>> -> memref<1x128xi32, #tpu.memory_space<vmem>>
        %dma_start3A_116 = tpu.memref_squeeze %dma_start3A_115 : memref<1x128xi32, #tpu.memory_space<vmem>> -> memref<128xi32, #tpu.memory_space<vmem>>
        %dma_start3A_117 = arith.constant 0 : i32
        %dma_start3A_118 = arith.constant 0 : i32
        %dma_start3A_119 = tpu.memref_slice %arg2[%dma_start3A_117, %dma_start3A_118] : memref<10000x16xf32, #tpu.memory_space<hbm>> -> memref<10000x16xf32, #tpu.memory_space<hbm>>
        tpu.enqueue_indirect_dma source(%dma_start3A_119 : memref<10000x16xf32, #tpu.memory_space<hbm>>) target(%arg8 : memref<128x16xf32, #tpu.memory_space<vmem>>) offsets(%dma_start3A_116 : memref<128xi32, #tpu.memory_space<vmem>>) semaphore(%arg11 : memref<!tpu.dma_semaphore, #tpu.memory_space<semaphore_mem>>)
      } else {
      }
      %add3A_100 = arith.constant 3 : i32
      %add3A_101 = arith.addi %mul3A_68, %add3A_100 : i32
      %lt3A_102 = arith.cmpi slt, %add3A_101, %select_n3A : i32
      %convert_element_type3A_103 = arith.extui %lt3A_102 : i1 to i32
      %cond3A_104 = arith.constant 0 : i32
      %cond3A_105 = arith.cmpi ne, %convert_element_type3A_103, %cond3A_104 : i32
      scf.if %cond3A_105 {
        %add3A_106 = arith.constant 1 : i32
        %add3A_107 = arith.addi %mul3A_68, %add3A_106 : i32
        %dma_wait3A_108 = arith.constant 0 : i32
        %dma_wait3A_109 = tpu.memref_slice %arg7[%add3A_107, %dma_wait3A_108] : memref<86x128xi32, #tpu.memory_space<vmem>> -> memref<1x128xi32, #tpu.memory_space<vmem>>
        %dma_wait3A_110 = tpu.memref_squeeze %dma_wait3A_109 : memref<1x128xi32, #tpu.memory_space<vmem>> -> memref<128xi32, #tpu.memory_space<vmem>>
        %dma_wait3A_111 = arith.constant 0 : i32
        %dma_wait3A_112 = arith.constant 0 : i32
        %dma_wait3A_113 = tpu.memref_slice %arg10[%dma_wait3A_111, %dma_wait3A_112] : memref<10112x16xf32, #tpu.memory_space<vmem_shared>> -> memref<10112x16xf32, #tpu.memory_space<vmem_shared>>
        tpu.wait_indirect_dma semaphore(%arg14 : memref<!tpu.dma_semaphore, #tpu.memory_space<semaphore_mem>>) src(%arg9 : memref<128x16xf32, #tpu.memory_space<vmem>>) dst(%dma_wait3A_113 : memref<10112x16xf32, #tpu.memory_space<vmem_shared>>)
        %add3A_114 = arith.constant 3 : i32
        %add3A_115 = arith.addi %mul3A_68, %add3A_114 : i32
        %dma_start3A_116 = arith.constant 0 : i32
        %dma_start3A_117 = tpu.memref_slice %arg6[%add3A_115, %dma_start3A_116] : memref<86x128xi32, #tpu.memory_space<vmem>> -> memref<1x128xi32, #tpu.memory_space<vmem>>
        %dma_start3A_118 = tpu.memref_squeeze %dma_start3A_117 : memref<1x128xi32, #tpu.memory_space<vmem>> -> memref<128xi32, #tpu.memory_space<vmem>>
        %dma_start3A_119 = arith.constant 0 : i32
        %dma_start3A_120 = arith.constant 0 : i32
        %dma_start3A_121 = tpu.memref_slice %arg2[%dma_start3A_119, %dma_start3A_120] : memref<10000x16xf32, #tpu.memory_space<hbm>> -> memref<10000x16xf32, #tpu.memory_space<hbm>>
        tpu.enqueue_indirect_dma source(%dma_start3A_121 : memref<10000x16xf32, #tpu.memory_space<hbm>>) target(%arg9 : memref<128x16xf32, #tpu.memory_space<vmem>>) offsets(%dma_start3A_118 : memref<128xi32, #tpu.memory_space<vmem>>) semaphore(%arg12 : memref<!tpu.dma_semaphore, #tpu.memory_space<semaphore_mem>>)
      } else {
      }
    }
    %sub3A_50 = arith.constant 2 : i32
    %sub3A_51 = arith.subi %select_n3A, %sub3A_50 : i32
    %dma_wait3A = arith.constant 0 : i32
    %dma_wait3A_52 = tpu.memref_slice %arg7[%sub3A_51, %dma_wait3A] : memref<86x128xi32, #tpu.memory_space<vmem>> -> memref<1x128xi32, #tpu.memory_space<vmem>>
    %dma_wait3A_53 = tpu.memref_squeeze %dma_wait3A_52 : memref<1x128xi32, #tpu.memory_space<vmem>> -> memref<128xi32, #tpu.memory_space<vmem>>
    %dma_wait3A_54 = arith.constant 0 : i32
    %dma_wait3A_55 = arith.constant 0 : i32
    %dma_wait3A_56 = tpu.memref_slice %arg10[%dma_wait3A_54, %dma_wait3A_55] : memref<10112x16xf32, #tpu.memory_space<vmem_shared>> -> memref<10112x16xf32, #tpu.memory_space<vmem_shared>>
    tpu.wait_indirect_dma semaphore(%arg13 : memref<!tpu.dma_semaphore, #tpu.memory_space<semaphore_mem>>) src(%arg8 : memref<128x16xf32, #tpu.memory_space<vmem>>) dst(%dma_wait3A_56 : memref<10112x16xf32, #tpu.memory_space<vmem_shared>>)
    %sub3A_57 = arith.constant 1 : i32
    %sub3A_58 = arith.subi %select_n3A, %sub3A_57 : i32
    %dma_wait3A_59 = arith.constant 0 : i32
    %dma_wait3A_60 = tpu.memref_slice %arg7[%sub3A_58, %dma_wait3A_59] : memref<86x128xi32, #tpu.memory_space<vmem>> -> memref<1x128xi32, #tpu.memory_space<vmem>>
    %dma_wait3A_61 = tpu.memref_squeeze %dma_wait3A_60 : memref<1x128xi32, #tpu.memory_space<vmem>> -> memref<128xi32, #tpu.memory_space<vmem>>
    %dma_wait3A_62 = arith.constant 0 : i32
    %dma_wait3A_63 = arith.constant 0 : i32
    %dma_wait3A_64 = tpu.memref_slice %arg10[%dma_wait3A_62, %dma_wait3A_63] : memref<10112x16xf32, #tpu.memory_space<vmem_shared>> -> memref<10112x16xf32, #tpu.memory_space<vmem_shared>>
    tpu.wait_indirect_dma semaphore(%arg14 : memref<!tpu.dma_semaphore, #tpu.memory_space<semaphore_mem>>) src(%arg9 : memref<128x16xf32, #tpu.memory_space<vmem>>) dst(%dma_wait3A_64 : memref<10112x16xf32, #tpu.memory_space<vmem_shared>>)
    %barrier3A_65 = arith.constant 0 : index
    tpu.barrier barrier_id(%barrier3A_65)
    "tpu.region"() ({
      %run_scoped3A_66 = tpu.sem_alloc : memref<!tpu.dma_semaphore, #tpu.memory_space<semaphore_mem>>
      %dma_start3A_67 = arith.constant 0 : i32
      %dma_start3A_68 = tpu.memref_slice %arg5[%arg0, %multiple_of3A, %dma_start3A_67] : memref<2x10112x128xf32, #tpu.memory_space<hbm>> -> memref<1x632x16xf32, #tpu.memory_space<hbm>>
      %dma_start3A_69 = tpu.memref_squeeze %dma_start3A_68 : memref<1x632x16xf32, #tpu.memory_space<hbm>> -> memref<632x16xf32, #tpu.memory_space<hbm>>
      %dma_start3A_70 = arith.constant 0 : i32
      %dma_start3A_71 = tpu.memref_slice %arg10[%multiple_of3A, %dma_start3A_70] : memref<10112x16xf32, #tpu.memory_space<vmem_shared>> -> memref<632x16xf32, #tpu.memory_space<vmem_shared>>
      tpu.enqueue_dma source(%dma_start3A_71 : memref<632x16xf32, #tpu.memory_space<vmem_shared>>) target(%dma_start3A_69 : memref<632x16xf32, #tpu.memory_space<hbm>>) target_semaphore(%run_scoped3A_66 : memref<!tpu.dma_semaphore, #tpu.memory_space<semaphore_mem>>)
      %dma_wait3A_72 = arith.constant 0 : i32
      %dma_wait3A_73 = tpu.memref_slice %arg5[%arg0, %multiple_of3A, %dma_wait3A_72] : memref<2x10112x128xf32, #tpu.memory_space<hbm>> -> memref<1x632x16xf32, #tpu.memory_space<hbm>>
      %dma_wait3A_74 = tpu.memref_squeeze %dma_wait3A_73 : memref<1x632x16xf32, #tpu.memory_space<hbm>> -> memref<632x16xf32, #tpu.memory_space<hbm>>
      %dma_wait3A_75 = arith.constant 0 : i32
      %dma_wait3A_76 = tpu.memref_slice %arg10[%multiple_of3A, %dma_wait3A_75] : memref<10112x16xf32, #tpu.memory_space<vmem_shared>> -> memref<632x16xf32, #tpu.memory_space<vmem_shared>>
      tpu.wait_dma2 semaphore(%run_scoped3A_66 : memref<!tpu.dma_semaphore, #tpu.memory_space<semaphore_mem>>) src(%dma_wait3A_76 : memref<632x16xf32, #tpu.memory_space<vmem_shared>>) dst(%dma_wait3A_74 : memref<632x16xf32, #tpu.memory_space<hbm>>)
      tpu.yield
    }) : () -> ()
    return
  }
}

#map = affine_map<(d0, d1) -> (0, 0)>
#map1 = affine_map<(d0, d1) -> (0, 0, 0)>
module attributes {stable_mosaic.version = 14 : i64} {
  func.func @body(%arg0: i32, %arg1: i32, %arg2: memref<10000x16xf32, #tpu.memory_space<hbm>>, %arg3: memref<2x2542x128xi32, #tpu.memory_space<hbm>>, %arg4: memref<10112x16xf32, #tpu.memory_space<hbm>>, %arg5: memref<2x10112x128xf32, #tpu.memory_space<hbm>>, %arg6: memref<86x128xi32, #tpu.memory_space<vmem>>, %arg7: memref<86x128xi32, #tpu.memory_space<vmem>>, %arg8: memref<128x16xf32, #tpu.memory_space<vmem>>, %arg9: memref<128x16xf32, #tpu.memory_space<vmem>>, %arg10: memref<10112x16xf32, #tpu.memory_space<vmem_shared>>, %arg11: memref<!tpu.dma_semaphore, #tpu.memory_space<semaphore_mem>>, %arg12: memref<!tpu.dma_semaphore, #tpu.memory_space<semaphore_mem>>, %arg13: memref<!tpu.dma_semaphore, #tpu.memory_space<semaphore_mem>>, %arg14: memref<!tpu.dma_semaphore, #tpu.memory_space<semaphore_mem>>) attributes {dimension_semantics = [#tpu.dimension_semantics<core_parallel>, #tpu.dimension_semantics<subcore_parallel>], iteration_bounds = array<i64: 2, 16>, scalar_prefetch = 0 : i64, scratch_operands = 9 : i64, tpu.core_type = #tpu.core_type<sc_vector_subcore>, window_params = [{transform_indices = #map}, {transform_indices = #map1}, {transform_indices = #map}, {transform_indices = #map1}]} {
    %eq3A = arith.constant 0 : i32
    %eq3A_0 = arith.cmpi eq, %arg0, %eq3A : i32
    %jit3A = arith.constant 86 : i32
    %jit3A_1 = arith.constant 72 : i32
    %select_n3A = arith.select %eq3A_0, %jit3A, %jit3A_1 : i32
    %mul3A = arith.constant 86 : i32
    %mul3A_2 = arith.muli %arg1, %mul3A : i32
    %mul3A_3 = arith.constant 72 : i32
    %mul3A_4 = arith.muli %arg1, %mul3A_3 : i32
    %add3A = arith.constant 1376 : i32
    %add3A_5 = arith.addi %add3A, %mul3A_4 : i32
    %select_n3A_6 = arith.select %eq3A_0, %mul3A_2, %add3A_5 : i32
    %mul3A_7 = arith.constant 632 : i32
    %mul3A_8 = arith.muli %arg1, %mul3A_7 : i32
    %multiple_of3A = tpu.assume_multiple %mul3A_8, 8 : i32
    "tpu.region"() ({
      %run_scoped3A_66 = tpu.sem_alloc : memref<!tpu.dma_semaphore, #tpu.memory_space<semaphore_mem>>
      %dma_start3A_67 = arith.constant 0 : i32
      %dma_start3A_68 = tpu.memref_slice %arg10[%multiple_of3A, %dma_start3A_67] : memref<10112x16xf32, #tpu.memory_space<vmem_shared>> -> memref<632x16xf32, #tpu.memory_space<vmem_shared>>
      %dma_start3A_69 = arith.constant 0 : i32
      %dma_start3A_70 = tpu.memref_slice %arg4[%multiple_of3A, %dma_start3A_69] : memref<10112x16xf32, #tpu.memory_space<hbm>> -> memref<632x16xf32, #tpu.memory_space<hbm>>
      tpu.enqueue_dma source(%dma_start3A_70 : memref<632x16xf32, #tpu.memory_space<hbm>>) target(%dma_start3A_68 : memref<632x16xf32, #tpu.memory_space<vmem_shared>>) target_semaphore(%run_scoped3A_66 : memref<!tpu.dma_semaphore, #tpu.memory_space<semaphore_mem>>)
      %dma_wait3A_71 = arith.constant 0 : i32
      %dma_wait3A_72 = tpu.memref_slice %arg10[%multiple_of3A, %dma_wait3A_71] : memref<10112x16xf32, #tpu.memory_space<vmem_shared>> -> memref<632x16xf32, #tpu.memory_space<vmem_shared>>
      %dma_wait3A_73 = arith.constant 0 : i32
      %dma_wait3A_74 = tpu.memref_slice %arg4[%multiple_of3A, %dma_wait3A_73] : memref<10112x16xf32, #tpu.memory_space<hbm>> -> memref<632x16xf32, #tpu.memory_space<hbm>>
      tpu.wait_dma2 semaphore(%run_scoped3A_66 : memref<!tpu.dma_semaphore, #tpu.memory_space<semaphore_mem>>) src(%dma_wait3A_74 : memref<632x16xf32, #tpu.memory_space<hbm>>) dst(%dma_wait3A_72 : memref<632x16xf32, #tpu.memory_space<vmem_shared>>)
      tpu.yield
    }) : () -> ()
    %run_scoped3A = arith.constant 0 : i32
    "tpu.region"() ({
      %run_scoped3A_66 = tpu.sem_alloc : memref<!tpu.dma_semaphore, #tpu.memory_space<semaphore_mem>>
      %dma_start3A_67 = arith.constant 0 : i32
      %dma_start3A_68 = tpu.memref_slice %arg3[%run_scoped3A, %select_n3A_6, %dma_start3A_67] : memref<2x2542x128xi32, #tpu.memory_space<hbm>> -> memref<1x86x128xi32, #tpu.memory_space<hbm>>
      %dma_start3A_69 = tpu.memref_squeeze %dma_start3A_68 : memref<1x86x128xi32, #tpu.memory_space<hbm>> -> memref<86x128xi32, #tpu.memory_space<hbm>>
      %dma_start3A_70 = arith.constant 0 : i32
      %dma_start3A_71 = tpu.memref_slice %arg3[%run_scoped3A, %select_n3A_6, %dma_start3A_70] : memref<2x2542x128xi32, #tpu.memory_space<hbm>> -> memref<1x86x128xi32, #tpu.memory_space<hbm>>
      %dma_start3A_72 = tpu.memref_squeeze %dma_start3A_71 : memref<1x86x128xi32, #tpu.memory_space<hbm>> -> memref<86x128xi32, #tpu.memory_space<hbm>>
      tpu.enqueue_dma source(%dma_start3A_72 : memref<86x128xi32, #tpu.memory_space<hbm>>) target(%arg6 : memref<86x128xi32, #tpu.memory_space<vmem>>) target_semaphore(%run_scoped3A_66 : memref<!tpu.dma_semaphore, #tpu.memory_space<semaphore_mem>>)
      %dma_wait3A_73 = arith.constant 0 : i32
      %dma_wait3A_74 = tpu.memref_slice %arg3[%run_scoped3A, %select_n3A_6, %dma_wait3A_73] : memref<2x2542x128xi32, #tpu.memory_space<hbm>> -> memref<1x86x128xi32, #tpu.memory_space<hbm>>
      %dma_wait3A_75 = tpu.memref_squeeze %dma_wait3A_74 : memref<1x86x128xi32, #tpu.memory_space<hbm>> -> memref<86x128xi32, #tpu.memory_space<hbm>>
      %dma_wait3A_76 = arith.constant 0 : i32
      %dma_wait3A_77 = tpu.memref_slice %arg3[%run_scoped3A, %select_n3A_6, %dma_wait3A_76] : memref<2x2542x128xi32, #tpu.memory_space<hbm>> -> memref<1x86x128xi32, #tpu.memory_space<hbm>>
      %dma_wait3A_78 = tpu.memref_squeeze %dma_wait3A_77 : memref<1x86x128xi32, #tpu.memory_space<hbm>> -> memref<86x128xi32, #tpu.memory_space<hbm>>
      tpu.wait_dma2 semaphore(%run_scoped3A_66 : memref<!tpu.dma_semaphore, #tpu.memory_space<semaphore_mem>>) src(%dma_wait3A_78 : memref<86x128xi32, #tpu.memory_space<hbm>>) dst(%arg6 : memref<86x128xi32, #tpu.memory_space<vmem>>)
      tpu.yield
    }) : () -> ()
    %run_scoped3A_9 = arith.constant 1 : i32
    "tpu.region"() ({
      %run_scoped3A_66 = tpu.sem_alloc : memref<!tpu.dma_semaphore, #tpu.memory_space<semaphore_mem>>
      %dma_start3A_67 = arith.constant 0 : i32
      %dma_start3A_68 = tpu.memref_slice %arg3[%run_scoped3A_9, %select_n3A_6, %dma_start3A_67] : memref<2x2542x128xi32, #tpu.memory_space<hbm>> -> memref<1x86x128xi32, #tpu.memory_space<hbm>>
      %dma_start3A_69 = tpu.memref_squeeze %dma_start3A_68 : memref<1x86x128xi32, #tpu.memory_space<hbm>> -> memref<86x128xi32, #tpu.memory_space<hbm>>
      %dma_start3A_70 = arith.constant 0 : i32
      %dma_start3A_71 = tpu.memref_slice %arg3[%run_scoped3A_9, %select_n3A_6, %dma_start3A_70] : memref<2x2542x128xi32, #tpu.memory_space<hbm>> -> memref<1x86x128xi32, #tpu.memory_space<hbm>>
      %dma_start3A_72 = tpu.memref_squeeze %dma_start3A_71 : memref<1x86x128xi32, #tpu.memory_space<hbm>> -> memref<86x128xi32, #tpu.memory_space<hbm>>
      tpu.enqueue_dma source(%dma_start3A_72 : memref<86x128xi32, #tpu.memory_space<hbm>>) target(%arg7 : memref<86x128xi32, #tpu.memory_space<vmem>>) target_semaphore(%run_scoped3A_66 : memref<!tpu.dma_semaphore, #tpu.memory_space<semaphore_mem>>)
      %dma_wait3A_73 = arith.constant 0 : i32
      %dma_wait3A_74 = tpu.memref_slice %arg3[%run_scoped3A_9, %select_n3A_6, %dma_wait3A_73] : memref<2x2542x128xi32, #tpu.memory_space<hbm>> -> memref<1x86x128xi32, #tpu.memory_space<hbm>>
      %dma_wait3A_75 = tpu.memref_squeeze %dma_wait3A_74 : memref<1x86x128xi32, #tpu.memory_space<hbm>> -> memref<86x128xi32, #tpu.memory_space<hbm>>
      %dma_wait3A_76 = arith.constant 0 : i32
      %dma_wait3A_77 = tpu.memref_slice %arg3[%run_scoped3A_9, %select_n3A_6, %dma_wait3A_76] : memref<2x2542x128xi32, #tpu.memory_space<hbm>> -> memref<1x86x128xi32, #tpu.memory_space<hbm>>
      %dma_wait3A_78 = tpu.memref_squeeze %dma_wait3A_77 : memref<1x86x128xi32, #tpu.memory_space<hbm>> -> memref<86x128xi32, #tpu.memory_space<hbm>>
      tpu.wait_dma2 semaphore(%run_scoped3A_66 : memref<!tpu.dma_semaphore, #tpu.memory_space<semaphore_mem>>) src(%dma_wait3A_78 : memref<86x128xi32, #tpu.memory_space<hbm>>) dst(%arg7 : memref<86x128xi32, #tpu.memory_space<vmem>>)
      tpu.yield
    }) : () -> ()
    %barrier3A = arith.constant 0 : index
    tpu.barrier barrier_id(%barrier3A)
    %dma_start3A = arith.constant 0 : i32
    %dma_start3A_10 = arith.constant 0 : i32
    %dma_start3A_11 = tpu.memref_slice %arg6[%dma_start3A, %dma_start3A_10] : memref<86x128xi32, #tpu.memory_space<vmem>> -> memref<1x128xi32, #tpu.memory_space<vmem>>
    %dma_start3A_12 = tpu.memref_squeeze %dma_start3A_11 : memref<1x128xi32, #tpu.memory_space<vmem>> -> memref<128xi32, #tpu.memory_space<vmem>>
    %dma_start3A_13 = arith.constant 0 : i32
    %dma_start3A_14 = arith.constant 0 : i32
    %dma_start3A_15 = tpu.memref_slice %arg2[%dma_start3A_13, %dma_start3A_14] : memref<10000x16xf32, #tpu.memory_space<hbm>> -> memref<10000x16xf32, #tpu.memory_space<hbm>>
    tpu.enqueue_indirect_dma source(%dma_start3A_15 : memref<10000x16xf32, #tpu.memory_space<hbm>>) target(%arg8 : memref<128x16xf32, #tpu.memory_space<vmem>>) offsets(%dma_start3A_12 : memref<128xi32, #tpu.memory_space<vmem>>) semaphore(%arg11 : memref<!tpu.dma_semaphore, #tpu.memory_space<semaphore_mem>>)
    %dma_start3A_16 = arith.constant 1 : i32
    %dma_start3A_17 = arith.constant 0 : i32
    %dma_start3A_18 = tpu.memref_slice %arg6[%dma_start3A_16, %dma_start3A_17] : memref<86x128xi32, #tpu.memory_space<vmem>> -> memref<1x128xi32, #tpu.memory_space<vmem>>
    %dma_start3A_19 = tpu.memref_squeeze %dma_start3A_18 : memref<1x128xi32, #tpu.memory_space<vmem>> -> memref<128xi32, #tpu.memory_space<vmem>>
    %dma_start3A_20 = arith.constant 0 : i32
    %dma_start3A_21 = arith.constant 0 : i32
    %dma_start3A_22 = tpu.memref_slice %arg2[%dma_start3A_20, %dma_start3A_21] : memref<10000x16xf32, #tpu.memory_space<hbm>> -> memref<10000x16xf32, #tpu.memory_space<hbm>>
    tpu.enqueue_indirect_dma source(%dma_start3A_22 : memref<10000x16xf32, #tpu.memory_space<hbm>>) target(%arg9 : memref<128x16xf32, #tpu.memory_space<vmem>>) offsets(%dma_start3A_19 : memref<128xi32, #tpu.memory_space<vmem>>) semaphore(%arg12 : memref<!tpu.dma_semaphore, #tpu.memory_space<semaphore_mem>>)
    %jit3A_23 = arith.constant 2 : i32
    %div3A = arith.divsi %select_n3A, %jit3A_23 : i32
    %sign3A = arith.constant 0 : i32
    %sign3A_24 = arith.cmpi sgt, %select_n3A, %sign3A : i32
    %sign3A_25 = arith.extui %sign3A_24 : i1 to i32
    %sign3A_26 = arith.constant 0 : i32
    %sign3A_27 = arith.cmpi slt, %select_n3A, %sign3A_26 : i32
    %sign3A_28 = arith.extui %sign3A_27 : i1 to i32
    %sign3A_29 = arith.subi %sign3A_25, %sign3A_28 : i32
    %sign3A_30 = arith.constant 0 : i32
    %sign3A_31 = arith.cmpi sgt, %jit3A_23, %sign3A_30 : i32
    %sign3A_32 = arith.extui %sign3A_31 : i1 to i32
    %sign3A_33 = arith.constant 0 : i32
    %sign3A_34 = arith.cmpi slt, %jit3A_23, %sign3A_33 : i32
    %sign3A_35 = arith.extui %sign3A_34 : i1 to i32
    %sign3A_36 = arith.subi %sign3A_32, %sign3A_35 : i32
    %ne3A = arith.cmpi ne, %sign3A_29, %sign3A_36 : i32
    %rem3A = arith.remsi %select_n3A, %jit3A_23 : i32
    %ne3A_37 = arith.constant 0 : i32
    %ne3A_38 = arith.cmpi ne, %rem3A, %ne3A_37 : i32
    %and3A = arith.andi %ne3A, %ne3A_38 : i1
    %sub3A = arith.constant 1 : i32
    %sub3A_39 = arith.subi %div3A, %sub3A : i32
    %select_n3A_40 = arith.select %and3A, %sub3A_39, %div3A : i32
    %while3A = arith.constant 0 : i32
    %while3A_41 = arith.constant 0 : i32
    %while3A_42 = arith.subi %select_n3A_40, %while3A_41 : i32
    %while3A_43 = arith.addi %while3A_41, %while3A_42 : i32
    %while3A_44 = arith.constant 1 : i32
    %while3A_45 = arith.divsi %while3A_42, %while3A_44 : i32
    %while3A_46 = arith.muli %while3A_45, %while3A_44 : i32
    %while3A_47 = arith.addi %while3A_41, %while3A_46 : i32
    %while3A_48 = arith.constant 1 : i32
    scf.for %while3A_66 = %while3A_41 to %while3A_47 step %while3A_48  : i32 {
      %mul3A_67 = arith.constant 2 : i32
      %mul3A_68 = arith.muli %while3A_66, %mul3A_67 : i32
      %dma_wait3A_69 = arith.constant 0 : i32
      %dma_wait3A_70 = tpu.memref_slice %arg6[%mul3A_68, %dma_wait3A_69] : memref<86x128xi32, #tpu.memory_space<vmem>> -> memref<1x128xi32, #tpu.memory_space<vmem>>
      %dma_wait3A_71 = tpu.memref_squeeze %dma_wait3A_70 : memref<1x128xi32, #tpu.memory_space<vmem>> -> memref<128xi32, #tpu.memory_space<vmem>>
      %dma_wait3A_72 = arith.constant 0 : i32
      %dma_wait3A_73 = arith.constant 0 : i32
      %dma_wait3A_74 = tpu.memref_slice %arg2[%dma_wait3A_72, %dma_wait3A_73] : memref<10000x16xf32, #tpu.memory_space<hbm>> -> memref<10000x16xf32, #tpu.memory_space<hbm>>
      tpu.wait_indirect_dma semaphore(%arg11 : memref<!tpu.dma_semaphore, #tpu.memory_space<semaphore_mem>>) src(%dma_wait3A_74 : memref<10000x16xf32, #tpu.memory_space<hbm>>) dst(%arg8 : memref<128x16xf32, #tpu.memory_space<vmem>>)
      %dma_start3A_75 = arith.constant 0 : i32
      %dma_start3A_76 = tpu.memref_slice %arg7[%mul3A_68, %dma_start3A_75] : memref<86x128xi32, #tpu.memory_space<vmem>> -> memref<1x128xi32, #tpu.memory_space<vmem>>
      %dma_start3A_77 = tpu.memref_squeeze %dma_start3A_76 : memref<1x128xi32, #tpu.memory_space<vmem>> -> memref<128xi32, #tpu.memory_space<vmem>>
      %dma_start3A_78 = arith.constant 0 : i32
      %dma_start3A_79 = arith.constant 0 : i32
      %dma_start3A_80 = tpu.memref_slice %arg10[%dma_start3A_78, %dma_start3A_79] : memref<10112x16xf32, #tpu.memory_space<vmem_shared>> -> memref<10112x16xf32, #tpu.memory_space<vmem_shared>>
      tpu.enqueue_indirect_dma source(%arg8 : memref<128x16xf32, #tpu.memory_space<vmem>>) target(%dma_start3A_80 : memref<10112x16xf32, #tpu.memory_space<vmem_shared>>) offsets(%dma_start3A_77 : memref<128xi32, #tpu.memory_space<vmem>>) semaphore(%arg13 : memref<!tpu.dma_semaphore, #tpu.memory_space<semaphore_mem>>) {add = true}
      %add3A_81 = arith.constant 1 : i32
      %add3A_82 = arith.addi %mul3A_68, %add3A_81 : i32
      %dma_wait3A_83 = arith.constant 0 : i32
      %dma_wait3A_84 = tpu.memref_slice %arg6[%add3A_82, %dma_wait3A_83] : memref<86x128xi32, #tpu.memory_space<vmem>> -> memref<1x128xi32, #tpu.memory_space<vmem>>
      %dma_wait3A_85 = tpu.memref_squeeze %dma_wait3A_84 : memref<1x128xi32, #tpu.memory_space<vmem>> -> memref<128xi32, #tpu.memory_space<vmem>>
      %dma_wait3A_86 = arith.constant 0 : i32
      %dma_wait3A_87 = arith.constant 0 : i32
      %dma_wait3A_88 = tpu.memref_slice %arg2[%dma_wait3A_86, %dma_wait3A_87] : memref<10000x16xf32, #tpu.memory_space<hbm>> -> memref<10000x16xf32, #tpu.memory_space<hbm>>
      tpu.wait_indirect_dma semaphore(%arg12 : memref<!tpu.dma_semaphore, #tpu.memory_space<semaphore_mem>>) src(%dma_wait3A_88 : memref<10000x16xf32, #tpu.memory_space<hbm>>) dst(%arg9 : memref<128x16xf32, #tpu.memory_space<vmem>>)
      %add3A_89 = arith.constant 1 : i32
      %add3A_90 = arith.addi %mul3A_68, %add3A_89 : i32
      %dma_start3A_91 = arith.constant 0 : i32
      %dma_start3A_92 = tpu.memref_slice %arg7[%add3A_90, %dma_start3A_91] : memref<86x128xi32, #tpu.memory_space<vmem>> -> memref<1x128xi32, #tpu.memory_space<vmem>>
      %dma_start3A_93 = tpu.memref_squeeze %dma_start3A_92 : memref<1x128xi32, #tpu.memory_space<vmem>> -> memref<128xi32, #tpu.memory_space<vmem>>
      %dma_start3A_94 = arith.constant 0 : i32
      %dma_start3A_95 = arith.constant 0 : i32
      %dma_start3A_96 = tpu.memref_slice %arg10[%dma_start3A_94, %dma_start3A_95] : memref<10112x16xf32, #tpu.memory_space<vmem_shared>> -> memref<10112x16xf32, #tpu.memory_space<vmem_shared>>
      tpu.enqueue_indirect_dma source(%arg9 : memref<128x16xf32, #tpu.memory_space<vmem>>) target(%dma_start3A_96 : memref<10112x16xf32, #tpu.memory_space<vmem_shared>>) offsets(%dma_start3A_93 : memref<128xi32, #tpu.memory_space<vmem>>) semaphore(%arg14 : memref<!tpu.dma_semaphore, #tpu.memory_space<semaphore_mem>>) {add = true}
      %add3A_97 = arith.constant 2 : i32
      %add3A_98 = arith.addi %mul3A_68, %add3A_97 : i32
      %lt3A = arith.cmpi slt, %add3A_98, %select_n3A : i32
      %convert_element_type3A = arith.extui %lt3A : i1 to i32
      %cond3A = arith.constant 0 : i32
      %cond3A_99 = arith.cmpi ne, %convert_element_type3A, %cond3A : i32
      scf.if %cond3A_99 {
        %dma_wait3A_106 = arith.constant 0 : i32
        %dma_wait3A_107 = tpu.memref_slice %arg7[%mul3A_68, %dma_wait3A_106] : memref<86x128xi32, #tpu.memory_space<vmem>> -> memref<1x128xi32, #tpu.memory_space<vmem>>
        %dma_wait3A_108 = tpu.memref_squeeze %dma_wait3A_107 : memref<1x128xi32, #tpu.memory_space<vmem>> -> memref<128xi32, #tpu.memory_space<vmem>>
        %dma_wait3A_109 = arith.constant 0 : i32
        %dma_wait3A_110 = arith.constant 0 : i32
        %dma_wait3A_111 = tpu.memref_slice %arg10[%dma_wait3A_109, %dma_wait3A_110] : memref<10112x16xf32, #tpu.memory_space<vmem_shared>> -> memref<10112x16xf32, #tpu.memory_space<vmem_shared>>
        tpu.wait_indirect_dma semaphore(%arg13 : memref<!tpu.dma_semaphore, #tpu.memory_space<semaphore_mem>>) src(%arg8 : memref<128x16xf32, #tpu.memory_space<vmem>>) dst(%dma_wait3A_111 : memref<10112x16xf32, #tpu.memory_space<vmem_shared>>)
        %add3A_112 = arith.constant 2 : i32
        %add3A_113 = arith.addi %mul3A_68, %add3A_112 : i32
        %dma_start3A_114 = arith.constant 0 : i32
        %dma_start3A_115 = tpu.memref_slice %arg6[%add3A_113, %dma_start3A_114] : memref<86x128xi32, #tpu.memory_space<vmem>> -> memref<1x128xi32, #tpu.memory_space<vmem>>
        %dma_start3A_116 = tpu.memref_squeeze %dma_start3A_115 : memref<1x128xi32, #tpu.memory_space<vmem>> -> memref<128xi32, #tpu.memory_space<vmem>>
        %dma_start3A_117 = arith.constant 0 : i32
        %dma_start3A_118 = arith.constant 0 : i32
        %dma_start3A_119 = tpu.memref_slice %arg2[%dma_start3A_117, %dma_start3A_118] : memref<10000x16xf32, #tpu.memory_space<hbm>> -> memref<10000x16xf32, #tpu.memory_space<hbm>>
        tpu.enqueue_indirect_dma source(%dma_start3A_119 : memref<10000x16xf32, #tpu.memory_space<hbm>>) target(%arg8 : memref<128x16xf32, #tpu.memory_space<vmem>>) offsets(%dma_start3A_116 : memref<128xi32, #tpu.memory_space<vmem>>) semaphore(%arg11 : memref<!tpu.dma_semaphore, #tpu.memory_space<semaphore_mem>>)
      } else {
      }
      %add3A_100 = arith.constant 3 : i32
      %add3A_101 = arith.addi %mul3A_68, %add3A_100 : i32
      %lt3A_102 = arith.cmpi slt, %add3A_101, %select_n3A : i32
      %convert_element_type3A_103 = arith.extui %lt3A_102 : i1 to i32
      %cond3A_104 = arith.constant 0 : i32
      %cond3A_105 = arith.cmpi ne, %convert_element_type3A_103, %cond3A_104 : i32
      scf.if %cond3A_105 {
        %add3A_106 = arith.constant 1 : i32
        %add3A_107 = arith.addi %mul3A_68, %add3A_106 : i32
        %dma_wait3A_108 = arith.constant 0 : i32
        %dma_wait3A_109 = tpu.memref_slice %arg7[%add3A_107, %dma_wait3A_108] : memref<86x128xi32, #tpu.memory_space<vmem>> -> memref<1x128xi32, #tpu.memory_space<vmem>>
        %dma_wait3A_110 = tpu.memref_squeeze %dma_wait3A_109 : memref<1x128xi32, #tpu.memory_space<vmem>> -> memref<128xi32, #tpu.memory_space<vmem>>
        %dma_wait3A_111 = arith.constant 0 : i32
        %dma_wait3A_112 = arith.constant 0 : i32
        %dma_wait3A_113 = tpu.memref_slice %arg10[%dma_wait3A_111, %dma_wait3A_112] : memref<10112x16xf32, #tpu.memory_space<vmem_shared>> -> memref<10112x16xf32, #tpu.memory_space<vmem_shared>>
        tpu.wait_indirect_dma semaphore(%arg14 : memref<!tpu.dma_semaphore, #tpu.memory_space<semaphore_mem>>) src(%arg9 : memref<128x16xf32, #tpu.memory_space<vmem>>) dst(%dma_wait3A_113 : memref<10112x16xf32, #tpu.memory_space<vmem_shared>>)
        %add3A_114 = arith.constant 3 : i32
        %add3A_115 = arith.addi %mul3A_68, %add3A_114 : i32
        %dma_start3A_116 = arith.constant 0 : i32
        %dma_start3A_117 = tpu.memref_slice %arg6[%add3A_115, %dma_start3A_116] : memref<86x128xi32, #tpu.memory_space<vmem>> -> memref<1x128xi32, #tpu.memory_space<vmem>>
        %dma_start3A_118 = tpu.memref_squeeze %dma_start3A_117 : memref<1x128xi32, #tpu.memory_space<vmem>> -> memref<128xi32, #tpu.memory_space<vmem>>
        %dma_start3A_119 = arith.constant 0 : i32
        %dma_start3A_120 = arith.constant 0 : i32
        %dma_start3A_121 = tpu.memref_slice %arg2[%dma_start3A_119, %dma_start3A_120] : memref<10000x16xf32, #tpu.memory_space<hbm>> -> memref<10000x16xf32, #tpu.memory_space<hbm>>
        tpu.enqueue_indirect_dma source(%dma_start3A_121 : memref<10000x16xf32, #tpu.memory_space<hbm>>) target(%arg9 : memref<128x16xf32, #tpu.memory_space<vmem>>) offsets(%dma_start3A_118 : memref<128xi32, #tpu.memory_space<vmem>>) semaphore(%arg12 : memref<!tpu.dma_semaphore, #tpu.memory_space<semaphore_mem>>)
      } else {
      }
    }
    %while3A_49 = arith.constant 1 : i32
    scf.for %while3A_66 = %while3A_47 to %while3A_43 step %while3A_49  : i32 {
      %mul3A_67 = arith.constant 2 : i32
      %mul3A_68 = arith.muli %while3A_66, %mul3A_67 : i32
      %dma_wait3A_69 = arith.constant 0 : i32
      %dma_wait3A_70 = tpu.memref_slice %arg6[%mul3A_68, %dma_wait3A_69] : memref<86x128xi32, #tpu.memory_space<vmem>> -> memref<1x128xi32, #tpu.memory_space<vmem>>
      %dma_wait3A_71 = tpu.memref_squeeze %dma_wait3A_70 : memref<1x128xi32, #tpu.memory_space<vmem>> -> memref<128xi32, #tpu.memory_space<vmem>>
      %dma_wait3A_72 = arith.constant 0 : i32
      %dma_wait3A_73 = arith.constant 0 : i32
      %dma_wait3A_74 = tpu.memref_slice %arg2[%dma_wait3A_72, %dma_wait3A_73] : memref<10000x16xf32, #tpu.memory_space<hbm>> -> memref<10000x16xf32, #tpu.memory_space<hbm>>
      tpu.wait_indirect_dma semaphore(%arg11 : memref<!tpu.dma_semaphore, #tpu.memory_space<semaphore_mem>>) src(%dma_wait3A_74 : memref<10000x16xf32, #tpu.memory_space<hbm>>) dst(%arg8 : memref<128x16xf32, #tpu.memory_space<vmem>>)
      %dma_start3A_75 = arith.constant 0 : i32
      %dma_start3A_76 = tpu.memref_slice %arg7[%mul3A_68, %dma_start3A_75] : memref<86x128xi32, #tpu.memory_space<vmem>> -> memref<1x128xi32, #tpu.memory_space<vmem>>
      %dma_start3A_77 = tpu.memref_squeeze %dma_start3A_76 : memref<1x128xi32, #tpu.memory_space<vmem>> -> memref<128xi32, #tpu.memory_space<vmem>>
      %dma_start3A_78 = arith.constant 0 : i32
      %dma_start3A_79 = arith.constant 0 : i32
      %dma_start3A_80 = tpu.memref_slice %arg10[%dma_start3A_78, %dma_start3A_79] : memref<10112x16xf32, #tpu.memory_space<vmem_shared>> -> memref<10112x16xf32, #tpu.memory_space<vmem_shared>>
      tpu.enqueue_indirect_dma source(%arg8 : memref<128x16xf32, #tpu.memory_space<vmem>>) target(%dma_start3A_80 : memref<10112x16xf32, #tpu.memory_space<vmem_shared>>) offsets(%dma_start3A_77 : memref<128xi32, #tpu.memory_space<vmem>>) semaphore(%arg13 : memref<!tpu.dma_semaphore, #tpu.memory_space<semaphore_mem>>) {add = true}
      %add3A_81 = arith.constant 1 : i32
      %add3A_82 = arith.addi %mul3A_68, %add3A_81 : i32
      %dma_wait3A_83 = arith.constant 0 : i32
      %dma_wait3A_84 = tpu.memref_slice %arg6[%add3A_82, %dma_wait3A_83] : memref<86x128xi32, #tpu.memory_space<vmem>> -> memref<1x128xi32, #tpu.memory_space<vmem>>
      %dma_wait3A_85 = tpu.memref_squeeze %dma_wait3A_84 : memref<1x128xi32, #tpu.memory_space<vmem>> -> memref<128xi32, #tpu.memory_space<vmem>>
      %dma_wait3A_86 = arith.constant 0 : i32
      %dma_wait3A_87 = arith.constant 0 : i32
      %dma_wait3A_88 = tpu.memref_slice %arg2[%dma_wait3A_86, %dma_wait3A_87] : memref<10000x16xf32, #tpu.memory_space<hbm>> -> memref<10000x16xf32, #tpu.memory_space<hbm>>
      tpu.wait_indirect_dma semaphore(%arg12 : memref<!tpu.dma_semaphore, #tpu.memory_space<semaphore_mem>>) src(%dma_wait3A_88 : memref<10000x16xf32, #tpu.memory_space<hbm>>) dst(%arg9 : memref<128x16xf32, #tpu.memory_space<vmem>>)
      %add3A_89 = arith.constant 1 : i32
      %add3A_90 = arith.addi %mul3A_68, %add3A_89 : i32
      %dma_start3A_91 = arith.constant 0 : i32
      %dma_start3A_92 = tpu.memref_slice %arg7[%add3A_90, %dma_start3A_91] : memref<86x128xi32, #tpu.memory_space<vmem>> -> memref<1x128xi32, #tpu.memory_space<vmem>>
      %dma_start3A_93 = tpu.memref_squeeze %dma_start3A_92 : memref<1x128xi32, #tpu.memory_space<vmem>> -> memref<128xi32, #tpu.memory_space<vmem>>
      %dma_start3A_94 = arith.constant 0 : i32
      %dma_start3A_95 = arith.constant 0 : i32
      %dma_start3A_96 = tpu.memref_slice %arg10[%dma_start3A_94, %dma_start3A_95] : memref<10112x16xf32, #tpu.memory_space<vmem_shared>> -> memref<10112x16xf32, #tpu.memory_space<vmem_shared>>
      tpu.enqueue_indirect_dma source(%arg9 : memref<128x16xf32, #tpu.memory_space<vmem>>) target(%dma_start3A_96 : memref<10112x16xf32, #tpu.memory_space<vmem_shared>>) offsets(%dma_start3A_93 : memref<128xi32, #tpu.memory_space<vmem>>) semaphore(%arg14 : memref<!tpu.dma_semaphore, #tpu.memory_space<semaphore_mem>>) {add = true}
      %add3A_97 = arith.constant 2 : i32
      %add3A_98 = arith.addi %mul3A_68, %add3A_97 : i32
      %lt3A = arith.cmpi slt, %add3A_98, %select_n3A : i32
      %convert_element_type3A = arith.extui %lt3A : i1 to i32
      %cond3A = arith.constant 0 : i32
      %cond3A_99 = arith.cmpi ne, %convert_element_type3A, %cond3A : i32
      scf.if %cond3A_99 {
        %dma_wait3A_106 = arith.constant 0 : i32
        %dma_wait3A_107 = tpu.memref_slice %arg7[%mul3A_68, %dma_wait3A_106] : memref<86x128xi32, #tpu.memory_space<vmem>> -> memref<1x128xi32, #tpu.memory_space<vmem>>
        %dma_wait3A_108 = tpu.memref_squeeze %dma_wait3A_107 : memref<1x128xi32, #tpu.memory_space<vmem>> -> memref<128xi32, #tpu.memory_space<vmem>>
        %dma_wait3A_109 = arith.constant 0 : i32
        %dma_wait3A_110 = arith.constant 0 : i32
        %dma_wait3A_111 = tpu.memref_slice %arg10[%dma_wait3A_109, %dma_wait3A_110] : memref<10112x16xf32, #tpu.memory_space<vmem_shared>> -> memref<10112x16xf32, #tpu.memory_space<vmem_shared>>
        tpu.wait_indirect_dma semaphore(%arg13 : memref<!tpu.dma_semaphore, #tpu.memory_space<semaphore_mem>>) src(%arg8 : memref<128x16xf32, #tpu.memory_space<vmem>>) dst(%dma_wait3A_111 : memref<10112x16xf32, #tpu.memory_space<vmem_shared>>)
        %add3A_112 = arith.constant 2 : i32
        %add3A_113 = arith.addi %mul3A_68, %add3A_112 : i32
        %dma_start3A_114 = arith.constant 0 : i32
        %dma_start3A_115 = tpu.memref_slice %arg6[%add3A_113, %dma_start3A_114] : memref<86x128xi32, #tpu.memory_space<vmem>> -> memref<1x128xi32, #tpu.memory_space<vmem>>
        %dma_start3A_116 = tpu.memref_squeeze %dma_start3A_115 : memref<1x128xi32, #tpu.memory_space<vmem>> -> memref<128xi32, #tpu.memory_space<vmem>>
        %dma_start3A_117 = arith.constant 0 : i32
        %dma_start3A_118 = arith.constant 0 : i32
        %dma_start3A_119 = tpu.memref_slice %arg2[%dma_start3A_117, %dma_start3A_118] : memref<10000x16xf32, #tpu.memory_space<hbm>> -> memref<10000x16xf32, #tpu.memory_space<hbm>>
        tpu.enqueue_indirect_dma source(%dma_start3A_119 : memref<10000x16xf32, #tpu.memory_space<hbm>>) target(%arg8 : memref<128x16xf32, #tpu.memory_space<vmem>>) offsets(%dma_start3A_116 : memref<128xi32, #tpu.memory_space<vmem>>) semaphore(%arg11 : memref<!tpu.dma_semaphore, #tpu.memory_space<semaphore_mem>>)
      } else {
      }
      %add3A_100 = arith.constant 3 : i32
      %add3A_101 = arith.addi %mul3A_68, %add3A_100 : i32
      %lt3A_102 = arith.cmpi slt, %add3A_101, %select_n3A : i32
      %convert_element_type3A_103 = arith.extui %lt3A_102 : i1 to i32
      %cond3A_104 = arith.constant 0 : i32
      %cond3A_105 = arith.cmpi ne, %convert_element_type3A_103, %cond3A_104 : i32
      scf.if %cond3A_105 {
        %add3A_106 = arith.constant 1 : i32
        %add3A_107 = arith.addi %mul3A_68, %add3A_106 : i32
        %dma_wait3A_108 = arith.constant 0 : i32
        %dma_wait3A_109 = tpu.memref_slice %arg7[%add3A_107, %dma_wait3A_108] : memref<86x128xi32, #tpu.memory_space<vmem>> -> memref<1x128xi32, #tpu.memory_space<vmem>>
        %dma_wait3A_110 = tpu.memref_squeeze %dma_wait3A_109 : memref<1x128xi32, #tpu.memory_space<vmem>> -> memref<128xi32, #tpu.memory_space<vmem>>
        %dma_wait3A_111 = arith.constant 0 : i32
        %dma_wait3A_112 = arith.constant 0 : i32
        %dma_wait3A_113 = tpu.memref_slice %arg10[%dma_wait3A_111, %dma_wait3A_112] : memref<10112x16xf32, #tpu.memory_space<vmem_shared>> -> memref<10112x16xf32, #tpu.memory_space<vmem_shared>>
        tpu.wait_indirect_dma semaphore(%arg14 : memref<!tpu.dma_semaphore, #tpu.memory_space<semaphore_mem>>) src(%arg9 : memref<128x16xf32, #tpu.memory_space<vmem>>) dst(%dma_wait3A_113 : memref<10112x16xf32, #tpu.memory_space<vmem_shared>>)
        %add3A_114 = arith.constant 3 : i32
        %add3A_115 = arith.addi %mul3A_68, %add3A_114 : i32
        %dma_start3A_116 = arith.constant 0 : i32
        %dma_start3A_117 = tpu.memref_slice %arg6[%add3A_115, %dma_start3A_116] : memref<86x128xi32, #tpu.memory_space<vmem>> -> memref<1x128xi32, #tpu.memory_space<vmem>>
        %dma_start3A_118 = tpu.memref_squeeze %dma_start3A_117 : memref<1x128xi32, #tpu.memory_space<vmem>> -> memref<128xi32, #tpu.memory_space<vmem>>
        %dma_start3A_119 = arith.constant 0 : i32
        %dma_start3A_120 = arith.constant 0 : i32
        %dma_start3A_121 = tpu.memref_slice %arg2[%dma_start3A_119, %dma_start3A_120] : memref<10000x16xf32, #tpu.memory_space<hbm>> -> memref<10000x16xf32, #tpu.memory_space<hbm>>
        tpu.enqueue_indirect_dma source(%dma_start3A_121 : memref<10000x16xf32, #tpu.memory_space<hbm>>) target(%arg9 : memref<128x16xf32, #tpu.memory_space<vmem>>) offsets(%dma_start3A_118 : memref<128xi32, #tpu.memory_space<vmem>>) semaphore(%arg12 : memref<!tpu.dma_semaphore, #tpu.memory_space<semaphore_mem>>)
      } else {
      }
    }
    %sub3A_50 = arith.constant 2 : i32
    %sub3A_51 = arith.subi %select_n3A, %sub3A_50 : i32
    %dma_wait3A = arith.constant 0 : i32
    %dma_wait3A_52 = tpu.memref_slice %arg7[%sub3A_51, %dma_wait3A] : memref<86x128xi32, #tpu.memory_space<vmem>> -> memref<1x128xi32, #tpu.memory_space<vmem>>
    %dma_wait3A_53 = tpu.memref_squeeze %dma_wait3A_52 : memref<1x128xi32, #tpu.memory_space<vmem>> -> memref<128xi32, #tpu.memory_space<vmem>>
    %dma_wait3A_54 = arith.constant 0 : i32
    %dma_wait3A_55 = arith.constant 0 : i32
    %dma_wait3A_56 = tpu.memref_slice %arg10[%dma_wait3A_54, %dma_wait3A_55] : memref<10112x16xf32, #tpu.memory_space<vmem_shared>> -> memref<10112x16xf32, #tpu.memory_space<vmem_shared>>
    tpu.wait_indirect_dma semaphore(%arg13 : memref<!tpu.dma_semaphore, #tpu.memory_space<semaphore_mem>>) src(%arg8 : memref<128x16xf32, #tpu.memory_space<vmem>>) dst(%dma_wait3A_56 : memref<10112x16xf32, #tpu.memory_space<vmem_shared>>)
    %sub3A_57 = arith.constant 1 : i32
    %sub3A_58 = arith.subi %select_n3A, %sub3A_57 : i32
    %dma_wait3A_59 = arith.constant 0 : i32
    %dma_wait3A_60 = tpu.memref_slice %arg7[%sub3A_58, %dma_wait3A_59] : memref<86x128xi32, #tpu.memory_space<vmem>> -> memref<1x128xi32, #tpu.memory_space<vmem>>
    %dma_wait3A_61 = tpu.memref_squeeze %dma_wait3A_60 : memref<1x128xi32, #tpu.memory_space<vmem>> -> memref<128xi32, #tpu.memory_space<vmem>>
    %dma_wait3A_62 = arith.constant 0 : i32
    %dma_wait3A_63 = arith.constant 0 : i32
    %dma_wait3A_64 = tpu.memref_slice %arg10[%dma_wait3A_62, %dma_wait3A_63] : memref<10112x16xf32, #tpu.memory_space<vmem_shared>> -> memref<10112x16xf32, #tpu.memory_space<vmem_shared>>
    tpu.wait_indirect_dma semaphore(%arg14 : memref<!tpu.dma_semaphore, #tpu.memory_space<semaphore_mem>>) src(%arg9 : memref<128x16xf32, #tpu.memory_space<vmem>>) dst(%dma_wait3A_64 : memref<10112x16xf32, #tpu.memory_space<vmem_shared>>)
    %barrier3A_65 = arith.constant 0 : index
    tpu.barrier barrier_id(%barrier3A_65)
    "tpu.region"() ({
      %run_scoped3A_66 = tpu.sem_alloc : memref<!tpu.dma_semaphore, #tpu.memory_space<semaphore_mem>>
      %dma_start3A_67 = arith.constant 0 : i32
      %dma_start3A_68 = tpu.memref_slice %arg5[%arg0, %multiple_of3A, %dma_start3A_67] : memref<2x10112x128xf32, #tpu.memory_space<hbm>> -> memref<1x632x16xf32, #tpu.memory_space<hbm>>
      %dma_start3A_69 = tpu.memref_squeeze %dma_start3A_68 : memref<1x632x16xf32, #tpu.memory_space<hbm>> -> memref<632x16xf32, #tpu.memory_space<hbm>>
      %dma_start3A_70 = arith.constant 0 : i32
      %dma_start3A_71 = tpu.memref_slice %arg10[%multiple_of3A, %dma_start3A_70] : memref<10112x16xf32, #tpu.memory_space<vmem_shared>> -> memref<632x16xf32, #tpu.memory_space<vmem_shared>>
      tpu.enqueue_dma source(%dma_start3A_71 : memref<632x16xf32, #tpu.memory_space<vmem_shared>>) target(%dma_start3A_69 : memref<632x16xf32, #tpu.memory_space<hbm>>) target_semaphore(%run_scoped3A_66 : memref<!tpu.dma_semaphore, #tpu.memory_space<semaphore_mem>>)
      %dma_wait3A_72 = arith.constant 0 : i32
      %dma_wait3A_73 = tpu.memref_slice %arg5[%arg0, %multiple_of3A, %dma_wait3A_72] : memref<2x10112x128xf32, #tpu.memory_space<hbm>> -> memref<1x632x16xf32, #tpu.memory_space<hbm>>
      %dma_wait3A_74 = tpu.memref_squeeze %dma_wait3A_73 : memref<1x632x16xf32, #tpu.memory_space<hbm>> -> memref<632x16xf32, #tpu.memory_space<hbm>>
      %dma_wait3A_75 = arith.constant 0 : i32
      %dma_wait3A_76 = tpu.memref_slice %arg10[%multiple_of3A, %dma_wait3A_75] : memref<10112x16xf32, #tpu.memory_space<vmem_shared>> -> memref<632x16xf32, #tpu.memory_space<vmem_shared>>
      tpu.wait_dma2 semaphore(%run_scoped3A_66 : memref<!tpu.dma_semaphore, #tpu.memory_space<semaphore_mem>>) src(%dma_wait3A_76 : memref<632x16xf32, #tpu.memory_space<vmem_shared>>) dst(%dma_wait3A_74 : memref<632x16xf32, #tpu.memory_space<hbm>>)
      tpu.yield
    }) : () -> ()
    return
  }
}

module attributes {stable_mosaic.version = 14 : i64} {
  func.func @body(%arg0: memref<2x10112x128xf32, #tpu.memory_space<vmem>>, %arg1: memref<10000x128xf32, #tpu.memory_space<vmem>>, %arg2: memref<128x16xf32, #tpu.memory_space<vmem>>, %arg3: memref<10112x8xf32, #tpu.memory_space<vmem>>, %arg4: memref<10000x16xf32, #tpu.memory_space<vmem>>) attributes {dimension_semantics = [], scalar_prefetch = 0 : i64, scratch_operands = 0 : i64, tpu.core_type = #tpu.core_type<tc>} {
    %get3A = arith.constant 0 : index
    %get3A_0 = arith.constant 0 : index
    %get3A_1 = arith.constant 0 : index
    %get3A_2 = vector.load %arg0[%get3A, %get3A_0, %get3A_1] : memref<2x10112x128xf32, #tpu.memory_space<vmem>>, vector<1x10112x8xf32>
    %get3A_3 = vector.shape_cast %get3A_2 : vector<1x10112x8xf32> to vector<10112x8xf32>
    %get3A_4 = arith.constant 1 : index
    %get3A_5 = arith.constant 0 : index
    %get3A_6 = arith.constant 0 : index
    %get3A_7 = vector.load %arg0[%get3A_4, %get3A_5, %get3A_6] : memref<2x10112x128xf32, #tpu.memory_space<vmem>>, vector<1x10112x8xf32>
    %get3A_8 = vector.shape_cast %get3A_7 : vector<1x10112x8xf32> to vector<10112x8xf32>
    %add3A = arith.addf %get3A_3, %get3A_8 : vector<10112x8xf32>
    %add3A_9 = arith.constant 1.000000e+00 : f32
    %add3A_10 = vector.broadcast %add3A_9 : f32 to vector<10112x8xf32>
    %add3A_11 = arith.addf %add3A, %add3A_10 : vector<10112x8xf32>
    %rsqrt3A = math.rsqrt %add3A_11 : vector<10112x8xf32>
    %swap3A = arith.constant 0 : index
    %swap3A_12 = arith.constant 0 : index
    %swap3A_13 = vector.load %arg3[%swap3A, %swap3A_12] : memref<10112x8xf32, #tpu.memory_space<vmem>>, vector<10112x8xf32>
    tpu.vector_store %arg3[%swap3A, %swap3A_12], %rsqrt3A {strides = array<i32>} : memref<10112x8xf32, #tpu.memory_space<vmem>>, vector<10112x8xf32>,
    %get3A_14 = arith.constant 0 : index
    %get3A_15 = arith.constant 0 : index
    %get3A_16 = vector.load %arg1[%get3A_14, %get3A_15] : memref<10000x128xf32, #tpu.memory_space<vmem>>, vector<10000x128xf32>
    %get3A_17 = arith.constant 0 : index
    %get3A_18 = arith.constant 0 : index
    %get3A_19 = vector.load %arg2[%get3A_17, %get3A_18] : memref<128x16xf32, #tpu.memory_space<vmem>>, vector<128x16xf32>
    %dot_general3A = arith.constant dense<0.000000e+00> : vector<10000x16xf32>
    %dot_general3A_20 = tpu.matmul %get3A_16, %get3A_19, %dot_general3A {dimension_numbers = #tpu.dot_dimension_numbers<[1], [0], [0], [1], [0, 0, 1, 1], [], []>, transpose_lhs_hint = false} : vector<10000x128xf32>, vector<128x16xf32>, vector<10000x16xf32> -> vector<10000x16xf32>
    %slice3A = vector.extract_strided_slice %rsqrt3A {offsets = [0, 0], sizes = [10000, 1], strides = [1, 1]} : vector<10112x8xf32> to vector<10000x1xf32>
    %mul3A = vector.broadcast %slice3A : vector<10000x1xf32> to vector<10000x16xf32>
    %mul3A_21 = arith.mulf %dot_general3A_20, %mul3A : vector<10000x16xf32>
    %swap3A_22 = arith.constant 0 : index
    %swap3A_23 = arith.constant 0 : index
    %swap3A_24 = vector.load %arg4[%swap3A_22, %swap3A_23] : memref<10000x16xf32, #tpu.memory_space<vmem>>, vector<10000x16xf32>
    tpu.vector_store %arg4[%swap3A_22, %swap3A_23], %mul3A_21 {strides = array<i32>} : memref<10000x16xf32, #tpu.memory_space<vmem>>, vector<10000x16xf32>,
    return
  }
}

module attributes {stable_mosaic.version = 14 : i64} {
  func.func @body(%arg0: memref<2x10112x128xf32, #tpu.memory_space<vmem>>, %arg1: memref<10000x16xf32, #tpu.memory_space<vmem>>, %arg2: memref<10112x8xf32, #tpu.memory_space<vmem>>, %arg3: memref<16x32xf32, #tpu.memory_space<vmem>>, %arg4: memref<1x32xf32, #tpu.memory_space<vmem>>, %arg5: memref<32x16xf32, #tpu.memory_space<vmem>>, %arg6: memref<10000x16xf32, #tpu.memory_space<vmem>>) attributes {dimension_semantics = [], scalar_prefetch = 0 : i64, scratch_operands = 0 : i64, tpu.core_type = #tpu.core_type<tc>} {
    %get3A = arith.constant 0 : index
    %get3A_0 = arith.constant 0 : index
    %get3A_1 = arith.constant 0 : index
    %get3A_2 = vector.load %arg0[%get3A, %get3A_0, %get3A_1] : memref<2x10112x128xf32, #tpu.memory_space<vmem>>, vector<1x10000x16xf32>
    %get3A_3 = vector.shape_cast %get3A_2 : vector<1x10000x16xf32> to vector<10000x16xf32>
    %get3A_4 = arith.constant 1 : index
    %get3A_5 = arith.constant 0 : index
    %get3A_6 = arith.constant 0 : index
    %get3A_7 = vector.load %arg0[%get3A_4, %get3A_5, %get3A_6] : memref<2x10112x128xf32, #tpu.memory_space<vmem>>, vector<1x10000x16xf32>
    %get3A_8 = vector.shape_cast %get3A_7 : vector<1x10000x16xf32> to vector<10000x16xf32>
    %add3A = arith.addf %get3A_3, %get3A_8 : vector<10000x16xf32>
    %get3A_9 = arith.constant 0 : index
    %get3A_10 = arith.constant 0 : index
    %get3A_11 = vector.load %arg2[%get3A_9, %get3A_10] : memref<10112x8xf32, #tpu.memory_space<vmem>>, vector<10000x1xf32>
    %get3A_12 = arith.constant 0 : index
    %get3A_13 = arith.constant 0 : index
    %get3A_14 = vector.load %arg1[%get3A_12, %get3A_13] : memref<10000x16xf32, #tpu.memory_space<vmem>>, vector<10000x16xf32>
    %add3A_15 = arith.addf %add3A, %get3A_14 : vector<10000x16xf32>
    %mul3A = vector.broadcast %get3A_11 : vector<10000x1xf32> to vector<10000x16xf32>
    %mul3A_16 = arith.mulf %mul3A, %add3A_15 : vector<10000x16xf32>
    %get3A_17 = arith.constant 0 : index
    %get3A_18 = arith.constant 0 : index
    %get3A_19 = vector.load %arg3[%get3A_17, %get3A_18] : memref<16x32xf32, #tpu.memory_space<vmem>>, vector<16x32xf32>
    %dot_general3A = arith.constant dense<0.000000e+00> : vector<10000x32xf32>
    %dot_general3A_20 = tpu.matmul %mul3A_16, %get3A_19, %dot_general3A {dimension_numbers = #tpu.dot_dimension_numbers<[1], [0], [0], [1], [0, 0, 1, 1], [], []>, transpose_lhs_hint = false} : vector<10000x16xf32>, vector<16x32xf32>, vector<10000x32xf32> -> vector<10000x32xf32>
    %get3A_21 = arith.constant 0 : index
    %get3A_22 = arith.constant 0 : index
    %get3A_23 = vector.load %arg4[%get3A_21, %get3A_22] : memref<1x32xf32, #tpu.memory_space<vmem>>, vector<1x32xf32>
    %add3A_24 = vector.broadcast %get3A_23 : vector<1x32xf32> to vector<10000x32xf32>
    %add3A_25 = arith.addf %dot_general3A_20, %add3A_24 : vector<10000x32xf32>
    %max3A = arith.constant 0.000000e+00 : f32
    %max3A_26 = vector.broadcast %max3A : f32 to vector<10000x32xf32>
    %max3A_27 = arith.maximumf %add3A_25, %max3A_26 : vector<10000x32xf32>
    %get3A_28 = arith.constant 0 : index
    %get3A_29 = arith.constant 0 : index
    %get3A_30 = vector.load %arg5[%get3A_28, %get3A_29] : memref<32x16xf32, #tpu.memory_space<vmem>>, vector<32x16xf32>
    %dot_general3A_31 = arith.constant dense<0.000000e+00> : vector<10000x16xf32>
    %dot_general3A_32 = tpu.matmul %max3A_27, %get3A_30, %dot_general3A_31 {dimension_numbers = #tpu.dot_dimension_numbers<[1], [0], [0], [1], [0, 0, 1, 1], [], []>, transpose_lhs_hint = false} : vector<10000x32xf32>, vector<32x16xf32>, vector<10000x16xf32> -> vector<10000x16xf32>
    %mul3A_33 = vector.broadcast %get3A_11 : vector<10000x1xf32> to vector<10000x16xf32>
    %mul3A_34 = arith.mulf %dot_general3A_32, %mul3A_33 : vector<10000x16xf32>
    %swap3A = arith.constant 0 : index
    %swap3A_35 = arith.constant 0 : index
    %swap3A_36 = vector.load %arg6[%swap3A, %swap3A_35] : memref<10000x16xf32, #tpu.memory_space<vmem>>, vector<10000x16xf32>
    tpu.vector_store %arg6[%swap3A, %swap3A_35], %mul3A_34 {strides = array<i32>} : memref<10000x16xf32, #tpu.memory_space<vmem>>, vector<10000x16xf32>,
    return
  }
}

module attributes {stable_mosaic.version = 14 : i64} {
  func.func @body(%arg0: memref<2x10112x128xf32, #tpu.memory_space<vmem>>, %arg1: memref<10000x16xf32, #tpu.memory_space<vmem>>, %arg2: memref<10112x8xf32, #tpu.memory_space<vmem>>, %arg3: memref<1x16xf32, #tpu.memory_space<vmem>>, %arg4: memref<10000x16xf32, #tpu.memory_space<vmem>>) attributes {dimension_semantics = [], scalar_prefetch = 0 : i64, scratch_operands = 0 : i64, tpu.core_type = #tpu.core_type<tc>} {
    %get3A = arith.constant 0 : index
    %get3A_0 = arith.constant 0 : index
    %get3A_1 = arith.constant 0 : index
    %get3A_2 = vector.load %arg0[%get3A, %get3A_0, %get3A_1] : memref<2x10112x128xf32, #tpu.memory_space<vmem>>, vector<1x10000x16xf32>
    %get3A_3 = vector.shape_cast %get3A_2 : vector<1x10000x16xf32> to vector<10000x16xf32>
    %get3A_4 = arith.constant 1 : index
    %get3A_5 = arith.constant 0 : index
    %get3A_6 = arith.constant 0 : index
    %get3A_7 = vector.load %arg0[%get3A_4, %get3A_5, %get3A_6] : memref<2x10112x128xf32, #tpu.memory_space<vmem>>, vector<1x10000x16xf32>
    %get3A_8 = vector.shape_cast %get3A_7 : vector<1x10000x16xf32> to vector<10000x16xf32>
    %add3A = arith.addf %get3A_3, %get3A_8 : vector<10000x16xf32>
    %get3A_9 = arith.constant 0 : index
    %get3A_10 = arith.constant 0 : index
    %get3A_11 = vector.load %arg2[%get3A_9, %get3A_10] : memref<10112x8xf32, #tpu.memory_space<vmem>>, vector<10000x1xf32>
    %get3A_12 = arith.constant 0 : index
    %get3A_13 = arith.constant 0 : index
    %get3A_14 = vector.load %arg1[%get3A_12, %get3A_13] : memref<10000x16xf32, #tpu.memory_space<vmem>>, vector<10000x16xf32>
    %add3A_15 = arith.addf %add3A, %get3A_14 : vector<10000x16xf32>
    %mul3A = vector.broadcast %get3A_11 : vector<10000x1xf32> to vector<10000x16xf32>
    %mul3A_16 = arith.mulf %mul3A, %add3A_15 : vector<10000x16xf32>
    %get3A_17 = arith.constant 0 : index
    %get3A_18 = arith.constant 0 : index
    %get3A_19 = vector.load %arg3[%get3A_17, %get3A_18] : memref<1x16xf32, #tpu.memory_space<vmem>>, vector<1x16xf32>
    %add3A_20 = vector.broadcast %get3A_19 : vector<1x16xf32> to vector<10000x16xf32>
    %add3A_21 = arith.addf %mul3A_16, %add3A_20 : vector<10000x16xf32>
    %max3A = arith.constant 0.000000e+00 : f32
    %max3A_22 = vector.broadcast %max3A : f32 to vector<10000x16xf32>
    %max3A_23 = arith.maximumf %add3A_21, %max3A_22 : vector<10000x16xf32>
    %mul3A_24 = vector.broadcast %get3A_11 : vector<10000x1xf32> to vector<10000x16xf32>
    %mul3A_25 = arith.mulf %max3A_23, %mul3A_24 : vector<10000x16xf32>
    %swap3A = arith.constant 0 : index
    %swap3A_26 = arith.constant 0 : index
    %swap3A_27 = vector.load %arg4[%swap3A, %swap3A_26] : memref<10000x16xf32, #tpu.memory_space<vmem>>, vector<10000x16xf32>
    tpu.vector_store %arg4[%swap3A, %swap3A_26], %mul3A_25 {strides = array<i32>} : memref<10000x16xf32, #tpu.memory_space<vmem>>, vector<10000x16xf32>,
    return
  }
}

module attributes {stable_mosaic.version = 14 : i64} {
  func.func @body(%arg0: memref<2x10112x128xf32, #tpu.memory_space<vmem>>, %arg1: memref<10000x16xf32, #tpu.memory_space<vmem>>, %arg2: memref<10112x8xf32, #tpu.memory_space<vmem>>, %arg3: memref<1x16xf32, #tpu.memory_space<vmem>>, %arg4: memref<16x1xf32, #tpu.memory_space<vmem>>, %arg5: memref<1x1xf32, #tpu.memory_space<vmem>>, %arg6: memref<1x1xf32, #tpu.memory_space<vmem>>) attributes {dimension_semantics = [], scalar_prefetch = 0 : i64, scratch_operands = 0 : i64, tpu.core_type = #tpu.core_type<tc>} {
    %get3A = arith.constant 0 : index
    %get3A_0 = arith.constant 0 : index
    %get3A_1 = arith.constant 0 : index
    %get3A_2 = vector.load %arg0[%get3A, %get3A_0, %get3A_1] : memref<2x10112x128xf32, #tpu.memory_space<vmem>>, vector<1x10000x16xf32>
    %get3A_3 = vector.shape_cast %get3A_2 : vector<1x10000x16xf32> to vector<10000x16xf32>
    %get3A_4 = arith.constant 1 : index
    %get3A_5 = arith.constant 0 : index
    %get3A_6 = arith.constant 0 : index
    %get3A_7 = vector.load %arg0[%get3A_4, %get3A_5, %get3A_6] : memref<2x10112x128xf32, #tpu.memory_space<vmem>>, vector<1x10000x16xf32>
    %get3A_8 = vector.shape_cast %get3A_7 : vector<1x10000x16xf32> to vector<10000x16xf32>
    %add3A = arith.addf %get3A_3, %get3A_8 : vector<10000x16xf32>
    %get3A_9 = arith.constant 0 : index
    %get3A_10 = arith.constant 0 : index
    %get3A_11 = vector.load %arg2[%get3A_9, %get3A_10] : memref<10112x8xf32, #tpu.memory_space<vmem>>, vector<10000x1xf32>
    %get3A_12 = arith.constant 0 : index
    %get3A_13 = arith.constant 0 : index
    %get3A_14 = vector.load %arg1[%get3A_12, %get3A_13] : memref<10000x16xf32, #tpu.memory_space<vmem>>, vector<10000x16xf32>
    %add3A_15 = arith.addf %add3A, %get3A_14 : vector<10000x16xf32>
    %mul3A = vector.broadcast %get3A_11 : vector<10000x1xf32> to vector<10000x16xf32>
    %mul3A_16 = arith.mulf %mul3A, %add3A_15 : vector<10000x16xf32>
    %get3A_17 = arith.constant 0 : index
    %get3A_18 = arith.constant 0 : index
    %get3A_19 = vector.load %arg3[%get3A_17, %get3A_18] : memref<1x16xf32, #tpu.memory_space<vmem>>, vector<1x16xf32>
    %add3A_20 = vector.broadcast %get3A_19 : vector<1x16xf32> to vector<10000x16xf32>
    %add3A_21 = arith.addf %mul3A_16, %add3A_20 : vector<10000x16xf32>
    %max3A = arith.constant 0.000000e+00 : f32
    %max3A_22 = vector.broadcast %max3A : f32 to vector<10000x16xf32>
    %max3A_23 = arith.maximumf %add3A_21, %max3A_22 : vector<10000x16xf32>
    %reduce_sum3A = arith.constant dense<0.000000e+00> : vector<16xf32>
    %reduce_sum3A_24 = vector.multi_reduction <add>, %max3A_23, %reduce_sum3A [0] : vector<10000x16xf32> to vector<16xf32>
    %broadcast_in_dim3A = vector.shape_cast %reduce_sum3A_24 : vector<16xf32> to vector<1x16xf32>
    %get3A_25 = arith.constant 0 : index
    %get3A_26 = arith.constant 0 : index
    %get3A_27 = vector.load %arg4[%get3A_25, %get3A_26] : memref<16x1xf32, #tpu.memory_space<vmem>>, vector<16x1xf32>
    %dot_general3A = arith.constant dense<0.000000e+00> : vector<1x1xf32>
    %dot_general3A_28 = tpu.matmul %broadcast_in_dim3A, %get3A_27, %dot_general3A {dimension_numbers = #tpu.dot_dimension_numbers<[1], [0], [0], [1], [0, 0, 1, 1], [], []>, transpose_lhs_hint = false} : vector<1x16xf32>, vector<16x1xf32>, vector<1x1xf32> -> vector<1x1xf32>
    %div3A = arith.constant 1.000000e+04 : f32
    %div3A_29 = vector.broadcast %div3A : f32 to vector<1x1xf32>
    %div3A_30 = arith.divf %dot_general3A_28, %div3A_29 : vector<1x1xf32>
    %get3A_31 = arith.constant 0 : index
    %get3A_32 = arith.constant 0 : index
    %get3A_33 = vector.load %arg5[%get3A_31, %get3A_32] : memref<1x1xf32, #tpu.memory_space<vmem>>, vector<1x1xf32>
    %add3A_34 = arith.addf %div3A_30, %get3A_33 : vector<1x1xf32>
    %swap3A = arith.constant 0 : index
    %swap3A_35 = arith.constant 0 : index
    %swap3A_36 = vector.load %arg6[%swap3A, %swap3A_35] : memref<1x1xf32, #tpu.memory_space<vmem>>, vector<1x1xf32>
    tpu.vector_store %arg6[%swap3A, %swap3A_35], %add3A_34 {strides = array<i32>} : memref<1x1xf32, #tpu.memory_space<vmem>>, vector<1x1xf32>,
    return
  }
}

</mosaic_0001>

<sc_bundles>
// kernel: kernel.10.cloned.1.call-start
scs
__scs_entry_jumppad:
0x0: {  	(pc) =	sbr.rel $0x88, $3  }
0x1: {  	(tag) =	ssettag $0x0;
	lr =	simm.s32 $0x1  }
0x2: {  	[smem:$0x3F97] =	sst lr;
	_ =	strace $0xD0000000  }
0x3: {  	_ = 	snop  }
0x4: {  	_ = 	snop  }
0x5: {  	_ = 	snop  }
0x6: {  	_ = 	snop  }
0x7: {  	_ = 	snop  }
__scs_overlays_trampoline_lowered:
0x8: {  	[smem:$0x3FA6] =	sst s0  }
0x9: {  	[smem:$0x3FA7] =	sst s1  }
0xa: {  	[smem:$0x3FA8] =	sst s2  }
0xb: {  	[smem:$0x3FA9] =	sst s3  }
0xc: {  	[smem:$0x3FAA] =	sst s4  }
0xd: {  	[smem:$0x3FAB] =	sst s5  }
0xe: {  	[smem:$0x3FAC] =	sst s6  }
0xf: {  	[smem:$0x3FAD] =	sst s7  }
0x10: {  	[smem:$0x3FAE] =	sst s8  }
0x11: {  	[smem:$0x3FAF] =	sst s9;
	s0 =	simm.s32 @!p0 $0x0  }
0x12: {  	s1 =	sld [smem:$0x3F95];
	s0 =	simm.s32 @p0 $0x1  }
0x13: {  	[smem:$0x3FB0] =	sst s0;
	s0 =	simm.s32 @!p1 $0x0  }
0x14: {  	s2 =	sld [smem:$0x3F94];
	s0 =	simm.s32 @p1 $0x1  }
0x15: {  	[smem:$0x3FB1] =	sst s0;
	s0 =	simm.s32 @!p2 $0x0  }
0x16: {  	s3 =	sld [smem:$0x3FDB];
	s0 =	simm.s32 @p2 $0x1  }
0x17: {  	s4 =	simm.s32 $0x1BF5;
	[smem:$0x3FB3] =	sst s0  }
0x18: {  	s0 =	sld [smem:$0x3F96];
	_ =	swait.ge [sflag:s4], $0x0  }
0x19: {  	s7 =	sld [smem:$0x3F97]  }
0x1a: {  	s8 =	sadd.s32 $0xFFFFE003, lr  }
0x1b: {  	s9 =	sadd.s32 $0xFFFFFEF7, lr;
	s5 =	simm.s32 $0xFFFFFFFF;
	p2 =	slt.u32 s8, $0xFFFFF086  }
0x1c: {  	p1 =	slt.u32 s9, $0xF7A;
	s5 =	simm.s32 @!p2 $0x0  }
0x1d: {  	s5 =	simm.s32 @p1 $0x1;
	p0 =	seq.s32 s7, s2  }
0x1e: {  	s7 =	smul.u32 @!p0 $0xF7A, s2;
	p2 =	seq.s32 @!p0 s5, $0x0  }
0x1f: {  	s9 =	smul.u32 $0xF7A, s1;
	s8 =	simm.s32 @!p0 $0x1BF5;
	p2 =	por !p2, p0  }
0x20: {  	[sflag:s8] =	ssyncset.s32 @!p0 $0xFFFFF086;
	s6 =	sadd.s32 @!p0 s3, s7;
	s7 =	simm.s32 @!p0 $0x108  }
0x21: {  	s3 =	sadd.s32 s3, s9;
	s6 =	sadd.s32 @!p0 $0x88, s6;
	s7 =	simm.s32 @p2 $0x1082  }
0x22: {  	[simem:s7], [sflag:s8] =	dma.local @!p0 [hbm:s6], $0xF7A  }
0x23: {  	s9 =	sor.u32 $0xD0000000, s2;
	s6 =	simm.s32 $0x108;
	_ =	swait.ge @!p0 [sflag:s8], $0x0  }
0x24: {  	s3 =	sadd.s32 $0x88, s3;
	s6 =	simm.s32 @!p1 $0x1082;
	[sflag:s4] =	ssyncset.s32 $0xFFFFF086  }
0x25: {  	[simem:s6], [sflag:s4] =	dma.local [hbm:s3], $0xF7A  }
0x26: {  	[smem:$0x3F97] =	sst s1;
	(tag) =	ssettag s2;
	_ =	strace s9  }
0x27: {  	s1 =	sld [smem:$0x3FA7]  }
0x28: {  	s2 =	sld [smem:$0x3FA8]  }
0x29: {  	s4 =	sld [smem:$0x3FAA]  }
0x2a: {  	p0 =	seq.s32 s5, $0x0;
	s5 =	sld [smem:$0x3FAB]  }
0x2b: {  	s6 =	sld [smem:$0x3FAC]  }
0x2c: {  	s7 =	sld [smem:$0x3FAD]  }
0x2d: {  	s3 =	simm.s32 $0x108;
	s8 =	sld [smem:$0x3FAE]  }
0x2e: {  	s3 =	simm.s32 @!p0 $0x1082;
	s9 =	sld [smem:$0x3FAF]  }
0x2f: {  	lr =	sadd.s32 s0, s3;
	s0 =	sld [smem:$0x3FA6]  }
0x30: {  	s3 =	sld [smem:$0x3FA9]  }
0x31: {  	[smem:$0x3FB2] =	sst s10  }
0x32: {  	s10 =	sld [smem:$0x3FB0];
	_ =	sdelay $0x3  }
0x33: {  	p0 =	seq.s32 s10, $0x1;
	s10 =	sld [smem:$0x3FB2];
	_ =	sdelay $0x3  }
0x34: {  	[smem:$0x3FB2] =	sst s10  }
0x35: {  	s10 =	sld [smem:$0x3FB1];
	_ =	sdelay $0x3  }
0x36: {  	p1 =	seq.s32 s10, $0x1;
	s10 =	sld [smem:$0x3FB2];
	_ =	sdelay $0x3  }
0x37: {  	[smem:$0x3FB2] =	sst s10  }
0x38: {  	s10 =	sld [smem:$0x3FB3]  }
0x39: {  	_ = 	snop;
	(pc) =	sbr.ind lr, $3  }
0x3a: {  	_ = 	snop  }
0x3b: {  	_ = 	snop  }
0x3c: {  	p2 =	seq.s32 s10, $0x1;
	s10 =	sld [smem:$0x3FB2]  }
0x3d: {  	_ =	shalt  }
0x3e: {  	_ =	shalt  }
0x3f: {  	_ =	shalt  }
0x40: {  	_ =	shalt  }
0x41: {  	_ =	shalt  }
0x42: {  	_ =	shalt  }
0x43: {  	_ =	shalt  }
0x44: {  	_ =	shalt  }
0x45: {  	_ =	shalt  }
0x46: {  	_ =	shalt  }
0x47: {  	_ =	shalt  }
0x48: {  	_ =	shalt  }
0x49: {  	_ =	shalt  }
0x4a: {  	_ =	shalt  }
0x4b: {  	_ =	shalt  }
0x4c: {  	_ =	shalt  }
0x4d: {  	_ =	shalt  }
0x4e: {  	_ =	shalt  }
0x4f: {  	_ =	shalt  }
0x50: {  	_ =	shalt  }
0x51: {  	_ =	shalt  }
0x52: {  	_ =	shalt  }
0x53: {  	_ =	shalt  }
0x54: {  	_ =	shalt  }
0x55: {  	_ =	shalt  }
0x56: {  	_ =	shalt  }
0x57: {  	_ =	shalt  }
0x58: {  	_ =	shalt  }
0x59: {  	_ =	shalt  }
0x5a: {  	_ =	shalt  }
0x5b: {  	_ =	shalt  }
0x5c: {  	_ =	shalt  }
0x5d: {  	_ =	shalt  }
0x5e: {  	_ =	shalt  }
0x5f: {  	_ =	shalt  }
0x60: {  	_ =	shalt  }
0x61: {  	_ =	shalt  }
0x62: {  	_ =	shalt  }
0x63: {  	_ =	shalt  }
0x64: {  	_ =	shalt  }
0x65: {  	_ =	shalt  }
0x66: {  	_ =	shalt  }
0x67: {  	_ =	shalt  }
0x68: {  	_ =	shalt  }
0x69: {  	_ =	shalt  }
0x6a: {  	_ =	shalt  }
0x6b: {  	_ =	shalt  }
0x6c: {  	_ =	shalt  }
0x6d: {  	_ =	shalt  }
0x6e: {  	_ =	shalt  }
0x6f: {  	_ =	shalt  }
0x70: {  	_ =	shalt  }
0x71: {  	_ =	shalt  }
0x72: {  	_ =	shalt  }
0x73: {  	_ =	shalt  }
0x74: {  	_ =	shalt  }
0x75: {  	_ =	shalt  }
0x76: {  	_ =	shalt  }
0x77: {  	_ =	shalt  }
0x78: {  	_ =	shalt  }
0x79: {  	_ =	shalt  }
0x7a: {  	_ =	shalt  }
0x7b: {  	_ =	shalt  }
0x7c: {  	_ =	shalt  }
0x7d: {  	_ =	shalt  }
0x7e: {  	_ =	shalt  }
0x7f: {  	_ =	shalt  }
0x80: {  	_ =	shalt  }
0x81: {  	_ =	shalt  }
0x82: {  	_ =	shalt  }
0x83: {  	_ =	shalt  }
0x84: {  	_ =	shalt  }
0x85: {  	_ =	shalt  }
0x86: {  	_ =	shalt  }
0x87: {  	_ =	shalt  }
.Lfunc_end0:
.L_simem_size_0:
called_computation_lowered:
.L_overlay_start_0:
0x88: {  	s2 =	sld [smem:$0x3FD9]  }
0x89: {  	s3 =	sld [smem:$0x3FFE];
	_ =	sdelay $0x1  }
0x8a: {  	s1 =	srdreg.scid  }
0x8b: {  	s0 =	sand.u32 $0x1, s1  }
0x8c: {  	s16 =	sshll.u32 s0, $0xA;
	s2 =	sadd.s32 s3, s2  }
0x8d: {  	s2 =	sadd.s32 s2, s16  }
0x8e: {  	[smem:$0x3FBE] =	sst s2  }
0x8f: {  	_ = 	snop  }
0x90: {  	(tm) =	ssettm $0x1  }
0x91: {  	s17 =	sld [smem:$0x3FFB];
	_ =	sdelay $0x3  }
0x92: {  	_ =	strace s17  }
0x93: {  	s2 =	sld [smem:$0x3FFC];
	_ =	sdelay $0x3  }
0x94: {  	_ =	strace s2  }
0x95: {  	s2 =	sld [smem:$0x3FFD];
	_ =	sdelay $0x3  }
0x96: {  	_ =	strace s2  }
0x97: {  	_ =	strace $0x8FFFFFFF  }
0x98: {  	s18 =	sld [smem:$0x3FDB];
	_ =	sdelay $0x1  }
0x99: {  	s19 =	simm.s32 $_scs_section_size  }
0x9a: {  	s4 =	simm.s32 $_size__tile_overlayer_lowered;
	s5 =	simm.s32 $_tile_overlayer_lowered  }
0x9b: {  	s22 =	simm.s32 $0x1BFF;
	s21 =	sshll.u32 s5, $0x1;
	s2 =	sadd.s32 s19, s18  }
0x9c: {  	s6 =	simm.s32 $0x0;
	s20 =	sshll.u32 s4, $0x1;
	s4 =	sadd.s32 s21, s2  }
0x9d: {  	[timem:s6], [sflag:s22] =	dma.local [hbm:s4], s20  }
0x9e: {  	_ =	swait.ge [sflag:s22], s20  }
0x9f: {  	s3 =	ssub.s32 $0x0, s20;
	[sflag:s22] =	ssyncset.done $0x0  }
0xa0: {  	[sflag:s22] =	ssyncadd.s32 s3;
	_ =	sdelay $0x1  }
0xa1: {  	s23 =	simm.s32 $0x1B8B  }
0xa2: {  	_ =	swait.ge [sflag:s23], $0x1  }
0xa3: {  	[sflag:s23] =	ssyncset.done $0x0  }
0xa4: {  	s25 =	simm.s32 $0x1B8E;
	s24 =	sld [smem:$0x3FFE];
	[sflag:s23] =	ssyncadd.s32 $0xFFFFFFFF  }
0xa5: {  	s26 =	simm.s32 $execute0_lowered;
	[smem:$0x3FD2] =	sst s25  }
0xa6: {  	s4 =	sshll.u32 s26, $0x1;
	_ =	strace $0x80000046;
	[dreg:$0x1] =	wrdreg $0xFFFFFFFF  }
0xa7: {  	s28 =	simm.s32 $_size_execute0_lowered;
	s2 =	sadd.s32 s2, s4;
	[dreg:$0x0] =	wrdreg $0x0  }
0xa8: {  	s4 =	sshll.u32 s28, $0x1;
	[dreg:$0x2] =	wrdreg s2  }
0xa9: {  	[dreg:$0x3] =	wrdreg s4  }
0xaa: {  	[dreg:$0x4] =	wrdreg $0xC0  }
0xab: {  	_ =	task [dreg:s6], $0x5FFFF  }
0xac: {  	[dreg:$0x1] =	wrdreg $0xFFFFFFFF  }
0xad: {  	[dreg:$0x0] =	wrdreg $0x60  }
0xae: {  	[dreg:$0x2] =	wrdreg s24  }
0xaf: {  	[dreg:$0x3] =	wrdreg $0x2F000  }
0xb0: {  	[dreg:$0x4] =	wrdreg $0x9  }
0xb1: {  	_ =	task.clear_ibuf [dreg:s6], $0x5FFFF;
	_ =	strace $0x90000046  }
0xb2: {  	s29 =	simm.s32 $0x9;
	_ =	strace $0x80000048  }
0xb3: {  	_ =	swait.ge [sflag:s29], $0x1  }
0xb4: {  	[sflag:s29] =	ssyncadd.s32 $0xFFFFFFFF  }
0xb5: {  	_ =	strace $0x90000048  }
0xb6: {  	_ =	sfence  }
0xb7: {  	s30 =	sld [smem:$0x0];
	_ =	sdelay $0x2  }
0xb8: {  	s31 =	sshll.u32 s1, $0xD;
	s1 =	sshrl.u32 s1, $0x2  }
0xb9: {  	s3 =	sand.u32 $0x4000, s31;
	s1 =	sadd.s32 s1, s30  }
0xba: {  	s0 =	sor.u32 s3, s0;
	s1 =	sshll.u32 s1, $0x11  }
0xbb: {  	s0 =	sor.u32 s1, s0  }
0xbc: {  	s0 =	sadd.s32 $0x8F2B, s0  }
0xbd: {  	[sflag:s0] =	ssyncadd.remote.s32 $0x1  }
0xbe: {  	_ =	sfence.sel $0xFFFF  }
0xbf: {  	[dreg:$0x0] =	wrdreg $0xFFFFFFFF;
	(pc) =	sbr.abs _section_cstart, $3  }
0xc0: {  	[dreg:$0x1] =	wrdreg $0xFFFFFFFF  }
0xc1: {  	_ =	task.clear_ibuf [dreg:s6], $0x2FFFF;
	_ =	strace $0x9FFFFFFF  }
0xc2: {  	(tm) =	ssettm $0x7FFFFFFF  }
0xc3: {  	_ =	shalt  }
tec
execute0_lowered:
.L_overlay_start_1:
0x0: {  	(tag) =	ssettag $0x1  }
0x1: {  	s5 =	rddreg [dreg:$0x0]  }
0x2: {  	s2 =	rddreg [dreg:$0x1]  }
0x3: {  	s1 =	stileid.u32;
	s0 =	rddreg [dreg:$0x2]  }
0x4: {  	s3 =	simm.s32 $0x0;
	s6 =	srdreg.scid;
	s4 =	smul.u32 $0x56, s1  }
0x5: {  	s14 =	simm.s32 $0x80;
	s15 =	simm.s32 $0x10;
	s7 =	smul.u32 $0x48, s1  }
0x6: {  	s16 =	simm.s32 $0x0;
	[smem:$0x7FF] =	sst s3;
	s8 =	smul.u32 $0x13C0, s1  }
0x7: {  	s6 =	sand.u32 $0x1, s6;
	s10 =	smul.u32 $0x13C00, s1;
	s12 =	sshll.u32 s1, $0x6  }
0x8: {  	p0 =	seq.s32 s6, $0x0;
	s9 =	smul.u32 $0x13C000, s6;
	_ =	strace $0x80000047  }
0x9: {  	s6 =	ssub.s32 $0x2, s6;
	s7 =	sadd.s32 $0x560, s7;
	s30 =	sshrl.u32 s8, $0x3  }
0xa: {  	s31 =	sshrl.u32 s6, $0x1;
	s13 =	sadd.s32 s8, s2;
	s7 =	smov.u32 @p0 s4  }
0xb: {  	s4 =	sadd.s32 $0x19000, s5;
	s9 =	sadd.s32 s10, s9;
	s7 =	sshll.u32 s7, $0x4  }
0xc: {  	s10 =	ssub.s32 s6, s31;
	s9 =	sshrl.u32 s9, $0x3;
	s11 =	sadd.s32 s7, s5  }
0xd: {  	s7 =	sadd.s32 s30, s5;
	s9 =	sadd.s32 s9, s5;
	s5 =	simm.s32 $0x56  }
0xe: {  	s10 =	smax.u32 s10, $0x1;
	s5 =	simm.s32 @!p0 $0x48;
	s6 =	sadd.s32 $0x16800, s7  }
0xf: {  	s7 =	sor.u32 $0x1C01, s12;
	s8 =	sadd.s32 $0xC8E0, s11;
	s9 =	sadd.s32 $0x19200, s9  }
0x10: {  	s11 =	sshrl.u32 s13, $0x3;
	s12 =	simm.s32 $0x1;
	s13 =	simm.s32 $0x2B00  }
.LBB2_1:
0x11: {  	[spmem:s11], [sflag:s7] =	dma.local [hbm:s6], $0x278  }
0x12: {  	_ =	swait.ge [sflag:s12], $0x278  }
0x13: {  	[sflag:s12] =	ssyncset.done $0x0  }
0x14: {  	[sflag:s12] =	ssyncadd.s32 $0xFFFFFD88  }
0x15: {  	[tilespmem:s13], [sflag:$0x1] =	stream.linear.gather [hbm4b:s4+s3], $0x400, $0x38;
	[tilespmem:$0x42C0] =	vst v63  }
0x16: {  	_ =	swait.ge [sflag:s12], $0x400  }
0x17: {  	[sflag:s12] =	ssyncset.done $0x0  }
0x18: {  	[sflag:s12] =	ssyncadd.s32 $0xFFFFFC00  }
0x19: {  	[tilespmem:s3], [sflag:$0x1] =	stream.linear.gather [hbm4b:s8+s3], $0x2B00, $0x38;
	[tilespmem:$0x42C0] =	vst v63  }
0x1a: {  	_ =	swait.ge [sflag:s12], $0x2B00  }
0x1b: {  	p0 =	sne.s32 s5, $0x1;
	[sflag:s12] =	ssyncset.done $0x0  }
.Ltmp0:
0x1c: {  	[sflag:s12] =	ssyncadd.s32 $0xFFFFD500;
	(pc) =	sbr.rel @!p0 .LBB2_3-.Ltmp0, $4  }
0x1d: {  	[bflag:$0x0] =	sbarrier.arrive $0xFFFF  }
0x1e: {  	[spmem:s2] =	stream.indirect.scatter.add.f32 [tilespmem:s13], [sflag:$0x1], $0x8, s3, s14, $0xb8;
	[tilespmem:$0x42C0] =	vst v63  }
0x1f: {  	_ =	swait.ge [sflag:s12], $0x400  }
0x20: {  	s17 =	sadd.s32 $0xFFFFFFFF, s5;
	s18 =	simm.s32 $0x0;
	[sflag:s12] =	ssyncset.done $0x0  }
.LBB2_2:
0x21: {  	p0 =	sne.s32 s17, $0x1;
	[sflag:s12] =	ssyncadd.s32 $0xFFFFFC00;
	s18 =	sadd.s32 $0x80, s18  }
.Ltmp1:
0x22: {  	s17 =	sadd.s32 $0xFFFFFFFF, s17;
	(pc) =	sbr.rel @p0 .LBB2_2-.Ltmp1, $4  }
0x23: {  	_ = 	snop  }
0x24: {  	[spmem:s2] =	stream.indirect.scatter.add.f32 [tilespmem:s13], [sflag:$0x1], $0x8, s18, s14, $0xb8;
	[tilespmem:$0x42C0] =	vst v63  }
0x25: {  	_ =	swait.ge [sflag:s12], $0x400  }
0x26: {  	[sflag:s12] =	ssyncset.done $0x0  }
.LBB2_3:
0x27: {  	s16 =	sadd.s32 $0x1, s16  }
0x28: {  	[sflag:s12] =	ssyncadd.s32 $0xFFFFFC00;
	p0 =	sne.s32 s16, s10  }
.Ltmp2:
0x29: {  	[bflag:$0x0] =	sbarrier.arrive $0xFFFF;
	(pc) =	sbr.rel @p0 .LBB2_1-.Ltmp2, $4  }
0x2a: {  	[hbm:s9@s15], [sflag:s7] =	dma.strided [spmem:s11@s12], $0x278, s12, $0x1   }
0x2b: {  	_ =	swait.ge [sflag:s12], $0x278  }
0x2c: {  	[sflag:s12] =	ssyncset.done $0x0  }
0x2d: {  	[sflag:s12] =	ssyncadd.s32 $0xFFFFFD88  }
0x2e: {  	_ =	sfence.sel $0x180000  }
0x2f: {  	[bflag:$0x0] =	sbarrier.arrive $0xFFFF  }
0x30: {  	p0 =	sne.s32 s1, $0x0;
	_ =	strace $0x90000047  }
0x31: {  	s0 =	sadd.s32 @!p0 $0x100000, s0;
	[bflag:$0x2] =	sbarrier.arrive $0xFFFF  }
0x32: {  	[sflag:s0] =	ssyncadd.tile.s32 @!p0 $0x1;
	_ =	shalt  }
.Lfunc_end2:
_tile_overlayer_lowered:
.L_overlay_start_2:
0x33: {  	(tag) =	ssettag $0x2  }
0x34: {  	s0 =	rddreg [dreg:$0x0];
	s2 =	stileid.u32  }
0x35: {  	s1 =	rddreg [dreg:$0x1];
	p0 =	sne.s32 s2, $0x0  }
0x36: {  	s3 =	rddreg [dreg:$0x2];
	[bflag:$0x3] =	sbarrier.arrive $0xFFFF;
	s2 =	simm.s32 @!p0 $0x1C01  }
0x37: {  	[timem:s3], [sflag:s2] =	dma.local @!p0 [hbm:s0], s1  }
0x38: {  	s0 =	simm.s32 @!p0 $0x1  }
0x39: {  	_ =	swait.ge @!p0 [sflag:s0], s1  }
0x3a: {  	s1 =	ssub.s32 @!p0 $0x0, s1;
	[sflag:s0] =	ssyncset.done @!p0 $0x0  }
0x3b: {  	[sflag:s0] =	ssyncadd.s32 @!p0 s1  }
0x3c: {  	[bflag:$0x3] =	sbarrier.arrive $0xFFFF  }
0x3d: {  	_ =	shalt  }

// kernel: kernel.13.cloned.1.call-start
scs
__scs_entry_jumppad:
0x0: {  	(pc) =	sbr.rel $0x88, $3  }
0x1: {  	(tag) =	ssettag $0x0;
	lr =	simm.s32 $0x1  }
0x2: {  	[smem:$0x3F97] =	sst lr;
	_ =	strace $0xD0000000  }
0x3: {  	_ = 	snop  }
0x4: {  	_ = 	snop  }
0x5: {  	_ = 	snop  }
0x6: {  	_ = 	snop  }
0x7: {  	_ = 	snop  }
__scs_overlays_trampoline_lowered:
0x8: {  	[smem:$0x3FA6] =	sst s0  }
0x9: {  	[smem:$0x3FA7] =	sst s1  }
0xa: {  	[smem:$0x3FA8] =	sst s2  }
0xb: {  	[smem:$0x3FA9] =	sst s3  }
0xc: {  	[smem:$0x3FAA] =	sst s4  }
0xd: {  	[smem:$0x3FAB] =	sst s5  }
0xe: {  	[smem:$0x3FAC] =	sst s6  }
0xf: {  	[smem:$0x3FAD] =	sst s7  }
0x10: {  	[smem:$0x3FAE] =	sst s8  }
0x11: {  	[smem:$0x3FAF] =	sst s9;
	s0 =	simm.s32 @!p0 $0x0  }
0x12: {  	s1 =	sld [smem:$0x3F95];
	s0 =	simm.s32 @p0 $0x1  }
0x13: {  	[smem:$0x3FB0] =	sst s0;
	s0 =	simm.s32 @!p1 $0x0  }
0x14: {  	s2 =	sld [smem:$0x3F94];
	s0 =	simm.s32 @p1 $0x1  }
0x15: {  	[smem:$0x3FB1] =	sst s0;
	s0 =	simm.s32 @!p2 $0x0  }
0x16: {  	s3 =	sld [smem:$0x3FDB];
	s0 =	simm.s32 @p2 $0x1  }
0x17: {  	s4 =	simm.s32 $0x1BF5;
	[smem:$0x3FB3] =	sst s0  }
0x18: {  	s0 =	sld [smem:$0x3F96];
	_ =	swait.ge [sflag:s4], $0x0  }
0x19: {  	s7 =	sld [smem:$0x3F97]  }
0x1a: {  	s8 =	sadd.s32 $0xFFFFE003, lr  }
0x1b: {  	s9 =	sadd.s32 $0xFFFFFEF7, lr;
	s5 =	simm.s32 $0xFFFFFFFF;
	p2 =	slt.u32 s8, $0xFFFFF086  }
0x1c: {  	p1 =	slt.u32 s9, $0xF7A;
	s5 =	simm.s32 @!p2 $0x0  }
0x1d: {  	s5 =	simm.s32 @p1 $0x1;
	p0 =	seq.s32 s7, s2  }
0x1e: {  	s7 =	smul.u32 @!p0 $0xF7A, s2;
	p2 =	seq.s32 @!p0 s5, $0x0  }
0x1f: {  	s9 =	smul.u32 $0xF7A, s1;
	s8 =	simm.s32 @!p0 $0x1BF5;
	p2 =	por !p2, p0  }
0x20: {  	[sflag:s8] =	ssyncset.s32 @!p0 $0xFFFFF086;
	s6 =	sadd.s32 @!p0 s3, s7;
	s7 =	simm.s32 @!p0 $0x108  }
0x21: {  	s3 =	sadd.s32 s3, s9;
	s6 =	sadd.s32 @!p0 $0x88, s6;
	s7 =	simm.s32 @p2 $0x1082  }
0x22: {  	[simem:s7], [sflag:s8] =	dma.local @!p0 [hbm:s6], $0xF7A  }
0x23: {  	s9 =	sor.u32 $0xD0000000, s2;
	s6 =	simm.s32 $0x108;
	_ =	swait.ge @!p0 [sflag:s8], $0x0  }
0x24: {  	s3 =	sadd.s32 $0x88, s3;
	s6 =	simm.s32 @!p1 $0x1082;
	[sflag:s4] =	ssyncset.s32 $0xFFFFF086  }
0x25: {  	[simem:s6], [sflag:s4] =	dma.local [hbm:s3], $0xF7A  }
0x26: {  	[smem:$0x3F97] =	sst s1;
	(tag) =	ssettag s2;
	_ =	strace s9  }
0x27: {  	s1 =	sld [smem:$0x3FA7]  }
0x28: {  	s2 =	sld [smem:$0x3FA8]  }
0x29: {  	s4 =	sld [smem:$0x3FAA]  }
0x2a: {  	p0 =	seq.s32 s5, $0x0;
	s5 =	sld [smem:$0x3FAB]  }
0x2b: {  	s6 =	sld [smem:$0x3FAC]  }
0x2c: {  	s7 =	sld [smem:$0x3FAD]  }
0x2d: {  	s3 =	simm.s32 $0x108;
	s8 =	sld [smem:$0x3FAE]  }
0x2e: {  	s3 =	simm.s32 @!p0 $0x1082;
	s9 =	sld [smem:$0x3FAF]  }
0x2f: {  	lr =	sadd.s32 s0, s3;
	s0 =	sld [smem:$0x3FA6]  }
0x30: {  	s3 =	sld [smem:$0x3FA9]  }
0x31: {  	[smem:$0x3FB2] =	sst s10  }
0x32: {  	s10 =	sld [smem:$0x3FB0];
	_ =	sdelay $0x3  }
0x33: {  	p0 =	seq.s32 s10, $0x1;
	s10 =	sld [smem:$0x3FB2];
	_ =	sdelay $0x3  }
0x34: {  	[smem:$0x3FB2] =	sst s10  }
0x35: {  	s10 =	sld [smem:$0x3FB1];
	_ =	sdelay $0x3  }
0x36: {  	p1 =	seq.s32 s10, $0x1;
	s10 =	sld [smem:$0x3FB2];
	_ =	sdelay $0x3  }
0x37: {  	[smem:$0x3FB2] =	sst s10  }
0x38: {  	s10 =	sld [smem:$0x3FB3]  }
0x39: {  	_ = 	snop;
	(pc) =	sbr.ind lr, $3  }
0x3a: {  	_ = 	snop  }
0x3b: {  	_ = 	snop  }
0x3c: {  	p2 =	seq.s32 s10, $0x1;
	s10 =	sld [smem:$0x3FB2]  }
0x3d: {  	_ =	shalt  }
0x3e: {  	_ =	shalt  }
0x3f: {  	_ =	shalt  }
0x40: {  	_ =	shalt  }
0x41: {  	_ =	shalt  }
0x42: {  	_ =	shalt  }
0x43: {  	_ =	shalt  }
0x44: {  	_ =	shalt  }
0x45: {  	_ =	shalt  }
0x46: {  	_ =	shalt  }
0x47: {  	_ =	shalt  }
0x48: {  	_ =	shalt  }
0x49: {  	_ =	shalt  }
0x4a: {  	_ =	shalt  }
0x4b: {  	_ =	shalt  }
0x4c: {  	_ =	shalt  }
0x4d: {  	_ =	shalt  }
0x4e: {  	_ =	shalt  }
0x4f: {  	_ =	shalt  }
0x50: {  	_ =	shalt  }
0x51: {  	_ =	shalt  }
0x52: {  	_ =	shalt  }
0x53: {  	_ =	shalt  }
0x54: {  	_ =	shalt  }
0x55: {  	_ =	shalt  }
0x56: {  	_ =	shalt  }
0x57: {  	_ =	shalt  }
0x58: {  	_ =	shalt  }
0x59: {  	_ =	shalt  }
0x5a: {  	_ =	shalt  }
0x5b: {  	_ =	shalt  }
0x5c: {  	_ =	shalt  }
0x5d: {  	_ =	shalt  }
0x5e: {  	_ =	shalt  }
0x5f: {  	_ =	shalt  }
0x60: {  	_ =	shalt  }
0x61: {  	_ =	shalt  }
0x62: {  	_ =	shalt  }
0x63: {  	_ =	shalt  }
0x64: {  	_ =	shalt  }
0x65: {  	_ =	shalt  }
0x66: {  	_ =	shalt  }
0x67: {  	_ =	shalt  }
0x68: {  	_ =	shalt  }
0x69: {  	_ =	shalt  }
0x6a: {  	_ =	shalt  }
0x6b: {  	_ =	shalt  }
0x6c: {  	_ =	shalt  }
0x6d: {  	_ =	shalt  }
0x6e: {  	_ =	shalt  }
0x6f: {  	_ =	shalt  }
0x70: {  	_ =	shalt  }
0x71: {  	_ =	shalt  }
0x72: {  	_ =	shalt  }
0x73: {  	_ =	shalt  }
0x74: {  	_ =	shalt  }
0x75: {  	_ =	shalt  }
0x76: {  	_ =	shalt  }
0x77: {  	_ =	shalt  }
0x78: {  	_ =	shalt  }
0x79: {  	_ =	shalt  }
0x7a: {  	_ =	shalt  }
0x7b: {  	_ =	shalt  }
0x7c: {  	_ =	shalt  }
0x7d: {  	_ =	shalt  }
0x7e: {  	_ =	shalt  }
0x7f: {  	_ =	shalt  }
0x80: {  	_ =	shalt  }
0x81: {  	_ =	shalt  }
0x82: {  	_ =	shalt  }
0x83: {  	_ =	shalt  }
0x84: {  	_ =	shalt  }
0x85: {  	_ =	shalt  }
0x86: {  	_ =	shalt  }
0x87: {  	_ =	shalt  }
.Lfunc_end0:
.L_simem_size_0:
called_computation.1_lowered:
.L_overlay_start_0:
0x88: {  	s2 =	sld [smem:$0x3FD9]  }
0x89: {  	s3 =	sld [smem:$0x3FFE];
	_ =	sdelay $0x1  }
0x8a: {  	s1 =	srdreg.scid  }
0x8b: {  	s0 =	sand.u32 $0x1, s1  }
0x8c: {  	s16 =	sshll.u32 s0, $0xA;
	s2 =	sadd.s32 s3, s2  }
0x8d: {  	s2 =	sadd.s32 s2, s16  }
0x8e: {  	[smem:$0x3FBE] =	sst s2  }
0x8f: {  	_ = 	snop  }
0x90: {  	(tm) =	ssettm $0x1  }
0x91: {  	s17 =	sld [smem:$0x3FFB];
	_ =	sdelay $0x3  }
0x92: {  	_ =	strace s17  }
0x93: {  	s2 =	sld [smem:$0x3FFC];
	_ =	sdelay $0x3  }
0x94: {  	_ =	strace s2  }
0x95: {  	s2 =	sld [smem:$0x3FFD];
	_ =	sdelay $0x3  }
0x96: {  	_ =	strace s2  }
0x97: {  	_ =	strace $0x8FFFFFFF  }
0x98: {  	s18 =	sld [smem:$0x3FDB];
	_ =	sdelay $0x1  }
0x99: {  	s19 =	simm.s32 $_scs_section_size  }
0x9a: {  	s4 =	simm.s32 $_size__tile_overlayer_lowered;
	s5 =	simm.s32 $_tile_overlayer_lowered  }
0x9b: {  	s22 =	simm.s32 $0x1BFF;
	s21 =	sshll.u32 s5, $0x1;
	s2 =	sadd.s32 s19, s18  }
0x9c: {  	s6 =	simm.s32 $0x0;
	s20 =	sshll.u32 s4, $0x1;
	s4 =	sadd.s32 s21, s2  }
0x9d: {  	[timem:s6], [sflag:s22] =	dma.local [hbm:s4], s20  }
0x9e: {  	_ =	swait.ge [sflag:s22], s20  }
0x9f: {  	s3 =	ssub.s32 $0x0, s20;
	[sflag:s22] =	ssyncset.done $0x0  }
0xa0: {  	[sflag:s22] =	ssyncadd.s32 s3;
	_ =	sdelay $0x1  }
0xa1: {  	s23 =	simm.s32 $0x1B8B  }
0xa2: {  	_ =	swait.ge [sflag:s23], $0x1  }
0xa3: {  	[sflag:s23] =	ssyncset.done $0x0  }
0xa4: {  	s25 =	simm.s32 $0x1B8E;
	s24 =	sld [smem:$0x3FFE];
	[sflag:s23] =	ssyncadd.s32 $0xFFFFFFFF  }
0xa5: {  	s26 =	simm.s32 $execute0_lowered;
	[smem:$0x3FD2] =	sst s25  }
0xa6: {  	s4 =	sshll.u32 s26, $0x1;
	_ =	strace $0x80000049;
	[dreg:$0x1] =	wrdreg $0xFFFFFFFF  }
0xa7: {  	s28 =	simm.s32 $_size_execute0_lowered;
	s2 =	sadd.s32 s2, s4;
	[dreg:$0x0] =	wrdreg $0x0  }
0xa8: {  	s4 =	sshll.u32 s28, $0x1;
	[dreg:$0x2] =	wrdreg s2  }
0xa9: {  	[dreg:$0x3] =	wrdreg s4  }
0xaa: {  	[dreg:$0x4] =	wrdreg $0xC0  }
0xab: {  	_ =	task [dreg:s6], $0x5FFFF  }
0xac: {  	[dreg:$0x1] =	wrdreg $0xFFFFFFFF  }
0xad: {  	[dreg:$0x0] =	wrdreg $0x60  }
0xae: {  	[dreg:$0x2] =	wrdreg s24  }
0xaf: {  	[dreg:$0x3] =	wrdreg $0x66000  }
0xb0: {  	[dreg:$0x4] =	wrdreg $0x9  }
0xb1: {  	_ =	task.clear_ibuf [dreg:s6], $0x5FFFF;
	_ =	strace $0x90000049  }
0xb2: {  	s29 =	simm.s32 $0x9;
	_ =	strace $0x8000004B  }
0xb3: {  	_ =	swait.ge [sflag:s29], $0x1  }
0xb4: {  	[sflag:s29] =	ssyncadd.s32 $0xFFFFFFFF  }
0xb5: {  	_ =	strace $0x9000004B  }
0xb6: {  	_ =	sfence  }
0xb7: {  	s30 =	sld [smem:$0x0];
	_ =	sdelay $0x2  }
0xb8: {  	s31 =	sshll.u32 s1, $0xD;
	s1 =	sshrl.u32 s1, $0x2  }
0xb9: {  	s3 =	sand.u32 $0x4000, s31;
	s1 =	sadd.s32 s1, s30  }
0xba: {  	s0 =	sor.u32 s3, s0;
	s1 =	sshll.u32 s1, $0x11  }
0xbb: {  	s0 =	sor.u32 s1, s0  }
0xbc: {  	s0 =	sadd.s32 $0x8F2B, s0  }
0xbd: {  	[sflag:s0] =	ssyncadd.remote.s32 $0x1  }
0xbe: {  	_ =	sfence.sel $0xFFFF  }
0xbf: {  	[dreg:$0x0] =	wrdreg $0xFFFFFFFF;
	(pc) =	sbr.abs _section_cstart, $3  }
0xc0: {  	[dreg:$0x1] =	wrdreg $0xFFFFFFFF  }
0xc1: {  	_ =	task.clear_ibuf [dreg:s6], $0x2FFFF;
	_ =	strace $0x9FFFFFFF  }
0xc2: {  	(tm) =	ssettm $0x7FFFFFFF  }
0xc3: {  	_ =	shalt  }
tec
execute0_lowered:
.L_overlay_start_1:
0x0: {  	(tag) =	ssettag $0x1  }
0x1: {  	s0 =	rddreg [dreg:$0x0]  }
0x2: {  	s2 =	rddreg [dreg:$0x1]  }
0x3: {  	s10 =	stileid.u32;
	s3 =	simm.s32 $0x0;
	s4 =	srdreg.scid  }
0x4: {  	s14 =	simm.s32 $0x5;
	s16 =	simm.s32 $0x80;
	s17 =	simm.s32 $0x5600  }
0x5: {  	s18 =	simm.s32 $0x5E00;
	s19 =	simm.s32 $0x1;
	s1 =	smul.u32 $0x56, s10  }
0x6: {  	s20 =	simm.s32 $0x2;
	s21 =	simm.s32 $0x3;
	s5 =	smul.u32 $0x48, s10  }
0x7: {  	s22 =	simm.s32 $0x4;
	s24 =	simm.s32 $0x0;
	s7 =	smul.u32 $0x2780, s10  }
0x8: {  	[smem:$0x7FF] =	sst s3;
	s6 =	sand.u32 $0x1, s4;
	s26 =	smul.u32 $0x13C00, s10  }
0x9: {  	s4 =	sadd.s32 $0x16800, s0;
	s10 =	sshll.u32 s10, $0x6;
	p0 =	seq.s32 s6, $0x0  }
0xa: {  	s8 =	smul.u32 $0x13C000, s6;
	_ =	strace $0x8000004A;
	s6 =	ssub.s32 $0x2, s6  }
0xb: {  	s5 =	sadd.s32 $0x560, s5;
	s28 =	sshrl.u32 s7, $0x3;
	s30 =	sshrl.u32 s6, $0x1  }
0xc: {  	s13 =	sadd.s32 s7, s2;
	s7 =	sor.u32 $0x1C05, s10;
	s5 =	smov.u32 @p0 s1  }
0xd: {  	s1 =	sadd.s32 s26, s8;
	s29 =	sadd.s32 s28, s0;
	s13 =	sshrl.u32 s13, $0x3  }
0xe: {  	s5 =	sshll.u32 s5, $0x4;
	s1 =	sshrl.u32 s1, $0x3;
	s31 =	sadd.s32 $0x1B800, s29  }
0xf: {  	s9 =	sadd.s32 s5, s0;
	s0 =	sadd.s32 s1, s0;
	s5 =	simm.s32 $0x56  }
0x10: {  	s1 =	ssub.s32 s6, s30;
	[dreg:$0x3] =	wrdreg s31;
	s5 =	simm.s32 @!p0 $0x48  }
0x11: {  	s8 =	sadd.s32 $0x2A00, s9;
	s9 =	sadd.s32 $0xC8E0, s9;
	s12 =	sshrl.u32 s5, $0x1  }
0x12: {  	s10 =	sadd.s32 $0x20800, s0;
	s11 =	smax.u32 s1, $0x1;
	s12 =	sadd.s32 $0xFFFFFFFF, s12  }
.LBB2_1:
0x13: {  	s0 =	rddreg [dreg:$0x3]  }
0x14: {  	[spmem:s13], [sflag:s7] =	dma.local [hbm:s0], $0x4F0  }
0x15: {  	_ =	swait.ge [sflag:s14], $0x4F0  }
0x16: {  	[sflag:s14] =	ssyncset.done $0x0  }
0x17: {  	[sflag:s14] =	ssyncadd.s32 $0xFFFFFB10  }
0x18: {  	[tilespmem:s3], [sflag:$0x5] =	stream.linear.gather [hbm4b:s8+s3], $0x2B00, $0x38;
	[tilespmem:$0x8D80] =	vst v63  }
0x19: {  	_ =	swait.ge [sflag:s14], $0x2B00  }
0x1a: {  	[sflag:s14] =	ssyncset.done $0x0  }
0x1b: {  	s25 =	simm.s32 $0x2B00;
	[sflag:s14] =	ssyncadd.s32 $0xFFFFD500  }
0x1c: {  	[tilespmem:s25], [sflag:$0x5] =	stream.linear.gather [hbm4b:s9+s3], $0x2B00, $0x38;
	[tilespmem:$0x8D80] =	vst v63  }
0x1d: {  	_ =	swait.ge [sflag:s14], $0x2B00  }
0x1e: {  	[sflag:s14] =	ssyncset.done $0x0  }
0x1f: {  	[sflag:s14] =	ssyncadd.s32 $0xFFFFD500  }
0x20: {  	[bflag:$0x0] =	sbarrier.arrive $0xFFFF  }
0x21: {  	[tilespmem:s17], [sflag:$0x1] =	stream.indirect.gather [hbm4b:s4+s16], $0x10, s3, s16, $0xb8;
	[tilespmem:$0x8D80] =	vst v63  }
0x22: {  	_ = 	snop  }
0x23: {  	[tilespmem:s18], [sflag:$0x2] =	stream.indirect.gather [hbm4b:s4+s16], $0x10, s16, s16, $0xb8;
	[tilespmem:$0x8D80] =	vst v63  }
0x24: {  	_ =	swait.ge [sflag:s19], $0x800  }
0x25: {  	[sflag:s19] =	ssyncset.done $0x0  }
0x26: {  	s26 =	simm.s32 $0x2B00;
	[sflag:s19] =	ssyncadd.s32 $0xFFFFF800  }
0x27: {  	[spmem:s2] =	stream.indirect.scatter.add.f32 [tilespmem:s17], [sflag:$0x3], $0x10, s26, s16, $0xb8;
	[tilespmem:$0x8D80] =	vst v63  }
0x28: {  	_ =	swait.ge [sflag:s20], $0x800  }
0x29: {  	p1 =	sle.u32 s5, $0x2;
	[sflag:s20] =	ssyncset.done $0x0  }
0x2a: {  	s28 =	simm.s32 $0x2B80;
	s0 =	simm.s32 @!p1 $0x3;
	[sflag:s20] =	ssyncadd.s32 $0xFFFFF800  }
0x2b: {  	[spmem:s2] =	stream.indirect.scatter.add.f32 [tilespmem:s18], [sflag:$0x4], $0x10, s28, s16, $0xb8;
	[tilespmem:$0x8D80] =	vst v63  }
0x2c: {  	_ =	swait.ge @!p1 [sflag:s0], $0x800  }
0x2d: {  	s29 =	sadd.s32 $0xFFFFFFFF, s12;
	s15 =	simm.s32 @!p1 $0x80;
	[sflag:s0] =	ssyncset.done @!p1 $0x0  }
0x2e: {  	s23 =	simm.s32 @!p1 $0x5600;
	s26 =	simm.s32 @!p1 $0x100;
	[sflag:s0] =	ssyncadd.s32 @!p1 $0xFFFFF800  }
0x2f: {  	[tilespmem:s23], [sflag:$0x1] =	stream.indirect.gather @!p1 [hbm4b:s4+s15], $0x10, s26, s15, $0xb8;
	[tilespmem:$0x8D80] =	vst v63  }
0x30: {  	p1 =	sne.s32 s29, $0x0  }
.Ltmp0:
0x31: {  	_ = 	snop;
	(pc) =	sbr.rel @!p1 .LBB2_3-.Ltmp0, $4  }
0x32: {  	p0 =	sle.u32 s5, $0x3;
	s31 =	simm.s32 $0x2C80  }
0x33: {  	s30 =	simm.s32 $0x180;
	s1 =	simm.s32 @!p0 $0x4;
	s25 =	simm.s32 $0x180  }
0x34: {  	s0 =	simm.s32 $0x180;
	s26 =	simm.s32 $0x5;
	_ =	swait.ge @!p0 [sflag:s1], $0x800  }
0x35: {  	s15 =	simm.s32 @!p0 $0x80;
	s23 =	simm.s32 @!p0 $0x5E00;
	[sflag:s1] =	ssyncset.done @!p0 $0x0  }
.LBB2_2:
0x36: {  	s30 =	smov.u32 s25;
	s28 =	smov.u32 s31  }
0x37: {  	s29 =	sadd.s32 $0xFFFFFFFF, s29;
	s25 =	sadd.s32 $0x100, s25;
	[sflag:s1] =	ssyncadd.s32 @!p0 $0xFFFFF800  }
0x38: {  	[tilespmem:s23], [sflag:$0x2] =	stream.indirect.gather @!p0 [hbm4b:s4+s15], $0x10, s0, s15, $0xb8;
	[tilespmem:$0x8D80] =	vst v63  }
0x39: {  	p1 =	sne.s32 s29, $0x0;
	s0 =	smov.u32 s25;
	_ =	swait.ge [sflag:s19], $0x800  }
0x3a: {  	s1 =	sadd.s32 $0xFFFFFF80, s31;
	[sflag:s19] =	ssyncset.done $0x0  }
0x3b: {  	[sflag:s19] =	ssyncadd.s32 $0xFFFFF800  }
0x3c: {  	[spmem:s2] =	stream.indirect.scatter.add.f32 [tilespmem:s17], [sflag:$0x3], $0x10, s1, s16, $0xb8;
	[tilespmem:$0x8D80] =	vst v63  }
0x3d: {  	s1 =	sadd.s32 $0xFFFFFFFF, s26;
	_ =	swait.ge [sflag:s20], $0x800  }
0x3e: {  	p2 =	sge.u32 s1, s5;
	[sflag:s20] =	ssyncset.done $0x0  }
0x3f: {  	p0 =	sge.u32 s26, s5;
	s1 =	simm.s32 @!p2 $0x3;
	[sflag:s20] =	ssyncadd.s32 $0xFFFFF800  }
0x40: {  	[spmem:s2] =	stream.indirect.scatter.add.f32 [tilespmem:s18], [sflag:$0x4], $0x10, s31, s16, $0xb8;
	[tilespmem:$0x8D80] =	vst v63  }
0x41: {  	s15 =	simm.s32 @!p2 $0x80;
	s23 =	simm.s32 @!p2 $0x5600;
	_ =	swait.ge @!p2 [sflag:s1], $0x800  }
.Ltmp1:
0x42: {  	s6 =	sadd.s32 @!p2 $0xFFFFFF80, s25;
	[sflag:s1] =	ssyncset.done @!p2 $0x0;
	(pc) =	sbr.rel @p1 .LBB2_2-.Ltmp1, $4  }
0x43: {  	[sflag:s1] =	ssyncadd.s32 @!p2 $0xFFFFF800;
	s1 =	simm.s32 @!p0 $0x4  }
0x44: {  	[tilespmem:s23], [sflag:$0x1] =	stream.indirect.gather @!p2 [hbm4b:s4+s15], $0x10, s6, s15, $0xb8;
	[tilespmem:$0x8D80] =	vst v63  }
0x45: {  	s26 =	sadd.s32 $0x2, s26;
	s31 =	sadd.s32 $0x100, s31;
	_ =	swait.ge @!p0 [sflag:s1], $0x800  }
0x46: {  	s15 =	simm.s32 @!p0 $0x80;
	s23 =	simm.s32 @!p0 $0x5E00;
	[sflag:s1] =	ssyncset.done @!p0 $0x0  }
.LBB2_3:
0x47: {  	[sflag:s1] =	ssyncadd.s32 @!p0 $0xFFFFF800  }
0x48: {  	[tilespmem:s23], [sflag:$0x2] =	stream.indirect.gather @!p0 [hbm4b:s4+s15], $0x10, s0, s15, $0xb8;
	[tilespmem:$0x8D80] =	vst v63  }
0x49: {  	_ =	swait.ge [sflag:s19], $0x800  }
0x4a: {  	[sflag:s19] =	ssyncset.done $0x0  }
0x4b: {  	s28 =	sadd.s32 $0x80, s28;
	[sflag:s19] =	ssyncadd.s32 $0xFFFFF800  }
0x4c: {  	[spmem:s2] =	stream.indirect.scatter.add.f32 [tilespmem:s17], [sflag:$0x3], $0x10, s28, s16, $0xb8;
	[tilespmem:$0x8D80] =	vst v63  }
0x4d: {  	s29 =	sadd.s32 $0xFFFFFFFF, s26;
	_ =	swait.ge [sflag:s20], $0x800  }
0x4e: {  	p0 =	sge.u32 s29, s5;
	[sflag:s20] =	ssyncset.done $0x0  }
0x4f: {  	s0 =	simm.s32 @!p0 $0x3;
	[sflag:s20] =	ssyncadd.s32 $0xFFFFF800  }
0x50: {  	[spmem:s2] =	stream.indirect.scatter.add.f32 [tilespmem:s18], [sflag:$0x4], $0x10, s31, s16, $0xb8;
	[tilespmem:$0x8D80] =	vst v63  }
0x51: {  	_ =	swait.ge @!p0 [sflag:s0], $0x800  }
0x52: {  	s1 =	simm.s32 @!p0 $0x80;
	[sflag:s0] =	ssyncset.done @!p0 $0x0  }
0x53: {  	s6 =	simm.s32 @!p0 $0x5600;
	[sflag:s0] =	ssyncadd.s32 @!p0 $0xFFFFF800;
	s0 =	sadd.s32 @!p0 $0x80, s30  }
0x54: {  	[tilespmem:s6], [sflag:$0x1] =	stream.indirect.gather @!p0 [hbm4b:s4+s1], $0x10, s0, s1, $0xb8;
	[tilespmem:$0x8D80] =	vst v63  }
0x55: {  	p0 =	sge.u32 s26, s5  }
0x56: {  	s0 =	simm.s32 @!p0 $0x4  }
0x57: {  	_ =	swait.ge @!p0 [sflag:s0], $0x800  }
0x58: {  	s1 =	sadd.s32 $0x100, s25;
	[sflag:s0] =	ssyncset.done @!p0 $0x0  }
0x59: {  	s6 =	simm.s32 @!p0 $0x5E00;
	[sflag:s0] =	ssyncadd.s32 @!p0 $0xFFFFF800;
	s0 =	simm.s32 @!p0 $0x80  }
0x5a: {  	[tilespmem:s6], [sflag:$0x2] =	stream.indirect.gather @!p0 [hbm4b:s4+s0], $0x10, s1, s0, $0xb8;
	[tilespmem:$0x8D80] =	vst v63  }
0x5b: {  	_ =	swait.ge [sflag:s21], $0x800  }
0x5c: {  	[sflag:s21] =	ssyncset.done $0x0  }
0x5d: {  	[sflag:s21] =	ssyncadd.s32 $0xFFFFF800  }
0x5e: {  	_ =	swait.ge [sflag:s22], $0x800  }
0x5f: {  	s24 =	sadd.s32 $0x1, s24;
	[sflag:s22] =	ssyncset.done $0x0  }
0x60: {  	p0 =	sne.s32 s24, s11;
	[sflag:s22] =	ssyncadd.s32 $0xFFFFF800  }
.Ltmp2:
0x61: {  	s31 =	simm.s32 $0x10;
	[bflag:$0x0] =	sbarrier.arrive $0xFFFF;
	(pc) =	sbr.rel @p0 .LBB2_1-.Ltmp2, $4  }
0x62: {  	[hbm:s10@s31], [sflag:s7] =	dma.strided [spmem:s13@s20], $0x4F0, s19, $0x2   }
0x63: {  	_ =	swait.ge [sflag:s14], $0x4F0  }
0x64: {  	[sflag:s14] =	ssyncset.done $0x0  }
0x65: {  	[sflag:s14] =	ssyncadd.s32 $0xFFFFFB10  }
0x66: {  	_ =	sfence.sel $0x180000  }
0x67: {  	[bflag:$0x0] =	sbarrier.arrive $0xFFFF  }
0x68: {  	_ =	strace $0x9000004A  }
0x69: {  	s0 =	stileid.u32;
	[bflag:$0x2] =	sbarrier.arrive $0xFFFF  }
0x6a: {  	p0 =	sne.s32 s0, $0x0;
	s0 =	rddreg [dreg:$0x2]  }
0x6b: {  	s0 =	sadd.s32 @!p0 $0x100000, s0  }
0x6c: {  	[sflag:s0] =	ssyncadd.tile.s32 @!p0 $0x1;
	_ =	shalt  }
.Lfunc_end2:
_tile_overlayer_lowered:
.L_overlay_start_2:
0x6d: {  	(tag) =	ssettag $0x2  }
0x6e: {  	s0 =	rddreg [dreg:$0x0];
	s2 =	stileid.u32  }
0x6f: {  	s1 =	rddreg [dreg:$0x1];
	p0 =	sne.s32 s2, $0x0  }
0x70: {  	s3 =	rddreg [dreg:$0x2];
	[bflag:$0x3] =	sbarrier.arrive $0xFFFF;
	s2 =	simm.s32 @!p0 $0x1C05  }
0x71: {  	[timem:s3], [sflag:s2] =	dma.local @!p0 [hbm:s0], s1  }
0x72: {  	s0 =	simm.s32 @!p0 $0x5  }
0x73: {  	_ =	swait.ge @!p0 [sflag:s0], s1  }
0x74: {  	s1 =	ssub.s32 @!p0 $0x0, s1;
	[sflag:s0] =	ssyncset.done @!p0 $0x0  }
0x75: {  	[sflag:s0] =	ssyncadd.s32 @!p0 s1  }
0x76: {  	[bflag:$0x3] =	sbarrier.arrive $0xFFFF  }
0x77: {  	_ =	shalt  }

// kernel: kernel.16.cloned.1.call-start
scs
__scs_entry_jumppad:
0x0: {  	(pc) =	sbr.rel $0x88, $3  }
0x1: {  	(tag) =	ssettag $0x0;
	lr =	simm.s32 $0x1  }
0x2: {  	[smem:$0x3F97] =	sst lr;
	_ =	strace $0xD0000000  }
0x3: {  	_ = 	snop  }
0x4: {  	_ = 	snop  }
0x5: {  	_ = 	snop  }
0x6: {  	_ = 	snop  }
0x7: {  	_ = 	snop  }
__scs_overlays_trampoline_lowered:
0x8: {  	[smem:$0x3FA6] =	sst s0  }
0x9: {  	[smem:$0x3FA7] =	sst s1  }
0xa: {  	[smem:$0x3FA8] =	sst s2  }
0xb: {  	[smem:$0x3FA9] =	sst s3  }
0xc: {  	[smem:$0x3FAA] =	sst s4  }
0xd: {  	[smem:$0x3FAB] =	sst s5  }
0xe: {  	[smem:$0x3FAC] =	sst s6  }
0xf: {  	[smem:$0x3FAD] =	sst s7  }
0x10: {  	[smem:$0x3FAE] =	sst s8  }
0x11: {  	[smem:$0x3FAF] =	sst s9;
	s0 =	simm.s32 @!p0 $0x0  }
0x12: {  	s1 =	sld [smem:$0x3F95];
	s0 =	simm.s32 @p0 $0x1  }
0x13: {  	[smem:$0x3FB0] =	sst s0;
	s0 =	simm.s32 @!p1 $0x0  }
0x14: {  	s2 =	sld [smem:$0x3F94];
	s0 =	simm.s32 @p1 $0x1  }
0x15: {  	[smem:$0x3FB1] =	sst s0;
	s0 =	simm.s32 @!p2 $0x0  }
0x16: {  	s3 =	sld [smem:$0x3FDB];
	s0 =	simm.s32 @p2 $0x1  }
0x17: {  	s4 =	simm.s32 $0x1BF5;
	[smem:$0x3FB3] =	sst s0  }
0x18: {  	s0 =	sld [smem:$0x3F96];
	_ =	swait.ge [sflag:s4], $0x0  }
0x19: {  	s7 =	sld [smem:$0x3F97]  }
0x1a: {  	s8 =	sadd.s32 $0xFFFFE003, lr  }
0x1b: {  	s9 =	sadd.s32 $0xFFFFFEF7, lr;
	s5 =	simm.s32 $0xFFFFFFFF;
	p2 =	slt.u32 s8, $0xFFFFF086  }
0x1c: {  	p1 =	slt.u32 s9, $0xF7A;
	s5 =	simm.s32 @!p2 $0x0  }
0x1d: {  	s5 =	simm.s32 @p1 $0x1;
	p0 =	seq.s32 s7, s2  }
0x1e: {  	s7 =	smul.u32 @!p0 $0xF7A, s2;
	p2 =	seq.s32 @!p0 s5, $0x0  }
0x1f: {  	s9 =	smul.u32 $0xF7A, s1;
	s8 =	simm.s32 @!p0 $0x1BF5;
	p2 =	por !p2, p0  }
0x20: {  	[sflag:s8] =	ssyncset.s32 @!p0 $0xFFFFF086;
	s6 =	sadd.s32 @!p0 s3, s7;
	s7 =	simm.s32 @!p0 $0x108  }
0x21: {  	s3 =	sadd.s32 s3, s9;
	s6 =	sadd.s32 @!p0 $0x88, s6;
	s7 =	simm.s32 @p2 $0x1082  }
0x22: {  	[simem:s7], [sflag:s8] =	dma.local @!p0 [hbm:s6], $0xF7A  }
0x23: {  	s9 =	sor.u32 $0xD0000000, s2;
	s6 =	simm.s32 $0x108;
	_ =	swait.ge @!p0 [sflag:s8], $0x0  }
0x24: {  	s3 =	sadd.s32 $0x88, s3;
	s6 =	simm.s32 @!p1 $0x1082;
	[sflag:s4] =	ssyncset.s32 $0xFFFFF086  }
0x25: {  	[simem:s6], [sflag:s4] =	dma.local [hbm:s3], $0xF7A  }
0x26: {  	[smem:$0x3F97] =	sst s1;
	(tag) =	ssettag s2;
	_ =	strace s9  }
0x27: {  	s1 =	sld [smem:$0x3FA7]  }
0x28: {  	s2 =	sld [smem:$0x3FA8]  }
0x29: {  	s4 =	sld [smem:$0x3FAA]  }
0x2a: {  	p0 =	seq.s32 s5, $0x0;
	s5 =	sld [smem:$0x3FAB]  }
0x2b: {  	s6 =	sld [smem:$0x3FAC]  }
0x2c: {  	s7 =	sld [smem:$0x3FAD]  }
0x2d: {  	s3 =	simm.s32 $0x108;
	s8 =	sld [smem:$0x3FAE]  }
0x2e: {  	s3 =	simm.s32 @!p0 $0x1082;
	s9 =	sld [smem:$0x3FAF]  }
0x2f: {  	lr =	sadd.s32 s0, s3;
	s0 =	sld [smem:$0x3FA6]  }
0x30: {  	s3 =	sld [smem:$0x3FA9]  }
0x31: {  	[smem:$0x3FB2] =	sst s10  }
0x32: {  	s10 =	sld [smem:$0x3FB0];
	_ =	sdelay $0x3  }
0x33: {  	p0 =	seq.s32 s10, $0x1;
	s10 =	sld [smem:$0x3FB2];
	_ =	sdelay $0x3  }
0x34: {  	[smem:$0x3FB2] =	sst s10  }
0x35: {  	s10 =	sld [smem:$0x3FB1];
	_ =	sdelay $0x3  }
0x36: {  	p1 =	seq.s32 s10, $0x1;
	s10 =	sld [smem:$0x3FB2];
	_ =	sdelay $0x3  }
0x37: {  	[smem:$0x3FB2] =	sst s10  }
0x38: {  	s10 =	sld [smem:$0x3FB3]  }
0x39: {  	_ = 	snop;
	(pc) =	sbr.ind lr, $3  }
0x3a: {  	_ = 	snop  }
0x3b: {  	_ = 	snop  }
0x3c: {  	p2 =	seq.s32 s10, $0x1;
	s10 =	sld [smem:$0x3FB2]  }
0x3d: {  	_ =	shalt  }
0x3e: {  	_ =	shalt  }
0x3f: {  	_ =	shalt  }
0x40: {  	_ =	shalt  }
0x41: {  	_ =	shalt  }
0x42: {  	_ =	shalt  }
0x43: {  	_ =	shalt  }
0x44: {  	_ =	shalt  }
0x45: {  	_ =	shalt  }
0x46: {  	_ =	shalt  }
0x47: {  	_ =	shalt  }
0x48: {  	_ =	shalt  }
0x49: {  	_ =	shalt  }
0x4a: {  	_ =	shalt  }
0x4b: {  	_ =	shalt  }
0x4c: {  	_ =	shalt  }
0x4d: {  	_ =	shalt  }
0x4e: {  	_ =	shalt  }
0x4f: {  	_ =	shalt  }
0x50: {  	_ =	shalt  }
0x51: {  	_ =	shalt  }
0x52: {  	_ =	shalt  }
0x53: {  	_ =	shalt  }
0x54: {  	_ =	shalt  }
0x55: {  	_ =	shalt  }
0x56: {  	_ =	shalt  }
0x57: {  	_ =	shalt  }
0x58: {  	_ =	shalt  }
0x59: {  	_ =	shalt  }
0x5a: {  	_ =	shalt  }
0x5b: {  	_ =	shalt  }
0x5c: {  	_ =	shalt  }
0x5d: {  	_ =	shalt  }
0x5e: {  	_ =	shalt  }
0x5f: {  	_ =	shalt  }
0x60: {  	_ =	shalt  }
0x61: {  	_ =	shalt  }
0x62: {  	_ =	shalt  }
0x63: {  	_ =	shalt  }
0x64: {  	_ =	shalt  }
0x65: {  	_ =	shalt  }
0x66: {  	_ =	shalt  }
0x67: {  	_ =	shalt  }
0x68: {  	_ =	shalt  }
0x69: {  	_ =	shalt  }
0x6a: {  	_ =	shalt  }
0x6b: {  	_ =	shalt  }
0x6c: {  	_ =	shalt  }
0x6d: {  	_ =	shalt  }
0x6e: {  	_ =	shalt  }
0x6f: {  	_ =	shalt  }
0x70: {  	_ =	shalt  }
0x71: {  	_ =	shalt  }
0x72: {  	_ =	shalt  }
0x73: {  	_ =	shalt  }
0x74: {  	_ =	shalt  }
0x75: {  	_ =	shalt  }
0x76: {  	_ =	shalt  }
0x77: {  	_ =	shalt  }
0x78: {  	_ =	shalt  }
0x79: {  	_ =	shalt  }
0x7a: {  	_ =	shalt  }
0x7b: {  	_ =	shalt  }
0x7c: {  	_ =	shalt  }
0x7d: {  	_ =	shalt  }
0x7e: {  	_ =	shalt  }
0x7f: {  	_ =	shalt  }
0x80: {  	_ =	shalt  }
0x81: {  	_ =	shalt  }
0x82: {  	_ =	shalt  }
0x83: {  	_ =	shalt  }
0x84: {  	_ =	shalt  }
0x85: {  	_ =	shalt  }
0x86: {  	_ =	shalt  }
0x87: {  	_ =	shalt  }
.Lfunc_end0:
.L_simem_size_0:
called_computation.2_lowered:
.L_overlay_start_0:
0x88: {  	s2 =	sld [smem:$0x3FD9]  }
0x89: {  	s3 =	sld [smem:$0x3FFE];
	_ =	sdelay $0x1  }
0x8a: {  	s1 =	srdreg.scid  }
0x8b: {  	s0 =	sand.u32 $0x1, s1  }
0x8c: {  	s16 =	sshll.u32 s0, $0xA;
	s2 =	sadd.s32 s3, s2  }
0x8d: {  	s2 =	sadd.s32 s2, s16  }
0x8e: {  	[smem:$0x3FBE] =	sst s2  }
0x8f: {  	_ = 	snop  }
0x90: {  	(tm) =	ssettm $0x1  }
0x91: {  	s17 =	sld [smem:$0x3FFB];
	_ =	sdelay $0x3  }
0x92: {  	_ =	strace s17  }
0x93: {  	s2 =	sld [smem:$0x3FFC];
	_ =	sdelay $0x3  }
0x94: {  	_ =	strace s2  }
0x95: {  	s2 =	sld [smem:$0x3FFD];
	_ =	sdelay $0x3  }
0x96: {  	_ =	strace s2  }
0x97: {  	_ =	strace $0x8FFFFFFF  }
0x98: {  	s18 =	sld [smem:$0x3FDB];
	_ =	sdelay $0x1  }
0x99: {  	s19 =	simm.s32 $_scs_section_size  }
0x9a: {  	s4 =	simm.s32 $_size__tile_overlayer_lowered;
	s5 =	simm.s32 $_tile_overlayer_lowered  }
0x9b: {  	s22 =	simm.s32 $0x1BFF;
	s21 =	sshll.u32 s5, $0x1;
	s2 =	sadd.s32 s19, s18  }
0x9c: {  	s6 =	simm.s32 $0x0;
	s20 =	sshll.u32 s4, $0x1;
	s4 =	sadd.s32 s21, s2  }
0x9d: {  	[timem:s6], [sflag:s22] =	dma.local [hbm:s4], s20  }
0x9e: {  	_ =	swait.ge [sflag:s22], s20  }
0x9f: {  	s3 =	ssub.s32 $0x0, s20;
	[sflag:s22] =	ssyncset.done $0x0  }
0xa0: {  	[sflag:s22] =	ssyncadd.s32 s3;
	_ =	sdelay $0x1  }
0xa1: {  	s23 =	simm.s32 $0x1B8B  }
0xa2: {  	_ =	swait.ge [sflag:s23], $0x1  }
0xa3: {  	[sflag:s23] =	ssyncset.done $0x0  }
0xa4: {  	s25 =	simm.s32 $0x1B8E;
	s24 =	sld [smem:$0x3FFE];
	[sflag:s23] =	ssyncadd.s32 $0xFFFFFFFF  }
0xa5: {  	s26 =	simm.s32 $execute0_lowered;
	[smem:$0x3FD2] =	sst s25  }
0xa6: {  	s4 =	sshll.u32 s26, $0x1;
	_ =	strace $0x8000004C;
	[dreg:$0x1] =	wrdreg $0xFFFFFFFF  }
0xa7: {  	s28 =	simm.s32 $_size_execute0_lowered;
	s2 =	sadd.s32 s2, s4;
	[dreg:$0x0] =	wrdreg $0x0  }
0xa8: {  	s4 =	sshll.u32 s28, $0x1;
	[dreg:$0x2] =	wrdreg s2  }
0xa9: {  	[dreg:$0x3] =	wrdreg s4  }
0xaa: {  	[dreg:$0x4] =	wrdreg $0xC0  }
0xab: {  	_ =	task [dreg:s6], $0x5FFFF  }
0xac: {  	[dreg:$0x1] =	wrdreg $0xFFFFFFFF  }
0xad: {  	[dreg:$0x0] =	wrdreg $0x60  }
0xae: {  	[dreg:$0x2] =	wrdreg s24  }
0xaf: {  	[dreg:$0x3] =	wrdreg $0x66000  }
0xb0: {  	[dreg:$0x4] =	wrdreg $0x9  }
0xb1: {  	_ =	task.clear_ibuf [dreg:s6], $0x5FFFF;
	_ =	strace $0x9000004C  }
0xb2: {  	s29 =	simm.s32 $0x9;
	_ =	strace $0x8000004E  }
0xb3: {  	_ =	swait.ge [sflag:s29], $0x1  }
0xb4: {  	[sflag:s29] =	ssyncadd.s32 $0xFFFFFFFF  }
0xb5: {  	_ =	strace $0x9000004E  }
0xb6: {  	_ =	sfence  }
0xb7: {  	s30 =	sld [smem:$0x0];
	_ =	sdelay $0x2  }
0xb8: {  	s31 =	sshll.u32 s1, $0xD;
	s1 =	sshrl.u32 s1, $0x2  }
0xb9: {  	s3 =	sand.u32 $0x4000, s31;
	s1 =	sadd.s32 s1, s30  }
0xba: {  	s0 =	sor.u32 s3, s0;
	s1 =	sshll.u32 s1, $0x11  }
0xbb: {  	s0 =	sor.u32 s1, s0  }
0xbc: {  	s0 =	sadd.s32 $0x8F2B, s0  }
0xbd: {  	[sflag:s0] =	ssyncadd.remote.s32 $0x1  }
0xbe: {  	_ =	sfence.sel $0xFFFF  }
0xbf: {  	[dreg:$0x0] =	wrdreg $0xFFFFFFFF;
	(pc) =	sbr.abs _section_cstart, $3  }
0xc0: {  	[dreg:$0x1] =	wrdreg $0xFFFFFFFF  }
0xc1: {  	_ =	task.clear_ibuf [dreg:s6], $0x2FFFF;
	_ =	strace $0x9FFFFFFF  }
0xc2: {  	(tm) =	ssettm $0x7FFFFFFF  }
0xc3: {  	_ =	shalt  }
tec
execute0_lowered:
.L_overlay_start_1:
0x0: {  	(tag) =	ssettag $0x1  }
0x1: {  	s0 =	rddreg [dreg:$0x0]  }
0x2: {  	s2 =	rddreg [dreg:$0x1]  }
0x3: {  	s10 =	stileid.u32;
	s3 =	simm.s32 $0x0;
	s4 =	srdreg.scid  }
0x4: {  	s14 =	simm.s32 $0x5;
	s16 =	simm.s32 $0x80;
	s17 =	simm.s32 $0x5600  }
0x5: {  	s18 =	simm.s32 $0x5E00;
	s19 =	simm.s32 $0x1;
	s1 =	smul.u32 $0x56, s10  }
0x6: {  	s20 =	simm.s32 $0x2;
	s21 =	simm.s32 $0x3;
	s5 =	smul.u32 $0x48, s10  }
0x7: {  	s22 =	simm.s32 $0x4;
	s24 =	simm.s32 $0x0;
	s7 =	smul.u32 $0x2780, s10  }
0x8: {  	[smem:$0x7FF] =	sst s3;
	s6 =	sand.u32 $0x1, s4;
	s26 =	smul.u32 $0x13C00, s10  }
0x9: {  	s4 =	sadd.s32 $0x16800, s0;
	s10 =	sshll.u32 s10, $0x6;
	p0 =	seq.s32 s6, $0x0  }
0xa: {  	s8 =	smul.u32 $0x13C000, s6;
	_ =	strace $0x8000004D;
	s6 =	ssub.s32 $0x2, s6  }
0xb: {  	s5 =	sadd.s32 $0x560, s5;
	s28 =	sshrl.u32 s7, $0x3;
	s30 =	sshrl.u32 s6, $0x1  }
0xc: {  	s13 =	sadd.s32 s7, s2;
	s7 =	sor.u32 $0x1C05, s10;
	s5 =	smov.u32 @p0 s1  }
0xd: {  	s1 =	sadd.s32 s26, s8;
	s29 =	sadd.s32 s28, s0;
	s13 =	sshrl.u32 s13, $0x3  }
0xe: {  	s5 =	sshll.u32 s5, $0x4;
	s1 =	sshrl.u32 s1, $0x3;
	s31 =	sadd.s32 $0x1B800, s29  }
0xf: {  	s9 =	sadd.s32 s5, s0;
	s0 =	sadd.s32 s1, s0;
	s5 =	simm.s32 $0x56  }
0x10: {  	s1 =	ssub.s32 s6, s30;
	[dreg:$0x3] =	wrdreg s31;
	s5 =	simm.s32 @!p0 $0x48  }
0x11: {  	s8 =	sadd.s32 $0x2A00, s9;
	s9 =	sadd.s32 $0xC8E0, s9;
	s12 =	sshrl.u32 s5, $0x1  }
0x12: {  	s10 =	sadd.s32 $0x20800, s0;
	s11 =	smax.u32 s1, $0x1;
	s12 =	sadd.s32 $0xFFFFFFFF, s12  }
.LBB2_1:
0x13: {  	s0 =	rddreg [dreg:$0x3]  }
0x14: {  	[spmem:s13], [sflag:s7] =	dma.local [hbm:s0], $0x4F0  }
0x15: {  	_ =	swait.ge [sflag:s14], $0x4F0  }
0x16: {  	[sflag:s14] =	ssyncset.done $0x0  }
0x17: {  	[sflag:s14] =	ssyncadd.s32 $0xFFFFFB10  }
0x18: {  	[tilespmem:s3], [sflag:$0x5] =	stream.linear.gather [hbm4b:s8+s3], $0x2B00, $0x38;
	[tilespmem:$0x8D80] =	vst v63  }
0x19: {  	_ =	swait.ge [sflag:s14], $0x2B00  }
0x1a: {  	[sflag:s14] =	ssyncset.done $0x0  }
0x1b: {  	s25 =	simm.s32 $0x2B00;
	[sflag:s14] =	ssyncadd.s32 $0xFFFFD500  }
0x1c: {  	[tilespmem:s25], [sflag:$0x5] =	stream.linear.gather [hbm4b:s9+s3], $0x2B00, $0x38;
	[tilespmem:$0x8D80] =	vst v63  }
0x1d: {  	_ =	swait.ge [sflag:s14], $0x2B00  }
0x1e: {  	[sflag:s14] =	ssyncset.done $0x0  }
0x1f: {  	[sflag:s14] =	ssyncadd.s32 $0xFFFFD500  }
0x20: {  	[bflag:$0x0] =	sbarrier.arrive $0xFFFF  }
0x21: {  	[tilespmem:s17], [sflag:$0x1] =	stream.indirect.gather [hbm4b:s4+s16], $0x10, s3, s16, $0xb8;
	[tilespmem:$0x8D80] =	vst v63  }
0x22: {  	_ = 	snop  }
0x23: {  	[tilespmem:s18], [sflag:$0x2] =	stream.indirect.gather [hbm4b:s4+s16], $0x10, s16, s16, $0xb8;
	[tilespmem:$0x8D80] =	vst v63  }
0x24: {  	_ =	swait.ge [sflag:s19], $0x800  }
0x25: {  	[sflag:s19] =	ssyncset.done $0x0  }
0x26: {  	s26 =	simm.s32 $0x2B00;
	[sflag:s19] =	ssyncadd.s32 $0xFFFFF800  }
0x27: {  	[spmem:s2] =	stream.indirect.scatter.add.f32 [tilespmem:s17], [sflag:$0x3], $0x10, s26, s16, $0xb8;
	[tilespmem:$0x8D80] =	vst v63  }
0x28: {  	_ =	swait.ge [sflag:s20], $0x800  }
0x29: {  	p1 =	sle.u32 s5, $0x2;
	[sflag:s20] =	ssyncset.done $0x0  }
0x2a: {  	s28 =	simm.s32 $0x2B80;
	s0 =	simm.s32 @!p1 $0x3;
	[sflag:s20] =	ssyncadd.s32 $0xFFFFF800  }
0x2b: {  	[spmem:s2] =	stream.indirect.scatter.add.f32 [tilespmem:s18], [sflag:$0x4], $0x10, s28, s16, $0xb8;
	[tilespmem:$0x8D80] =	vst v63  }
0x2c: {  	_ =	swait.ge @!p1 [sflag:s0], $0x800  }
0x2d: {  	s29 =	sadd.s32 $0xFFFFFFFF, s12;
	s15 =	simm.s32 @!p1 $0x80;
	[sflag:s0] =	ssyncset.done @!p1 $0x0  }
0x2e: {  	s23 =	simm.s32 @!p1 $0x5600;
	s26 =	simm.s32 @!p1 $0x100;
	[sflag:s0] =	ssyncadd.s32 @!p1 $0xFFFFF800  }
0x2f: {  	[tilespmem:s23], [sflag:$0x1] =	stream.indirect.gather @!p1 [hbm4b:s4+s15], $0x10, s26, s15, $0xb8;
	[tilespmem:$0x8D80] =	vst v63  }
0x30: {  	p1 =	sne.s32 s29, $0x0  }
.Ltmp0:
0x31: {  	_ = 	snop;
	(pc) =	sbr.rel @!p1 .LBB2_3-.Ltmp0, $4  }
0x32: {  	p0 =	sle.u32 s5, $0x3;
	s31 =	simm.s32 $0x2C80  }
0x33: {  	s30 =	simm.s32 $0x180;
	s1 =	simm.s32 @!p0 $0x4;
	s25 =	simm.s32 $0x180  }
0x34: {  	s0 =	simm.s32 $0x180;
	s26 =	simm.s32 $0x5;
	_ =	swait.ge @!p0 [sflag:s1], $0x800  }
0x35: {  	s15 =	simm.s32 @!p0 $0x80;
	s23 =	simm.s32 @!p0 $0x5E00;
	[sflag:s1] =	ssyncset.done @!p0 $0x0  }
.LBB2_2:
0x36: {  	s30 =	smov.u32 s25;
	s28 =	smov.u32 s31  }
0x37: {  	s29 =	sadd.s32 $0xFFFFFFFF, s29;
	s25 =	sadd.s32 $0x100, s25;
	[sflag:s1] =	ssyncadd.s32 @!p0 $0xFFFFF800  }
0x38: {  	[tilespmem:s23], [sflag:$0x2] =	stream.indirect.gather @!p0 [hbm4b:s4+s15], $0x10, s0, s15, $0xb8;
	[tilespmem:$0x8D80] =	vst v63  }
0x39: {  	p1 =	sne.s32 s29, $0x0;
	s0 =	smov.u32 s25;
	_ =	swait.ge [sflag:s19], $0x800  }
0x3a: {  	s1 =	sadd.s32 $0xFFFFFF80, s31;
	[sflag:s19] =	ssyncset.done $0x0  }
0x3b: {  	[sflag:s19] =	ssyncadd.s32 $0xFFFFF800  }
0x3c: {  	[spmem:s2] =	stream.indirect.scatter.add.f32 [tilespmem:s17], [sflag:$0x3], $0x10, s1, s16, $0xb8;
	[tilespmem:$0x8D80] =	vst v63  }
0x3d: {  	s1 =	sadd.s32 $0xFFFFFFFF, s26;
	_ =	swait.ge [sflag:s20], $0x800  }
0x3e: {  	p2 =	sge.u32 s1, s5;
	[sflag:s20] =	ssyncset.done $0x0  }
0x3f: {  	p0 =	sge.u32 s26, s5;
	s1 =	simm.s32 @!p2 $0x3;
	[sflag:s20] =	ssyncadd.s32 $0xFFFFF800  }
0x40: {  	[spmem:s2] =	stream.indirect.scatter.add.f32 [tilespmem:s18], [sflag:$0x4], $0x10, s31, s16, $0xb8;
	[tilespmem:$0x8D80] =	vst v63  }
0x41: {  	s15 =	simm.s32 @!p2 $0x80;
	s23 =	simm.s32 @!p2 $0x5600;
	_ =	swait.ge @!p2 [sflag:s1], $0x800  }
.Ltmp1:
0x42: {  	s6 =	sadd.s32 @!p2 $0xFFFFFF80, s25;
	[sflag:s1] =	ssyncset.done @!p2 $0x0;
	(pc) =	sbr.rel @p1 .LBB2_2-.Ltmp1, $4  }
0x43: {  	[sflag:s1] =	ssyncadd.s32 @!p2 $0xFFFFF800;
	s1 =	simm.s32 @!p0 $0x4  }
0x44: {  	[tilespmem:s23], [sflag:$0x1] =	stream.indirect.gather @!p2 [hbm4b:s4+s15], $0x10, s6, s15, $0xb8;
	[tilespmem:$0x8D80] =	vst v63  }
0x45: {  	s26 =	sadd.s32 $0x2, s26;
	s31 =	sadd.s32 $0x100, s31;
	_ =	swait.ge @!p0 [sflag:s1], $0x800  }
0x46: {  	s15 =	simm.s32 @!p0 $0x80;
	s23 =	simm.s32 @!p0 $0x5E00;
	[sflag:s1] =	ssyncset.done @!p0 $0x0  }
.LBB2_3:
0x47: {  	[sflag:s1] =	ssyncadd.s32 @!p0 $0xFFFFF800  }
0x48: {  	[tilespmem:s23], [sflag:$0x2] =	stream.indirect.gather @!p0 [hbm4b:s4+s15], $0x10, s0, s15, $0xb8;
	[tilespmem:$0x8D80] =	vst v63  }
0x49: {  	_ =	swait.ge [sflag:s19], $0x800  }
0x4a: {  	[sflag:s19] =	ssyncset.done $0x0  }
0x4b: {  	s28 =	sadd.s32 $0x80, s28;
	[sflag:s19] =	ssyncadd.s32 $0xFFFFF800  }
0x4c: {  	[spmem:s2] =	stream.indirect.scatter.add.f32 [tilespmem:s17], [sflag:$0x3], $0x10, s28, s16, $0xb8;
	[tilespmem:$0x8D80] =	vst v63  }
0x4d: {  	s29 =	sadd.s32 $0xFFFFFFFF, s26;
	_ =	swait.ge [sflag:s20], $0x800  }
0x4e: {  	p0 =	sge.u32 s29, s5;
	[sflag:s20] =	ssyncset.done $0x0  }
0x4f: {  	s0 =	simm.s32 @!p0 $0x3;
	[sflag:s20] =	ssyncadd.s32 $0xFFFFF800  }
0x50: {  	[spmem:s2] =	stream.indirect.scatter.add.f32 [tilespmem:s18], [sflag:$0x4], $0x10, s31, s16, $0xb8;
	[tilespmem:$0x8D80] =	vst v63  }
0x51: {  	_ =	swait.ge @!p0 [sflag:s0], $0x800  }
0x52: {  	s1 =	simm.s32 @!p0 $0x80;
	[sflag:s0] =	ssyncset.done @!p0 $0x0  }
0x53: {  	s6 =	simm.s32 @!p0 $0x5600;
	[sflag:s0] =	ssyncadd.s32 @!p0 $0xFFFFF800;
	s0 =	sadd.s32 @!p0 $0x80, s30  }
0x54: {  	[tilespmem:s6], [sflag:$0x1] =	stream.indirect.gather @!p0 [hbm4b:s4+s1], $0x10, s0, s1, $0xb8;
	[tilespmem:$0x8D80] =	vst v63  }
0x55: {  	p0 =	sge.u32 s26, s5  }
0x56: {  	s0 =	simm.s32 @!p0 $0x4  }
0x57: {  	_ =	swait.ge @!p0 [sflag:s0], $0x800  }
0x58: {  	s1 =	sadd.s32 $0x100, s25;
	[sflag:s0] =	ssyncset.done @!p0 $0x0  }
0x59: {  	s6 =	simm.s32 @!p0 $0x5E00;
	[sflag:s0] =	ssyncadd.s32 @!p0 $0xFFFFF800;
	s0 =	simm.s32 @!p0 $0x80  }
0x5a: {  	[tilespmem:s6], [sflag:$0x2] =	stream.indirect.gather @!p0 [hbm4b:s4+s0], $0x10, s1, s0, $0xb8;
	[tilespmem:$0x8D80] =	vst v63  }
0x5b: {  	_ =	swait.ge [sflag:s21], $0x800  }
0x5c: {  	[sflag:s21] =	ssyncset.done $0x0  }
0x5d: {  	[sflag:s21] =	ssyncadd.s32 $0xFFFFF800  }
0x5e: {  	_ =	swait.ge [sflag:s22], $0x800  }
0x5f: {  	s24 =	sadd.s32 $0x1, s24;
	[sflag:s22] =	ssyncset.done $0x0  }
0x60: {  	p0 =	sne.s32 s24, s11;
	[sflag:s22] =	ssyncadd.s32 $0xFFFFF800  }
.Ltmp2:
0x61: {  	s31 =	simm.s32 $0x10;
	[bflag:$0x0] =	sbarrier.arrive $0xFFFF;
	(pc) =	sbr.rel @p0 .LBB2_1-.Ltmp2, $4  }
0x62: {  	[hbm:s10@s31], [sflag:s7] =	dma.strided [spmem:s13@s20], $0x4F0, s19, $0x2   }
0x63: {  	_ =	swait.ge [sflag:s14], $0x4F0  }
0x64: {  	[sflag:s14] =	ssyncset.done $0x0  }
0x65: {  	[sflag:s14] =	ssyncadd.s32 $0xFFFFFB10  }
0x66: {  	_ =	sfence.sel $0x180000  }
0x67: {  	[bflag:$0x0] =	sbarrier.arrive $0xFFFF  }
0x68: {  	_ =	strace $0x9000004D  }
0x69: {  	s0 =	stileid.u32;
	[bflag:$0x2] =	sbarrier.arrive $0xFFFF  }
0x6a: {  	p0 =	sne.s32 s0, $0x0;
	s0 =	rddreg [dreg:$0x2]  }
0x6b: {  	s0 =	sadd.s32 @!p0 $0x100000, s0  }
0x6c: {  	[sflag:s0] =	ssyncadd.tile.s32 @!p0 $0x1;
	_ =	shalt  }
.Lfunc_end2:
_tile_overlayer_lowered:
.L_overlay_start_2:
0x6d: {  	(tag) =	ssettag $0x2  }
0x6e: {  	s0 =	rddreg [dreg:$0x0];
	s2 =	stileid.u32  }
0x6f: {  	s1 =	rddreg [dreg:$0x1];
	p0 =	sne.s32 s2, $0x0  }
0x70: {  	s3 =	rddreg [dreg:$0x2];
	[bflag:$0x3] =	sbarrier.arrive $0xFFFF;
	s2 =	simm.s32 @!p0 $0x1C05  }
0x71: {  	[timem:s3], [sflag:s2] =	dma.local @!p0 [hbm:s0], s1  }
0x72: {  	s0 =	simm.s32 @!p0 $0x5  }
0x73: {  	_ =	swait.ge @!p0 [sflag:s0], s1  }
0x74: {  	s1 =	ssub.s32 @!p0 $0x0, s1;
	[sflag:s0] =	ssyncset.done @!p0 $0x0  }
0x75: {  	[sflag:s0] =	ssyncadd.s32 @!p0 s1  }
0x76: {  	[bflag:$0x3] =	sbarrier.arrive $0xFFFF  }
0x77: {  	_ =	shalt  }

// kernel: kernel.19.cloned.1.call-start
scs
__scs_entry_jumppad:
0x0: {  	(pc) =	sbr.rel $0x88, $3  }
0x1: {  	(tag) =	ssettag $0x0;
	lr =	simm.s32 $0x1  }
0x2: {  	[smem:$0x3F97] =	sst lr;
	_ =	strace $0xD0000000  }
0x3: {  	_ = 	snop  }
0x4: {  	_ = 	snop  }
0x5: {  	_ = 	snop  }
0x6: {  	_ = 	snop  }
0x7: {  	_ = 	snop  }
__scs_overlays_trampoline_lowered:
0x8: {  	[smem:$0x3FA6] =	sst s0  }
0x9: {  	[smem:$0x3FA7] =	sst s1  }
0xa: {  	[smem:$0x3FA8] =	sst s2  }
0xb: {  	[smem:$0x3FA9] =	sst s3  }
0xc: {  	[smem:$0x3FAA] =	sst s4  }
0xd: {  	[smem:$0x3FAB] =	sst s5  }
0xe: {  	[smem:$0x3FAC] =	sst s6  }
0xf: {  	[smem:$0x3FAD] =	sst s7  }
0x10: {  	[smem:$0x3FAE] =	sst s8  }
0x11: {  	[smem:$0x3FAF] =	sst s9;
	s0 =	simm.s32 @!p0 $0x0  }
0x12: {  	s1 =	sld [smem:$0x3F95];
	s0 =	simm.s32 @p0 $0x1  }
0x13: {  	[smem:$0x3FB0] =	sst s0;
	s0 =	simm.s32 @!p1 $0x0  }
0x14: {  	s2 =	sld [smem:$0x3F94];
	s0 =	simm.s32 @p1 $0x1  }
0x15: {  	[smem:$0x3FB1] =	sst s0;
	s0 =	simm.s32 @!p2 $0x0  }
0x16: {  	s3 =	sld [smem:$0x3FDB];
	s0 =	simm.s32 @p2 $0x1  }
0x17: {  	s4 =	simm.s32 $0x1BF5;
	[smem:$0x3FB3] =	sst s0  }
0x18: {  	s0 =	sld [smem:$0x3F96];
	_ =	swait.ge [sflag:s4], $0x0  }
0x19: {  	s7 =	sld [smem:$0x3F97]  }
0x1a: {  	s8 =	sadd.s32 $0xFFFFE003, lr  }
0x1b: {  	s9 =	sadd.s32 $0xFFFFFEF7, lr;
	s5 =	simm.s32 $0xFFFFFFFF;
	p2 =	slt.u32 s8, $0xFFFFF086  }
0x1c: {  	p1 =	slt.u32 s9, $0xF7A;
	s5 =	simm.s32 @!p2 $0x0  }
0x1d: {  	s5 =	simm.s32 @p1 $0x1;
	p0 =	seq.s32 s7, s2  }
0x1e: {  	s7 =	smul.u32 @!p0 $0xF7A, s2;
	p2 =	seq.s32 @!p0 s5, $0x0  }
0x1f: {  	s9 =	smul.u32 $0xF7A, s1;
	s8 =	simm.s32 @!p0 $0x1BF5;
	p2 =	por !p2, p0  }
0x20: {  	[sflag:s8] =	ssyncset.s32 @!p0 $0xFFFFF086;
	s6 =	sadd.s32 @!p0 s3, s7;
	s7 =	simm.s32 @!p0 $0x108  }
0x21: {  	s3 =	sadd.s32 s3, s9;
	s6 =	sadd.s32 @!p0 $0x88, s6;
	s7 =	simm.s32 @p2 $0x1082  }
0x22: {  	[simem:s7], [sflag:s8] =	dma.local @!p0 [hbm:s6], $0xF7A  }
0x23: {  	s9 =	sor.u32 $0xD0000000, s2;
	s6 =	simm.s32 $0x108;
	_ =	swait.ge @!p0 [sflag:s8], $0x0  }
0x24: {  	s3 =	sadd.s32 $0x88, s3;
	s6 =	simm.s32 @!p1 $0x1082;
	[sflag:s4] =	ssyncset.s32 $0xFFFFF086  }
0x25: {  	[simem:s6], [sflag:s4] =	dma.local [hbm:s3], $0xF7A  }
0x26: {  	[smem:$0x3F97] =	sst s1;
	(tag) =	ssettag s2;
	_ =	strace s9  }
0x27: {  	s1 =	sld [smem:$0x3FA7]  }
0x28: {  	s2 =	sld [smem:$0x3FA8]  }
0x29: {  	s4 =	sld [smem:$0x3FAA]  }
0x2a: {  	p0 =	seq.s32 s5, $0x0;
	s5 =	sld [smem:$0x3FAB]  }
0x2b: {  	s6 =	sld [smem:$0x3FAC]  }
0x2c: {  	s7 =	sld [smem:$0x3FAD]  }
0x2d: {  	s3 =	simm.s32 $0x108;
	s8 =	sld [smem:$0x3FAE]  }
0x2e: {  	s3 =	simm.s32 @!p0 $0x1082;
	s9 =	sld [smem:$0x3FAF]  }
0x2f: {  	lr =	sadd.s32 s0, s3;
	s0 =	sld [smem:$0x3FA6]  }
0x30: {  	s3 =	sld [smem:$0x3FA9]  }
0x31: {  	[smem:$0x3FB2] =	sst s10  }
0x32: {  	s10 =	sld [smem:$0x3FB0];
	_ =	sdelay $0x3  }
0x33: {  	p0 =	seq.s32 s10, $0x1;
	s10 =	sld [smem:$0x3FB2];
	_ =	sdelay $0x3  }
0x34: {  	[smem:$0x3FB2] =	sst s10  }
0x35: {  	s10 =	sld [smem:$0x3FB1];
	_ =	sdelay $0x3  }
0x36: {  	p1 =	seq.s32 s10, $0x1;
	s10 =	sld [smem:$0x3FB2];
	_ =	sdelay $0x3  }
0x37: {  	[smem:$0x3FB2] =	sst s10  }
0x38: {  	s10 =	sld [smem:$0x3FB3]  }
0x39: {  	_ = 	snop;
	(pc) =	sbr.ind lr, $3  }
0x3a: {  	_ = 	snop  }
0x3b: {  	_ = 	snop  }
0x3c: {  	p2 =	seq.s32 s10, $0x1;
	s10 =	sld [smem:$0x3FB2]  }
0x3d: {  	_ =	shalt  }
0x3e: {  	_ =	shalt  }
0x3f: {  	_ =	shalt  }
0x40: {  	_ =	shalt  }
0x41: {  	_ =	shalt  }
0x42: {  	_ =	shalt  }
0x43: {  	_ =	shalt  }
0x44: {  	_ =	shalt  }
0x45: {  	_ =	shalt  }
0x46: {  	_ =	shalt  }
0x47: {  	_ =	shalt  }
0x48: {  	_ =	shalt  }
0x49: {  	_ =	shalt  }
0x4a: {  	_ =	shalt  }
0x4b: {  	_ =	shalt  }
0x4c: {  	_ =	shalt  }
0x4d: {  	_ =	shalt  }
0x4e: {  	_ =	shalt  }
0x4f: {  	_ =	shalt  }
0x50: {  	_ =	shalt  }
0x51: {  	_ =	shalt  }
0x52: {  	_ =	shalt  }
0x53: {  	_ =	shalt  }
0x54: {  	_ =	shalt  }
0x55: {  	_ =	shalt  }
0x56: {  	_ =	shalt  }
0x57: {  	_ =	shalt  }
0x58: {  	_ =	shalt  }
0x59: {  	_ =	shalt  }
0x5a: {  	_ =	shalt  }
0x5b: {  	_ =	shalt  }
0x5c: {  	_ =	shalt  }
0x5d: {  	_ =	shalt  }
0x5e: {  	_ =	shalt  }
0x5f: {  	_ =	shalt  }
0x60: {  	_ =	shalt  }
0x61: {  	_ =	shalt  }
0x62: {  	_ =	shalt  }
0x63: {  	_ =	shalt  }
0x64: {  	_ =	shalt  }
0x65: {  	_ =	shalt  }
0x66: {  	_ =	shalt  }
0x67: {  	_ =	shalt  }
0x68: {  	_ =	shalt  }
0x69: {  	_ =	shalt  }
0x6a: {  	_ =	shalt  }
0x6b: {  	_ =	shalt  }
0x6c: {  	_ =	shalt  }
0x6d: {  	_ =	shalt  }
0x6e: {  	_ =	shalt  }
0x6f: {  	_ =	shalt  }
0x70: {  	_ =	shalt  }
0x71: {  	_ =	shalt  }
0x72: {  	_ =	shalt  }
0x73: {  	_ =	shalt  }
0x74: {  	_ =	shalt  }
0x75: {  	_ =	shalt  }
0x76: {  	_ =	shalt  }
0x77: {  	_ =	shalt  }
0x78: {  	_ =	shalt  }
0x79: {  	_ =	shalt  }
0x7a: {  	_ =	shalt  }
0x7b: {  	_ =	shalt  }
0x7c: {  	_ =	shalt  }
0x7d: {  	_ =	shalt  }
0x7e: {  	_ =	shalt  }
0x7f: {  	_ =	shalt  }
0x80: {  	_ =	shalt  }
0x81: {  	_ =	shalt  }
0x82: {  	_ =	shalt  }
0x83: {  	_ =	shalt  }
0x84: {  	_ =	shalt  }
0x85: {  	_ =	shalt  }
0x86: {  	_ =	shalt  }
0x87: {  	_ =	shalt  }
.Lfunc_end0:
.L_simem_size_0:
called_computation.3_lowered:
.L_overlay_start_0:
0x88: {  	s2 =	sld [smem:$0x3FD9]  }
0x89: {  	s3 =	sld [smem:$0x3FFE];
	_ =	sdelay $0x1  }
0x8a: {  	s1 =	srdreg.scid  }
0x8b: {  	s0 =	sand.u32 $0x1, s1  }
0x8c: {  	s16 =	sshll.u32 s0, $0xA;
	s2 =	sadd.s32 s3, s2  }
0x8d: {  	s2 =	sadd.s32 s2, s16  }
0x8e: {  	[smem:$0x3FBE] =	sst s2  }
0x8f: {  	_ = 	snop  }
0x90: {  	(tm) =	ssettm $0x1  }
0x91: {  	s17 =	sld [smem:$0x3FFB];
	_ =	sdelay $0x3  }
0x92: {  	_ =	strace s17  }
0x93: {  	s2 =	sld [smem:$0x3FFC];
	_ =	sdelay $0x3  }
0x94: {  	_ =	strace s2  }
0x95: {  	s2 =	sld [smem:$0x3FFD];
	_ =	sdelay $0x3  }
0x96: {  	_ =	strace s2  }
0x97: {  	_ =	strace $0x8FFFFFFF  }
0x98: {  	s18 =	sld [smem:$0x3FDB];
	_ =	sdelay $0x1  }
0x99: {  	s19 =	simm.s32 $_scs_section_size  }
0x9a: {  	s4 =	simm.s32 $_size__tile_overlayer_lowered;
	s5 =	simm.s32 $_tile_overlayer_lowered  }
0x9b: {  	s22 =	simm.s32 $0x1BFF;
	s21 =	sshll.u32 s5, $0x1;
	s2 =	sadd.s32 s19, s18  }
0x9c: {  	s6 =	simm.s32 $0x0;
	s20 =	sshll.u32 s4, $0x1;
	s4 =	sadd.s32 s21, s2  }
0x9d: {  	[timem:s6], [sflag:s22] =	dma.local [hbm:s4], s20  }
0x9e: {  	_ =	swait.ge [sflag:s22], s20  }
0x9f: {  	s3 =	ssub.s32 $0x0, s20;
	[sflag:s22] =	ssyncset.done $0x0  }
0xa0: {  	[sflag:s22] =	ssyncadd.s32 s3;
	_ =	sdelay $0x1  }
0xa1: {  	s23 =	simm.s32 $0x1B8B  }
0xa2: {  	_ =	swait.ge [sflag:s23], $0x1  }
0xa3: {  	[sflag:s23] =	ssyncset.done $0x0  }
0xa4: {  	s25 =	simm.s32 $0x1B8E;
	s24 =	sld [smem:$0x3FFE];
	[sflag:s23] =	ssyncadd.s32 $0xFFFFFFFF  }
0xa5: {  	s26 =	simm.s32 $execute0_lowered;
	[smem:$0x3FD2] =	sst s25  }
0xa6: {  	s4 =	sshll.u32 s26, $0x1;
	_ =	strace $0x8000004F;
	[dreg:$0x1] =	wrdreg $0xFFFFFFFF  }
0xa7: {  	s28 =	simm.s32 $_size_execute0_lowered;
	s2 =	sadd.s32 s2, s4;
	[dreg:$0x0] =	wrdreg $0x0  }
0xa8: {  	s4 =	sshll.u32 s28, $0x1;
	[dreg:$0x2] =	wrdreg s2  }
0xa9: {  	[dreg:$0x3] =	wrdreg s4  }
0xaa: {  	[dreg:$0x4] =	wrdreg $0xC0  }
0xab: {  	_ =	task [dreg:s6], $0x5FFFF  }
0xac: {  	[dreg:$0x1] =	wrdreg $0xFFFFFFFF  }
0xad: {  	[dreg:$0x0] =	wrdreg $0x60  }
0xae: {  	[dreg:$0x2] =	wrdreg s24  }
0xaf: {  	[dreg:$0x3] =	wrdreg $0x66000  }
0xb0: {  	[dreg:$0x4] =	wrdreg $0x9  }
0xb1: {  	_ =	task.clear_ibuf [dreg:s6], $0x5FFFF;
	_ =	strace $0x9000004F  }
0xb2: {  	s29 =	simm.s32 $0x9;
	_ =	strace $0x80000051  }
0xb3: {  	_ =	swait.ge [sflag:s29], $0x1  }
0xb4: {  	[sflag:s29] =	ssyncadd.s32 $0xFFFFFFFF  }
0xb5: {  	_ =	strace $0x90000051  }
0xb6: {  	_ =	sfence  }
0xb7: {  	s30 =	sld [smem:$0x0];
	_ =	sdelay $0x2  }
0xb8: {  	s31 =	sshll.u32 s1, $0xD;
	s1 =	sshrl.u32 s1, $0x2  }
0xb9: {  	s3 =	sand.u32 $0x4000, s31;
	s1 =	sadd.s32 s1, s30  }
0xba: {  	s0 =	sor.u32 s3, s0;
	s1 =	sshll.u32 s1, $0x11  }
0xbb: {  	s0 =	sor.u32 s1, s0  }
0xbc: {  	s0 =	sadd.s32 $0x8F2B, s0  }
0xbd: {  	[sflag:s0] =	ssyncadd.remote.s32 $0x1  }
0xbe: {  	_ =	sfence.sel $0xFFFF  }
0xbf: {  	[dreg:$0x0] =	wrdreg $0xFFFFFFFF;
	(pc) =	sbr.abs _section_cstart, $3  }
0xc0: {  	[dreg:$0x1] =	wrdreg $0xFFFFFFFF  }
0xc1: {  	_ =	task.clear_ibuf [dreg:s6], $0x2FFFF;
	_ =	strace $0x9FFFFFFF  }
0xc2: {  	(tm) =	ssettm $0x7FFFFFFF  }
0xc3: {  	_ =	shalt  }
tec
execute0_lowered:
.L_overlay_start_1:
0x0: {  	(tag) =	ssettag $0x1  }
0x1: {  	s0 =	rddreg [dreg:$0x0]  }
0x2: {  	s2 =	rddreg [dreg:$0x1]  }
0x3: {  	s10 =	stileid.u32;
	s3 =	simm.s32 $0x0;
	s4 =	srdreg.scid  }
0x4: {  	s14 =	simm.s32 $0x5;
	s16 =	simm.s32 $0x80;
	s17 =	simm.s32 $0x5600  }
0x5: {  	s18 =	simm.s32 $0x5E00;
	s19 =	simm.s32 $0x1;
	s1 =	smul.u32 $0x56, s10  }
0x6: {  	s20 =	simm.s32 $0x2;
	s21 =	simm.s32 $0x3;
	s5 =	smul.u32 $0x48, s10  }
0x7: {  	s22 =	simm.s32 $0x4;
	s24 =	simm.s32 $0x0;
	s7 =	smul.u32 $0x2780, s10  }
0x8: {  	[smem:$0x7FF] =	sst s3;
	s6 =	sand.u32 $0x1, s4;
	s26 =	smul.u32 $0x13C00, s10  }
0x9: {  	s4 =	sadd.s32 $0x16800, s0;
	s10 =	sshll.u32 s10, $0x6;
	p0 =	seq.s32 s6, $0x0  }
0xa: {  	s8 =	smul.u32 $0x13C000, s6;
	_ =	strace $0x80000050;
	s6 =	ssub.s32 $0x2, s6  }
0xb: {  	s5 =	sadd.s32 $0x560, s5;
	s28 =	sshrl.u32 s7, $0x3;
	s30 =	sshrl.u32 s6, $0x1  }
0xc: {  	s13 =	sadd.s32 s7, s2;
	s7 =	sor.u32 $0x1C05, s10;
	s5 =	smov.u32 @p0 s1  }
0xd: {  	s1 =	sadd.s32 s26, s8;
	s29 =	sadd.s32 s28, s0;
	s13 =	sshrl.u32 s13, $0x3  }
0xe: {  	s5 =	sshll.u32 s5, $0x4;
	s1 =	sshrl.u32 s1, $0x3;
	s31 =	sadd.s32 $0x1B800, s29  }
0xf: {  	s9 =	sadd.s32 s5, s0;
	s0 =	sadd.s32 s1, s0;
	s5 =	simm.s32 $0x56  }
0x10: {  	s1 =	ssub.s32 s6, s30;
	[dreg:$0x3] =	wrdreg s31;
	s5 =	simm.s32 @!p0 $0x48  }
0x11: {  	s8 =	sadd.s32 $0x2A00, s9;
	s9 =	sadd.s32 $0xC8E0, s9;
	s12 =	sshrl.u32 s5, $0x1  }
0x12: {  	s10 =	sadd.s32 $0x20800, s0;
	s11 =	smax.u32 s1, $0x1;
	s12 =	sadd.s32 $0xFFFFFFFF, s12  }
.LBB2_1:
0x13: {  	s0 =	rddreg [dreg:$0x3]  }
0x14: {  	[spmem:s13], [sflag:s7] =	dma.local [hbm:s0], $0x4F0  }
0x15: {  	_ =	swait.ge [sflag:s14], $0x4F0  }
0x16: {  	[sflag:s14] =	ssyncset.done $0x0  }
0x17: {  	[sflag:s14] =	ssyncadd.s32 $0xFFFFFB10  }
0x18: {  	[tilespmem:s3], [sflag:$0x5] =	stream.linear.gather [hbm4b:s8+s3], $0x2B00, $0x38;
	[tilespmem:$0x8D80] =	vst v63  }
0x19: {  	_ =	swait.ge [sflag:s14], $0x2B00  }
0x1a: {  	[sflag:s14] =	ssyncset.done $0x0  }
0x1b: {  	s25 =	simm.s32 $0x2B00;
	[sflag:s14] =	ssyncadd.s32 $0xFFFFD500  }
0x1c: {  	[tilespmem:s25], [sflag:$0x5] =	stream.linear.gather [hbm4b:s9+s3], $0x2B00, $0x38;
	[tilespmem:$0x8D80] =	vst v63  }
0x1d: {  	_ =	swait.ge [sflag:s14], $0x2B00  }
0x1e: {  	[sflag:s14] =	ssyncset.done $0x0  }
0x1f: {  	[sflag:s14] =	ssyncadd.s32 $0xFFFFD500  }
0x20: {  	[bflag:$0x0] =	sbarrier.arrive $0xFFFF  }
0x21: {  	[tilespmem:s17], [sflag:$0x1] =	stream.indirect.gather [hbm4b:s4+s16], $0x10, s3, s16, $0xb8;
	[tilespmem:$0x8D80] =	vst v63  }
0x22: {  	_ = 	snop  }
0x23: {  	[tilespmem:s18], [sflag:$0x2] =	stream.indirect.gather [hbm4b:s4+s16], $0x10, s16, s16, $0xb8;
	[tilespmem:$0x8D80] =	vst v63  }
0x24: {  	_ =	swait.ge [sflag:s19], $0x800  }
0x25: {  	[sflag:s19] =	ssyncset.done $0x0  }
0x26: {  	s26 =	simm.s32 $0x2B00;
	[sflag:s19] =	ssyncadd.s32 $0xFFFFF800  }
0x27: {  	[spmem:s2] =	stream.indirect.scatter.add.f32 [tilespmem:s17], [sflag:$0x3], $0x10, s26, s16, $0xb8;
	[tilespmem:$0x8D80] =	vst v63  }
0x28: {  	_ =	swait.ge [sflag:s20], $0x800  }
0x29: {  	p1 =	sle.u32 s5, $0x2;
	[sflag:s20] =	ssyncset.done $0x0  }
0x2a: {  	s28 =	simm.s32 $0x2B80;
	s0 =	simm.s32 @!p1 $0x3;
	[sflag:s20] =	ssyncadd.s32 $0xFFFFF800  }
0x2b: {  	[spmem:s2] =	stream.indirect.scatter.add.f32 [tilespmem:s18], [sflag:$0x4], $0x10, s28, s16, $0xb8;
	[tilespmem:$0x8D80] =	vst v63  }
0x2c: {  	_ =	swait.ge @!p1 [sflag:s0], $0x800  }
0x2d: {  	s29 =	sadd.s32 $0xFFFFFFFF, s12;
	s15 =	simm.s32 @!p1 $0x80;
	[sflag:s0] =	ssyncset.done @!p1 $0x0  }
0x2e: {  	s23 =	simm.s32 @!p1 $0x5600;
	s26 =	simm.s32 @!p1 $0x100;
	[sflag:s0] =	ssyncadd.s32 @!p1 $0xFFFFF800  }
0x2f: {  	[tilespmem:s23], [sflag:$0x1] =	stream.indirect.gather @!p1 [hbm4b:s4+s15], $0x10, s26, s15, $0xb8;
	[tilespmem:$0x8D80] =	vst v63  }
0x30: {  	p1 =	sne.s32 s29, $0x0  }
.Ltmp0:
0x31: {  	_ = 	snop;
	(pc) =	sbr.rel @!p1 .LBB2_3-.Ltmp0, $4  }
0x32: {  	p0 =	sle.u32 s5, $0x3;
	s31 =	simm.s32 $0x2C80  }
0x33: {  	s30 =	simm.s32 $0x180;
	s1 =	simm.s32 @!p0 $0x4;
	s25 =	simm.s32 $0x180  }
0x34: {  	s0 =	simm.s32 $0x180;
	s26 =	simm.s32 $0x5;
	_ =	swait.ge @!p0 [sflag:s1], $0x800  }
0x35: {  	s15 =	simm.s32 @!p0 $0x80;
	s23 =	simm.s32 @!p0 $0x5E00;
	[sflag:s1] =	ssyncset.done @!p0 $0x0  }
.LBB2_2:
0x36: {  	s30 =	smov.u32 s25;
	s28 =	smov.u32 s31  }
0x37: {  	s29 =	sadd.s32 $0xFFFFFFFF, s29;
	s25 =	sadd.s32 $0x100, s25;
	[sflag:s1] =	ssyncadd.s32 @!p0 $0xFFFFF800  }
0x38: {  	[tilespmem:s23], [sflag:$0x2] =	stream.indirect.gather @!p0 [hbm4b:s4+s15], $0x10, s0, s15, $0xb8;
	[tilespmem:$0x8D80] =	vst v63  }
0x39: {  	p1 =	sne.s32 s29, $0x0;
	s0 =	smov.u32 s25;
	_ =	swait.ge [sflag:s19], $0x800  }
0x3a: {  	s1 =	sadd.s32 $0xFFFFFF80, s31;
	[sflag:s19] =	ssyncset.done $0x0  }
0x3b: {  	[sflag:s19] =	ssyncadd.s32 $0xFFFFF800  }
0x3c: {  	[spmem:s2] =	stream.indirect.scatter.add.f32 [tilespmem:s17], [sflag:$0x3], $0x10, s1, s16, $0xb8;
	[tilespmem:$0x8D80] =	vst v63  }
0x3d: {  	s1 =	sadd.s32 $0xFFFFFFFF, s26;
	_ =	swait.ge [sflag:s20], $0x800  }
0x3e: {  	p2 =	sge.u32 s1, s5;
	[sflag:s20] =	ssyncset.done $0x0  }
0x3f: {  	p0 =	sge.u32 s26, s5;
	s1 =	simm.s32 @!p2 $0x3;
	[sflag:s20] =	ssyncadd.s32 $0xFFFFF800  }
0x40: {  	[spmem:s2] =	stream.indirect.scatter.add.f32 [tilespmem:s18], [sflag:$0x4], $0x10, s31, s16, $0xb8;
	[tilespmem:$0x8D80] =	vst v63  }
0x41: {  	s15 =	simm.s32 @!p2 $0x80;
	s23 =	simm.s32 @!p2 $0x5600;
	_ =	swait.ge @!p2 [sflag:s1], $0x800  }
.Ltmp1:
0x42: {  	s6 =	sadd.s32 @!p2 $0xFFFFFF80, s25;
	[sflag:s1] =	ssyncset.done @!p2 $0x0;
	(pc) =	sbr.rel @p1 .LBB2_2-.Ltmp1, $4  }
0x43: {  	[sflag:s1] =	ssyncadd.s32 @!p2 $0xFFFFF800;
	s1 =	simm.s32 @!p0 $0x4  }
0x44: {  	[tilespmem:s23], [sflag:$0x1] =	stream.indirect.gather @!p2 [hbm4b:s4+s15], $0x10, s6, s15, $0xb8;
	[tilespmem:$0x8D80] =	vst v63  }
0x45: {  	s26 =	sadd.s32 $0x2, s26;
	s31 =	sadd.s32 $0x100, s31;
	_ =	swait.ge @!p0 [sflag:s1], $0x800  }
0x46: {  	s15 =	simm.s32 @!p0 $0x80;
	s23 =	simm.s32 @!p0 $0x5E00;
	[sflag:s1] =	ssyncset.done @!p0 $0x0  }
.LBB2_3:
0x47: {  	[sflag:s1] =	ssyncadd.s32 @!p0 $0xFFFFF800  }
0x48: {  	[tilespmem:s23], [sflag:$0x2] =	stream.indirect.gather @!p0 [hbm4b:s4+s15], $0x10, s0, s15, $0xb8;
	[tilespmem:$0x8D80] =	vst v63  }
0x49: {  	_ =	swait.ge [sflag:s19], $0x800  }
0x4a: {  	[sflag:s19] =	ssyncset.done $0x0  }
0x4b: {  	s28 =	sadd.s32 $0x80, s28;
	[sflag:s19] =	ssyncadd.s32 $0xFFFFF800  }
0x4c: {  	[spmem:s2] =	stream.indirect.scatter.add.f32 [tilespmem:s17], [sflag:$0x3], $0x10, s28, s16, $0xb8;
	[tilespmem:$0x8D80] =	vst v63  }
0x4d: {  	s29 =	sadd.s32 $0xFFFFFFFF, s26;
	_ =	swait.ge [sflag:s20], $0x800  }
0x4e: {  	p0 =	sge.u32 s29, s5;
	[sflag:s20] =	ssyncset.done $0x0  }
0x4f: {  	s0 =	simm.s32 @!p0 $0x3;
	[sflag:s20] =	ssyncadd.s32 $0xFFFFF800  }
0x50: {  	[spmem:s2] =	stream.indirect.scatter.add.f32 [tilespmem:s18], [sflag:$0x4], $0x10, s31, s16, $0xb8;
	[tilespmem:$0x8D80] =	vst v63  }
0x51: {  	_ =	swait.ge @!p0 [sflag:s0], $0x800  }
0x52: {  	s1 =	simm.s32 @!p0 $0x80;
	[sflag:s0] =	ssyncset.done @!p0 $0x0  }
0x53: {  	s6 =	simm.s32 @!p0 $0x5600;
	[sflag:s0] =	ssyncadd.s32 @!p0 $0xFFFFF800;
	s0 =	sadd.s32 @!p0 $0x80, s30  }
0x54: {  	[tilespmem:s6], [sflag:$0x1] =	stream.indirect.gather @!p0 [hbm4b:s4+s1], $0x10, s0, s1, $0xb8;
	[tilespmem:$0x8D80] =	vst v63  }
0x55: {  	p0 =	sge.u32 s26, s5  }
0x56: {  	s0 =	simm.s32 @!p0 $0x4  }
0x57: {  	_ =	swait.ge @!p0 [sflag:s0], $0x800  }
0x58: {  	s1 =	sadd.s32 $0x100, s25;
	[sflag:s0] =	ssyncset.done @!p0 $0x0  }
0x59: {  	s6 =	simm.s32 @!p0 $0x5E00;
	[sflag:s0] =	ssyncadd.s32 @!p0 $0xFFFFF800;
	s0 =	simm.s32 @!p0 $0x80  }
0x5a: {  	[tilespmem:s6], [sflag:$0x2] =	stream.indirect.gather @!p0 [hbm4b:s4+s0], $0x10, s1, s0, $0xb8;
	[tilespmem:$0x8D80] =	vst v63  }
0x5b: {  	_ =	swait.ge [sflag:s21], $0x800  }
0x5c: {  	[sflag:s21] =	ssyncset.done $0x0  }
0x5d: {  	[sflag:s21] =	ssyncadd.s32 $0xFFFFF800  }
0x5e: {  	_ =	swait.ge [sflag:s22], $0x800  }
0x5f: {  	s24 =	sadd.s32 $0x1, s24;
	[sflag:s22] =	ssyncset.done $0x0  }
0x60: {  	p0 =	sne.s32 s24, s11;
	[sflag:s22] =	ssyncadd.s32 $0xFFFFF800  }
.Ltmp2:
0x61: {  	s31 =	simm.s32 $0x10;
	[bflag:$0x0] =	sbarrier.arrive $0xFFFF;
	(pc) =	sbr.rel @p0 .LBB2_1-.Ltmp2, $4  }
0x62: {  	[hbm:s10@s31], [sflag:s7] =	dma.strided [spmem:s13@s20], $0x4F0, s19, $0x2   }
0x63: {  	_ =	swait.ge [sflag:s14], $0x4F0  }
0x64: {  	[sflag:s14] =	ssyncset.done $0x0  }
0x65: {  	[sflag:s14] =	ssyncadd.s32 $0xFFFFFB10  }
0x66: {  	_ =	sfence.sel $0x180000  }
0x67: {  	[bflag:$0x0] =	sbarrier.arrive $0xFFFF  }
0x68: {  	_ =	strace $0x90000050  }
0x69: {  	s0 =	stileid.u32;
	[bflag:$0x2] =	sbarrier.arrive $0xFFFF  }
0x6a: {  	p0 =	sne.s32 s0, $0x0;
	s0 =	rddreg [dreg:$0x2]  }
0x6b: {  	s0 =	sadd.s32 @!p0 $0x100000, s0  }
0x6c: {  	[sflag:s0] =	ssyncadd.tile.s32 @!p0 $0x1;
	_ =	shalt  }
.Lfunc_end2:
_tile_overlayer_lowered:
.L_overlay_start_2:
0x6d: {  	(tag) =	ssettag $0x2  }
0x6e: {  	s0 =	rddreg [dreg:$0x0];
	s2 =	stileid.u32  }
0x6f: {  	s1 =	rddreg [dreg:$0x1];
	p0 =	sne.s32 s2, $0x0  }
0x70: {  	s3 =	rddreg [dreg:$0x2];
	[bflag:$0x3] =	sbarrier.arrive $0xFFFF;
	s2 =	simm.s32 @!p0 $0x1C05  }
0x71: {  	[timem:s3], [sflag:s2] =	dma.local @!p0 [hbm:s0], s1  }
0x72: {  	s0 =	simm.s32 @!p0 $0x5  }
0x73: {  	_ =	swait.ge @!p0 [sflag:s0], s1  }
0x74: {  	s1 =	ssub.s32 @!p0 $0x0, s1;
	[sflag:s0] =	ssyncset.done @!p0 $0x0  }
0x75: {  	[sflag:s0] =	ssyncadd.s32 @!p0 s1  }
0x76: {  	[bflag:$0x3] =	sbarrier.arrive $0xFFFF  }
0x77: {  	_ =	shalt  }

</sc_bundles>
